<compile_context>
chip_gen: v7x
topology: tpu7x:2x2x1
jax: 0.10.2.dev20260603
libtpu: 0.0.44.dev20260713+nightly
codegen_flags: <defaults>
</compile_context>

<pallas_src>
import functools

import jax
import jax.numpy as jnp
from jax import lax
from jax.experimental import pallas as pl
from jax.experimental.pallas import tpu as pltpu
from jax.experimental.pallas import tpu_sc as plsc

N = 10000
E = 320000
D_IN = 128
D_HID = 64
D_OUT = 16

NW = 32
CHUNK = 128
NCH = E // CHUNK
RPW = NCH // NW
NEXTRA = NCH - NW * RPW
BUFR = 3
NITER = RPW // BUFR
NROWS = 10240
ROWS_PER_TILE = NROWS // 16
DEG_W = 4

_mesh = plsc.VectorSubcoreMesh(core_axis_name="c", subcore_axis_name="s")
_sc_params = pltpu.CompilerParams(
    use_tc_tiling_on_sc=False, needs_layout_passes=False)


def _wid():
    return lax.axis_index("s") * 2 + lax.axis_index("c")



@functools.partial(
    pl.kernel,
    out_type=jax.ShapeDtypeStruct((2, NROWS, DEG_W), jnp.float32),
    mesh=_mesh,
    compiler_params=_sc_params,
    scratch_types=[
        pltpu.VMEM((RPW + 1, CHUNK), jnp.int32),
        pltpu.VMEM((CHUNK, DEG_W), jnp.float32),
        pltpu.VMEM_SHARED((NROWS, DEG_W), jnp.float32),
    ],
)
def _sc_degree(dst_hbm, ones_hbm, zeros_hbm, out_hbm, dst_v, ones_v, deg_sh):
    c = lax.axis_index("c")
    s = lax.axis_index("s")
    wid = _wid()
    pltpu.sync_copy(dst_hbm.at[pl.ds(wid * RPW, RPW)],
                    dst_v.at[pl.ds(0, RPW)])

    @pl.when(wid < NEXTRA)
    def _():
        pltpu.sync_copy(dst_hbm.at[pl.ds(NW * RPW + wid, 1)],
                        dst_v.at[pl.ds(RPW, 1)])

    pltpu.sync_copy(ones_hbm, ones_v)
    base = s * ROWS_PER_TILE
    pltpu.sync_copy(zeros_hbm, deg_sh.at[pl.ds(base, ROWS_PER_TILE)])
    plsc.subcore_barrier()

    def body(j, carry):
        pltpu.sync_copy(ones_v, deg_sh.at[dst_v.at[j]], add=True)
        return carry

    lax.fori_loop(0, RPW, body, 0)

    @pl.when(wid < NEXTRA)
    def _():
        pltpu.sync_copy(ones_v, deg_sh.at[dst_v.at[RPW]], add=True)

    plsc.subcore_barrier()
    pltpu.sync_copy(
        deg_sh.at[pl.ds(base, ROWS_PER_TILE)],
        out_hbm.at[c, pl.ds(base, ROWS_PER_TILE)],
    )



def _make_sc_agg(d):
    @functools.partial(
        pl.kernel,
        out_type=jax.ShapeDtypeStruct((2, NROWS, d), jnp.float32),
        mesh=_mesh,
        compiler_params=_sc_params,
        scratch_types=[
            pltpu.VMEM((RPW + 1, CHUNK), jnp.int32),
            pltpu.VMEM((RPW + 1, CHUNK), jnp.int32),
            pltpu.VMEM((2, BUFR * CHUNK, d), jnp.float32),
            pltpu.VMEM_SHARED((NROWS, d), jnp.float32),
            pltpu.SemaphoreType.DMA,
            pltpu.SemaphoreType.DMA,
        ],
    )
    def sc_agg(src_hbm, dst_hbm, y_hbm, zeros_hbm, out_hbm,
               src_v, dst_v, rows_v, agg_sh, g0, g1):
        c = lax.axis_index("c")
        s = lax.axis_index("s")
        wid = _wid()
        base = s * ROWS_PER_TILE
        gsem = (g0, g1)
        rb = wid * RPW
        pltpu.sync_copy(src_hbm.at[pl.ds(rb, RPW)], src_v.at[pl.ds(0, RPW)])
        pltpu.sync_copy(dst_hbm.at[pl.ds(rb, RPW)], dst_v.at[pl.ds(0, RPW)])

        @pl.when(wid < NEXTRA)
        def _():
            pltpu.sync_copy(src_hbm.at[pl.ds(NW * RPW + wid, 1)],
                            src_v.at[pl.ds(RPW, 1)])
            pltpu.sync_copy(dst_hbm.at[pl.ds(NW * RPW + wid, 1)],
                            dst_v.at[pl.ds(RPW, 1)])

        def gather(j, b):
            for k in range(BUFR):
                pltpu.async_copy(y_hbm.at[src_v.at[j * BUFR + k]],
                                 rows_v.at[b, pl.ds(k * CHUNK, CHUNK)],
                                 gsem[b])

        def scatter(j, b):
            for k in range(BUFR):
                pltpu.sync_copy(rows_v.at[b, pl.ds(k * CHUNK, CHUNK)],
                                agg_sh.at[dst_v.at[j * BUFR + k]],
                                add=True)

        gather(0, 0)
        pltpu.sync_copy(zeros_hbm, agg_sh.at[pl.ds(base, ROWS_PER_TILE)])
        plsc.subcore_barrier()

        def body(g2, carry):
            for b in range(2):
                j = g2 * 2 + b
                nb = 1 - b

                @pl.when(j + 1 < NITER)
                def _():
                    gather(j + 1, nb)

                pltpu.make_async_copy(
                    y_hbm.at[pl.ds(0, BUFR * CHUNK)], rows_v.at[b],
                    gsem[b]).wait()
                scatter(j, b)
            return carry

        lax.fori_loop(0, NITER // 2, body, 0)

        @pl.when(wid < NEXTRA)
        def _():
            pltpu.sync_copy(y_hbm.at[src_v.at[RPW]],
                            rows_v.at[0, pl.ds(0, CHUNK)])
            pltpu.sync_copy(rows_v.at[0, pl.ds(0, CHUNK)],
                            agg_sh.at[dst_v.at[RPW]], add=True)

        plsc.subcore_barrier()
        pltpu.sync_copy(
            agg_sh.at[pl.ds(base, ROWS_PER_TILE)],
            out_hbm.at[c, pl.ds(base, ROWS_PER_TILE)],
        )

    return sc_agg


_sc_agg64 = _make_sc_agg(D_HID)
_sc_agg16 = _make_sc_agg(D_OUT)




def _dis_from(degp_ref):
    deg = degp_ref[0] + degp_ref[1] + 2.0
    return lax.rsqrt(deg)[:N, 0:1]


def _psum10k(aggp_ref):
    return aggp_ref[0, :N] + aggp_ref[1, :N]


def _tc1_body(x_ref, w1_ref, degp_ref, y1_ref):
    dis = _dis_from(degp_ref)
    xw = jnp.dot(x_ref[...], w1_ref[...], preferred_element_type=jnp.float32)
    y1_ref[...] = xw * dis


def _tc2_body(aggp_ref, y1_ref, degp_ref, w2_ref, b1_ref, y2_ref):
    dis = _dis_from(degp_ref)
    pre = (_psum10k(aggp_ref) + 2.0 * y1_ref[...]) * dis + b1_ref[...]
    h = jnp.maximum(pre, 0.0)
    y2_ref[...] = jnp.dot(h, w2_ref[...], preferred_element_type=jnp.float32) * dis


def _tc3_body(aggp_ref, y2_ref, degp_ref, b2_ref, out_ref):
    dis = _dis_from(degp_ref)
    o = (_psum10k(aggp_ref) + 2.0 * y2_ref[...]) * dis + b2_ref[...]
    m = jnp.max(o, axis=1, keepdims=True)
    e = jnp.exp(o - m)
    lse = jnp.log(jnp.sum(e, axis=1, keepdims=True))
    out_ref[...] = o - m - lse


_tc1 = pl.pallas_call(
    _tc1_body,
    out_shape=jax.ShapeDtypeStruct((N, D_HID), jnp.float32),
)

_tc2 = pl.pallas_call(
    _tc2_body,
    out_shape=jax.ShapeDtypeStruct((N, D_OUT), jnp.float32),
)

_tc3 = pl.pallas_call(
    _tc3_body,
    out_shape=jax.ShapeDtypeStruct((N, D_OUT), jnp.float32),
)


def kernel(x, edge_index, W1, b1, W2, b2):
    ei = edge_index.astype(jnp.int32)
    src2d = ei[0].reshape(NCH, CHUNK)
    dst2d = ei[1].reshape(NCH, CHUNK)

    ones_deg = jnp.ones((CHUNK, DEG_W), jnp.float32)
    zeros_deg = jnp.zeros((ROWS_PER_TILE, DEG_W), jnp.float32)
    zeros64 = jnp.zeros((ROWS_PER_TILE, D_HID), jnp.float32)
    zeros16 = jnp.zeros((ROWS_PER_TILE, D_OUT), jnp.float32)

    degp = _sc_degree(dst2d, ones_deg, zeros_deg)
    y1 = _tc1(x, W1, degp)
    agg1 = _sc_agg64(src2d, dst2d, y1, zeros64)
    y2 = _tc2(agg1, y1, degp, W2, b1.reshape(1, D_HID))
    agg2 = _sc_agg16(src2d, dst2d, y2, zeros16)
    return _tc3(agg2, y2, degp, b2.reshape(1, D_OUT))

# --- scband reference (transcript-rebuilt; emitter-appended) ---
"""Pipeline reference for scband-gcnnet-3015067042303 (READ-ONLY COPY).

The authoritative reference and input builder live on the scoring server;
editing this copy changes nothing except your own understanding.
"""

import jax, jax.numpy as jnp
import numpy as np

N_NODES = 10000
N_EDGES = 320000
D_IN = 128
D_HID = 64
D_OUT = 16


def setup_inputs(seed: int = 0) -> dict:
    key = jax.random.key(seed)
    k1, k2, k3, k4, k5, k6 = jax.random.split(key, 6)
    x = jax.random.normal(k1, (N_NODES, D_IN), dtype=jnp.float32)
    edge_index = jax.random.randint(k2, (2, N_EDGES), 0, N_NODES, dtype=jnp.int64)
    # GCNConv weights (glorot-like init)
    W1 = jax.random.normal(k3, (D_IN, D_HID), dtype=jnp.float32) * (1.0 / np.sqrt(D_IN))
    b1 = jnp.zeros((D_HID,), dtype=jnp.float32)
    W2 = jax.random.normal(k4, (D_HID, D_OUT), dtype=jnp.float32) * (1.0 / np.sqrt(D_HID))
    b2 = jnp.zeros((D_OUT,), dtype=jnp.float32)
    return {"x": x, "edge_index": edge_index, "W1": W1, "b1": b1, "W2": W2, "b2": b2}


def _gcn_layer(x, edge_index, W, b):
    # Faithful to PyG GCNConv(improved=True, add_self_loops=True, normalize=True)
    n = x.shape[0]
    xw = x @ W
    src = edge_index[0]
    dst = edge_index[1]
    loop = jnp.arange(n, dtype=edge_index.dtype)
    src2 = jnp.concatenate([src, loop])
    dst2 = jnp.concatenate([dst, loop])
    # improved=True -> self-loop edge weight 2.0, regular edges 1.0
    ew2 = jnp.concatenate([
        jnp.ones((src.shape[0],), dtype=jnp.float32),
        jnp.full((n,), 2.0, dtype=jnp.float32),
    ])
    deg = jax.ops.segment_sum(ew2, dst2, num_segments=n)
    deg_inv_sqrt = jnp.where(deg > 0, 1.0 / jnp.sqrt(deg), 0.0)
    norm = deg_inv_sqrt[src2] * deg_inv_sqrt[dst2] * ew2
    msg = xw[src2] * norm[:, None]
    out = jax.ops.segment_sum(msg, dst2, num_segments=n)
    return out + b


def reference(x, edge_index, W1, b1, W2, b2):
    # forward(data, init_embedding=None) path: conv1 -> relu -> dropout(eval: identity) -> conv2 -> log_softmax
    h = _gcn_layer(x, edge_index, W1, b1)
    h = jax.nn.relu(h)
    # dropout p=0.5 is identity in eval / deterministic reference
    out = _gcn_layer(h, edge_index, W2, b2)
    return jax.nn.log_softmax(out, axis=1)

if __name__ == "__main__":
    import jax
    _d = setup_inputs()
    print(jax.jit(kernel)(*tuple(_d.values())))

</pallas_src>

<mosaic_0001>
#map = affine_map<(d0, d1) -> (0, 0)>
#map1 = affine_map<(d0, d1) -> (0, 0, 0)>
module attributes {stable_mosaic.version = 14 : i64} {
  func.func @sc_agg(%arg0: i32, %arg1: i32, %arg2: memref<2500x128xi32, #tpu.memory_space<hbm>>, %arg3: memref<2500x128xi32, #tpu.memory_space<hbm>>, %arg4: memref<10000x16xf32, #tpu.memory_space<hbm>>, %arg5: memref<640x16xf32, #tpu.memory_space<hbm>>, %arg6: memref<2x10240x16xf32, #tpu.memory_space<hbm>>, %arg7: memref<79x128xi32, #tpu.memory_space<vmem>>, %arg8: memref<79x128xi32, #tpu.memory_space<vmem>>, %arg9: memref<2x384x16xf32, #tpu.memory_space<vmem>>, %arg10: memref<10240x16xf32, #tpu.memory_space<vmem_shared>>, %arg11: memref<!tpu.dma_semaphore, #tpu.memory_space<semaphore_mem>>, %arg12: memref<!tpu.dma_semaphore, #tpu.memory_space<semaphore_mem>>) attributes {dimension_semantics = [#tpu.dimension_semantics<core_parallel>, #tpu.dimension_semantics<subcore_parallel>], iteration_bounds = array<i64: 2, 16>, scalar_prefetch = 0 : i64, scratch_operands = 6 : i64, tpu.core_type = #tpu.core_type<sc_vector_subcore>, window_params = [{transform_indices = #map}, {transform_indices = #map}, {transform_indices = #map}, {transform_indices = #map}, {transform_indices = #map1}]} {
    %mul3A = arith.constant 2 : i32
    %mul3A_0 = arith.muli %arg1, %mul3A : i32
    %add3A = arith.addi %mul3A_0, %arg0 : i32
    %mul3A_1 = arith.constant 640 : i32
    %mul3A_2 = arith.muli %arg1, %mul3A_1 : i32
    %mul3A_3 = arith.constant 78 : i32
    %mul3A_4 = arith.muli %add3A, %mul3A_3 : i32
    "tpu.region"() ({
      %run_scoped3A = tpu.sem_alloc : memref<!tpu.dma_semaphore, #tpu.memory_space<semaphore_mem>>
      %dma_start3A_53 = arith.constant 0 : i32
      %dma_start3A_54 = arith.constant 0 : i32
      %dma_start3A_55 = tpu.memref_slice %arg7[%dma_start3A_53, %dma_start3A_54] : memref<79x128xi32, #tpu.memory_space<vmem>> -> memref<78x128xi32, #tpu.memory_space<vmem>>
      %dma_start3A_56 = arith.constant 0 : i32
      %dma_start3A_57 = tpu.memref_slice %arg2[%mul3A_4, %dma_start3A_56] : memref<2500x128xi32, #tpu.memory_space<hbm>> -> memref<78x128xi32, #tpu.memory_space<hbm>>
      %dma_start3A_58 = arith.constant 0 : i32
      %dma_start3A_59 = arith.constant 0 : i32
      %dma_start3A_60 = tpu.memref_slice %arg7[%dma_start3A_58, %dma_start3A_59] : memref<79x128xi32, #tpu.memory_space<vmem>> -> memref<78x128xi32, #tpu.memory_space<vmem>>
      %dma_start3A_61 = arith.constant 0 : i32
      %dma_start3A_62 = tpu.memref_slice %arg2[%mul3A_4, %dma_start3A_61] : memref<2500x128xi32, #tpu.memory_space<hbm>> -> memref<78x128xi32, #tpu.memory_space<hbm>>
      tpu.enqueue_dma source(%dma_start3A_62 : memref<78x128xi32, #tpu.memory_space<hbm>>) target(%dma_start3A_60 : memref<78x128xi32, #tpu.memory_space<vmem>>) target_semaphore(%run_scoped3A : memref<!tpu.dma_semaphore, #tpu.memory_space<semaphore_mem>>)
      %dma_wait3A = arith.constant 0 : i32
      %dma_wait3A_63 = arith.constant 0 : i32
      %dma_wait3A_64 = tpu.memref_slice %arg7[%dma_wait3A, %dma_wait3A_63] : memref<79x128xi32, #tpu.memory_space<vmem>> -> memref<78x128xi32, #tpu.memory_space<vmem>>
      %dma_wait3A_65 = arith.constant 0 : i32
      %dma_wait3A_66 = tpu.memref_slice %arg2[%mul3A_4, %dma_wait3A_65] : memref<2500x128xi32, #tpu.memory_space<hbm>> -> memref<78x128xi32, #tpu.memory_space<hbm>>
      %dma_wait3A_67 = arith.constant 0 : i32
      %dma_wait3A_68 = arith.constant 0 : i32
      %dma_wait3A_69 = tpu.memref_slice %arg7[%dma_wait3A_67, %dma_wait3A_68] : memref<79x128xi32, #tpu.memory_space<vmem>> -> memref<78x128xi32, #tpu.memory_space<vmem>>
      %dma_wait3A_70 = arith.constant 0 : i32
      %dma_wait3A_71 = tpu.memref_slice %arg2[%mul3A_4, %dma_wait3A_70] : memref<2500x128xi32, #tpu.memory_space<hbm>> -> memref<78x128xi32, #tpu.memory_space<hbm>>
      tpu.wait_dma2 semaphore(%run_scoped3A : memref<!tpu.dma_semaphore, #tpu.memory_space<semaphore_mem>>) src(%dma_wait3A_71 : memref<78x128xi32, #tpu.memory_space<hbm>>) dst(%dma_wait3A_69 : memref<78x128xi32, #tpu.memory_space<vmem>>)
      tpu.yield
    }) : () -> ()
    "tpu.region"() ({
      %run_scoped3A = tpu.sem_alloc : memref<!tpu.dma_semaphore, #tpu.memory_space<semaphore_mem>>
      %dma_start3A_53 = arith.constant 0 : i32
      %dma_start3A_54 = arith.constant 0 : i32
      %dma_start3A_55 = tpu.memref_slice %arg8[%dma_start3A_53, %dma_start3A_54] : memref<79x128xi32, #tpu.memory_space<vmem>> -> memref<78x128xi32, #tpu.memory_space<vmem>>
      %dma_start3A_56 = arith.constant 0 : i32
      %dma_start3A_57 = tpu.memref_slice %arg3[%mul3A_4, %dma_start3A_56] : memref<2500x128xi32, #tpu.memory_space<hbm>> -> memref<78x128xi32, #tpu.memory_space<hbm>>
      %dma_start3A_58 = arith.constant 0 : i32
      %dma_start3A_59 = arith.constant 0 : i32
      %dma_start3A_60 = tpu.memref_slice %arg8[%dma_start3A_58, %dma_start3A_59] : memref<79x128xi32, #tpu.memory_space<vmem>> -> memref<78x128xi32, #tpu.memory_space<vmem>>
      %dma_start3A_61 = arith.constant 0 : i32
      %dma_start3A_62 = tpu.memref_slice %arg3[%mul3A_4, %dma_start3A_61] : memref<2500x128xi32, #tpu.memory_space<hbm>> -> memref<78x128xi32, #tpu.memory_space<hbm>>
      tpu.enqueue_dma source(%dma_start3A_62 : memref<78x128xi32, #tpu.memory_space<hbm>>) target(%dma_start3A_60 : memref<78x128xi32, #tpu.memory_space<vmem>>) target_semaphore(%run_scoped3A : memref<!tpu.dma_semaphore, #tpu.memory_space<semaphore_mem>>)
      %dma_wait3A = arith.constant 0 : i32
      %dma_wait3A_63 = arith.constant 0 : i32
      %dma_wait3A_64 = tpu.memref_slice %arg8[%dma_wait3A, %dma_wait3A_63] : memref<79x128xi32, #tpu.memory_space<vmem>> -> memref<78x128xi32, #tpu.memory_space<vmem>>
      %dma_wait3A_65 = arith.constant 0 : i32
      %dma_wait3A_66 = tpu.memref_slice %arg3[%mul3A_4, %dma_wait3A_65] : memref<2500x128xi32, #tpu.memory_space<hbm>> -> memref<78x128xi32, #tpu.memory_space<hbm>>
      %dma_wait3A_67 = arith.constant 0 : i32
      %dma_wait3A_68 = arith.constant 0 : i32
      %dma_wait3A_69 = tpu.memref_slice %arg8[%dma_wait3A_67, %dma_wait3A_68] : memref<79x128xi32, #tpu.memory_space<vmem>> -> memref<78x128xi32, #tpu.memory_space<vmem>>
      %dma_wait3A_70 = arith.constant 0 : i32
      %dma_wait3A_71 = tpu.memref_slice %arg3[%mul3A_4, %dma_wait3A_70] : memref<2500x128xi32, #tpu.memory_space<hbm>> -> memref<78x128xi32, #tpu.memory_space<hbm>>
      tpu.wait_dma2 semaphore(%run_scoped3A : memref<!tpu.dma_semaphore, #tpu.memory_space<semaphore_mem>>) src(%dma_wait3A_71 : memref<78x128xi32, #tpu.memory_space<hbm>>) dst(%dma_wait3A_69 : memref<78x128xi32, #tpu.memory_space<vmem>>)
      tpu.yield
    }) : () -> ()
    %lt3A = arith.constant 4 : i32
    %lt3A_5 = arith.cmpi slt, %add3A, %lt3A : i32
    %convert_element_type3A = arith.extui %lt3A_5 : i1 to i32
    %cond3A = arith.constant 0 : i32
    %cond3A_6 = arith.cmpi ne, %convert_element_type3A, %cond3A : i32
    scf.if %cond3A_6 {
      %add3A_53 = arith.constant 2496 : i32
      %add3A_54 = arith.addi %add3A_53, %add3A : i32
      "tpu.region"() ({
        %run_scoped3A = tpu.sem_alloc : memref<!tpu.dma_semaphore, #tpu.memory_space<semaphore_mem>>
        %dma_start3A_57 = arith.constant 78 : i32
        %dma_start3A_58 = arith.constant 0 : i32
        %dma_start3A_59 = tpu.memref_slice %arg7[%dma_start3A_57, %dma_start3A_58] : memref<79x128xi32, #tpu.memory_space<vmem>> -> memref<1x128xi32, #tpu.memory_space<vmem>>
        %dma_start3A_60 = arith.constant 0 : i32
        %dma_start3A_61 = tpu.memref_slice %arg2[%add3A_54, %dma_start3A_60] : memref<2500x128xi32, #tpu.memory_space<hbm>> -> memref<1x128xi32, #tpu.memory_space<hbm>>
        %dma_start3A_62 = arith.constant 78 : i32
        %dma_start3A_63 = arith.constant 0 : i32
        %dma_start3A_64 = tpu.memref_slice %arg7[%dma_start3A_62, %dma_start3A_63] : memref<79x128xi32, #tpu.memory_space<vmem>> -> memref<1x128xi32, #tpu.memory_space<vmem>>
        %dma_start3A_65 = arith.constant 0 : i32
        %dma_start3A_66 = tpu.memref_slice %arg2[%add3A_54, %dma_start3A_65] : memref<2500x128xi32, #tpu.memory_space<hbm>> -> memref<1x128xi32, #tpu.memory_space<hbm>>
        tpu.enqueue_dma source(%dma_start3A_66 : memref<1x128xi32, #tpu.memory_space<hbm>>) target(%dma_start3A_64 : memref<1x128xi32, #tpu.memory_space<vmem>>) target_semaphore(%run_scoped3A : memref<!tpu.dma_semaphore, #tpu.memory_space<semaphore_mem>>)
        %dma_wait3A = arith.constant 78 : i32
        %dma_wait3A_67 = arith.constant 0 : i32
        %dma_wait3A_68 = tpu.memref_slice %arg7[%dma_wait3A, %dma_wait3A_67] : memref<79x128xi32, #tpu.memory_space<vmem>> -> memref<1x128xi32, #tpu.memory_space<vmem>>
        %dma_wait3A_69 = arith.constant 0 : i32
        %dma_wait3A_70 = tpu.memref_slice %arg2[%add3A_54, %dma_wait3A_69] : memref<2500x128xi32, #tpu.memory_space<hbm>> -> memref<1x128xi32, #tpu.memory_space<hbm>>
        %dma_wait3A_71 = arith.constant 78 : i32
        %dma_wait3A_72 = arith.constant 0 : i32
        %dma_wait3A_73 = tpu.memref_slice %arg7[%dma_wait3A_71, %dma_wait3A_72] : memref<79x128xi32, #tpu.memory_space<vmem>> -> memref<1x128xi32, #tpu.memory_space<vmem>>
        %dma_wait3A_74 = arith.constant 0 : i32
        %dma_wait3A_75 = tpu.memref_slice %arg2[%add3A_54, %dma_wait3A_74] : memref<2500x128xi32, #tpu.memory_space<hbm>> -> memref<1x128xi32, #tpu.memory_space<hbm>>
        tpu.wait_dma2 semaphore(%run_scoped3A : memref<!tpu.dma_semaphore, #tpu.memory_space<semaphore_mem>>) src(%dma_wait3A_75 : memref<1x128xi32, #tpu.memory_space<hbm>>) dst(%dma_wait3A_73 : memref<1x128xi32, #tpu.memory_space<vmem>>)
        tpu.yield
      }) : () -> ()
      %add3A_55 = arith.constant 2496 : i32
      %add3A_56 = arith.addi %add3A_55, %add3A : i32
      "tpu.region"() ({
        %run_scoped3A = tpu.sem_alloc : memref<!tpu.dma_semaphore, #tpu.memory_space<semaphore_mem>>
        %dma_start3A_57 = arith.constant 78 : i32
        %dma_start3A_58 = arith.constant 0 : i32
        %dma_start3A_59 = tpu.memref_slice %arg8[%dma_start3A_57, %dma_start3A_58] : memref<79x128xi32, #tpu.memory_space<vmem>> -> memref<1x128xi32, #tpu.memory_space<vmem>>
        %dma_start3A_60 = arith.constant 0 : i32
        %dma_start3A_61 = tpu.memref_slice %arg3[%add3A_56, %dma_start3A_60] : memref<2500x128xi32, #tpu.memory_space<hbm>> -> memref<1x128xi32, #tpu.memory_space<hbm>>
        %dma_start3A_62 = arith.constant 78 : i32
        %dma_start3A_63 = arith.constant 0 : i32
        %dma_start3A_64 = tpu.memref_slice %arg8[%dma_start3A_62, %dma_start3A_63] : memref<79x128xi32, #tpu.memory_space<vmem>> -> memref<1x128xi32, #tpu.memory_space<vmem>>
        %dma_start3A_65 = arith.constant 0 : i32
        %dma_start3A_66 = tpu.memref_slice %arg3[%add3A_56, %dma_start3A_65] : memref<2500x128xi32, #tpu.memory_space<hbm>> -> memref<1x128xi32, #tpu.memory_space<hbm>>
        tpu.enqueue_dma source(%dma_start3A_66 : memref<1x128xi32, #tpu.memory_space<hbm>>) target(%dma_start3A_64 : memref<1x128xi32, #tpu.memory_space<vmem>>) target_semaphore(%run_scoped3A : memref<!tpu.dma_semaphore, #tpu.memory_space<semaphore_mem>>)
        %dma_wait3A = arith.constant 78 : i32
        %dma_wait3A_67 = arith.constant 0 : i32
        %dma_wait3A_68 = tpu.memref_slice %arg8[%dma_wait3A, %dma_wait3A_67] : memref<79x128xi32, #tpu.memory_space<vmem>> -> memref<1x128xi32, #tpu.memory_space<vmem>>
        %dma_wait3A_69 = arith.constant 0 : i32
        %dma_wait3A_70 = tpu.memref_slice %arg3[%add3A_56, %dma_wait3A_69] : memref<2500x128xi32, #tpu.memory_space<hbm>> -> memref<1x128xi32, #tpu.memory_space<hbm>>
        %dma_wait3A_71 = arith.constant 78 : i32
        %dma_wait3A_72 = arith.constant 0 : i32
        %dma_wait3A_73 = tpu.memref_slice %arg8[%dma_wait3A_71, %dma_wait3A_72] : memref<79x128xi32, #tpu.memory_space<vmem>> -> memref<1x128xi32, #tpu.memory_space<vmem>>
        %dma_wait3A_74 = arith.constant 0 : i32
        %dma_wait3A_75 = tpu.memref_slice %arg3[%add3A_56, %dma_wait3A_74] : memref<2500x128xi32, #tpu.memory_space<hbm>> -> memref<1x128xi32, #tpu.memory_space<hbm>>
        tpu.wait_dma2 semaphore(%run_scoped3A : memref<!tpu.dma_semaphore, #tpu.memory_space<semaphore_mem>>) src(%dma_wait3A_75 : memref<1x128xi32, #tpu.memory_space<hbm>>) dst(%dma_wait3A_73 : memref<1x128xi32, #tpu.memory_space<vmem>>)
        tpu.yield
      }) : () -> ()
    } else {
    }
    %dma_start3A = arith.constant 0 : i32
    %dma_start3A_7 = arith.constant 0 : i32
    %dma_start3A_8 = arith.constant 0 : i32
    %dma_start3A_9 = arith.constant 0 : i32
    %dma_start3A_10 = tpu.memref_slice %arg9[%dma_start3A_7, %dma_start3A_8, %dma_start3A_9] : memref<2x384x16xf32, #tpu.memory_space<vmem>> -> memref<1x128x16xf32, #tpu.memory_space<vmem>>
    %dma_start3A_11 = tpu.memref_squeeze %dma_start3A_10 : memref<1x128x16xf32, #tpu.memory_space<vmem>> -> memref<128x16xf32, #tpu.memory_space<vmem>>
    %dma_start3A_12 = arith.constant 0 : i32
    %dma_start3A_13 = tpu.memref_slice %arg7[%dma_start3A, %dma_start3A_12] : memref<79x128xi32, #tpu.memory_space<vmem>> -> memref<1x128xi32, #tpu.memory_space<vmem>>
    %dma_start3A_14 = tpu.memref_squeeze %dma_start3A_13 : memref<1x128xi32, #tpu.memory_space<vmem>> -> memref<128xi32, #tpu.memory_space<vmem>>
    %dma_start3A_15 = arith.constant 0 : i32
    %dma_start3A_16 = arith.constant 0 : i32
    %dma_start3A_17 = tpu.memref_slice %arg4[%dma_start3A_15, %dma_start3A_16] : memref<10000x16xf32, #tpu.memory_space<hbm>> -> memref<10000x16xf32, #tpu.memory_space<hbm>>
    tpu.enqueue_indirect_dma source(%dma_start3A_17 : memref<10000x16xf32, #tpu.memory_space<hbm>>) target(%dma_start3A_11 : memref<128x16xf32, #tpu.memory_space<vmem>>) offsets(%dma_start3A_14 : memref<128xi32, #tpu.memory_space<vmem>>) semaphore(%arg11 : memref<!tpu.dma_semaphore, #tpu.memory_space<semaphore_mem>>)
    %dma_start3A_18 = arith.constant 1 : i32
    %dma_start3A_19 = arith.constant 0 : i32
    %dma_start3A_20 = arith.constant 128 : i32
    %dma_start3A_21 = arith.constant 0 : i32
    %dma_start3A_22 = tpu.memref_slice %arg9[%dma_start3A_19, %dma_start3A_20, %dma_start3A_21] : memref<2x384x16xf32, #tpu.memory_space<vmem>> -> memref<1x128x16xf32, #tpu.memory_space<vmem>>
    %dma_start3A_23 = tpu.memref_squeeze %dma_start3A_22 : memref<1x128x16xf32, #tpu.memory_space<vmem>> -> memref<128x16xf32, #tpu.memory_space<vmem>>
    %dma_start3A_24 = arith.constant 0 : i32
    %dma_start3A_25 = tpu.memref_slice %arg7[%dma_start3A_18, %dma_start3A_24] : memref<79x128xi32, #tpu.memory_space<vmem>> -> memref<1x128xi32, #tpu.memory_space<vmem>>
    %dma_start3A_26 = tpu.memref_squeeze %dma_start3A_25 : memref<1x128xi32, #tpu.memory_space<vmem>> -> memref<128xi32, #tpu.memory_space<vmem>>
    %dma_start3A_27 = arith.constant 0 : i32
    %dma_start3A_28 = arith.constant 0 : i32
    %dma_start3A_29 = tpu.memref_slice %arg4[%dma_start3A_27, %dma_start3A_28] : memref<10000x16xf32, #tpu.memory_space<hbm>> -> memref<10000x16xf32, #tpu.memory_space<hbm>>
    tpu.enqueue_indirect_dma source(%dma_start3A_29 : memref<10000x16xf32, #tpu.memory_space<hbm>>) target(%dma_start3A_23 : memref<128x16xf32, #tpu.memory_space<vmem>>) offsets(%dma_start3A_26 : memref<128xi32, #tpu.memory_space<vmem>>) semaphore(%arg11 : memref<!tpu.dma_semaphore, #tpu.memory_space<semaphore_mem>>)
    %dma_start3A_30 = arith.constant 2 : i32
    %dma_start3A_31 = arith.constant 0 : i32
    %dma_start3A_32 = arith.constant 256 : i32
    %dma_start3A_33 = arith.constant 0 : i32
    %dma_start3A_34 = tpu.memref_slice %arg9[%dma_start3A_31, %dma_start3A_32, %dma_start3A_33] : memref<2x384x16xf32, #tpu.memory_space<vmem>> -> memref<1x128x16xf32, #tpu.memory_space<vmem>>
    %dma_start3A_35 = tpu.memref_squeeze %dma_start3A_34 : memref<1x128x16xf32, #tpu.memory_space<vmem>> -> memref<128x16xf32, #tpu.memory_space<vmem>>
    %dma_start3A_36 = arith.constant 0 : i32
    %dma_start3A_37 = tpu.memref_slice %arg7[%dma_start3A_30, %dma_start3A_36] : memref<79x128xi32, #tpu.memory_space<vmem>> -> memref<1x128xi32, #tpu.memory_space<vmem>>
    %dma_start3A_38 = tpu.memref_squeeze %dma_start3A_37 : memref<1x128xi32, #tpu.memory_space<vmem>> -> memref<128xi32, #tpu.memory_space<vmem>>
    %dma_start3A_39 = arith.constant 0 : i32
    %dma_start3A_40 = arith.constant 0 : i32
    %dma_start3A_41 = tpu.memref_slice %arg4[%dma_start3A_39, %dma_start3A_40] : memref<10000x16xf32, #tpu.memory_space<hbm>> -> memref<10000x16xf32, #tpu.memory_space<hbm>>
    tpu.enqueue_indirect_dma source(%dma_start3A_41 : memref<10000x16xf32, #tpu.memory_space<hbm>>) target(%dma_start3A_35 : memref<128x16xf32, #tpu.memory_space<vmem>>) offsets(%dma_start3A_38 : memref<128xi32, #tpu.memory_space<vmem>>) semaphore(%arg11 : memref<!tpu.dma_semaphore, #tpu.memory_space<semaphore_mem>>)
    "tpu.region"() ({
      %run_scoped3A = tpu.sem_alloc : memref<!tpu.dma_semaphore, #tpu.memory_space<semaphore_mem>>
      %dma_start3A_53 = arith.constant 0 : i32
      %dma_start3A_54 = tpu.memref_slice %arg10[%mul3A_2, %dma_start3A_53] : memref<10240x16xf32, #tpu.memory_space<vmem_shared>> -> memref<640x16xf32, #tpu.memory_space<vmem_shared>>
      tpu.enqueue_dma source(%arg5 : memref<640x16xf32, #tpu.memory_space<hbm>>) target(%dma_start3A_54 : memref<640x16xf32, #tpu.memory_space<vmem_shared>>) target_semaphore(%run_scoped3A : memref<!tpu.dma_semaphore, #tpu.memory_space<semaphore_mem>>)
      %dma_wait3A = arith.constant 0 : i32
      %dma_wait3A_55 = tpu.memref_slice %arg10[%mul3A_2, %dma_wait3A] : memref<10240x16xf32, #tpu.memory_space<vmem_shared>> -> memref<640x16xf32, #tpu.memory_space<vmem_shared>>
      tpu.wait_dma2 semaphore(%run_scoped3A : memref<!tpu.dma_semaphore, #tpu.memory_space<semaphore_mem>>) src(%arg5 : memref<640x16xf32, #tpu.memory_space<hbm>>) dst(%dma_wait3A_55 : memref<640x16xf32, #tpu.memory_space<vmem_shared>>)
      tpu.yield
    }) : () -> ()
    %barrier3A = arith.constant 0 : index
    tpu.barrier barrier_id(%barrier3A)
    %scan3A = arith.constant 0 : i32
    %scan3A_42 = arith.constant 0 : i32
    %scan3A_43 = arith.constant 13 : i32
    %scan3A_44 = arith.addi %scan3A_42, %scan3A_43 : i32
    %scan3A_45 = arith.constant 1 : i32
    scf.for %scan3A_53 = %scan3A_42 to %scan3A_44 step %scan3A_45  : i32 {
      %mul3A_54 = arith.constant 2 : i32
      %mul3A_55 = arith.muli %scan3A_53, %mul3A_54 : i32
      %add3A_56 = arith.constant 0 : i32
      %add3A_57 = arith.addi %mul3A_55, %add3A_56 : i32
      %add3A_58 = arith.constant 1 : i32
      %add3A_59 = arith.addi %add3A_57, %add3A_58 : i32
      %lt3A_60 = arith.constant 26 : i32
      %lt3A_61 = arith.cmpi slt, %add3A_59, %lt3A_60 : i32
      %convert_element_type3A_62 = arith.extui %lt3A_61 : i1 to i32
      %cond3A_63 = arith.constant 0 : i32
      %cond3A_64 = arith.cmpi ne, %convert_element_type3A_62, %cond3A_63 : i32
      scf.if %cond3A_64 {
        %add3A_134 = arith.constant 1 : i32
        %add3A_135 = arith.addi %add3A_57, %add3A_134 : i32
        %mul3A_136 = arith.constant 3 : i32
        %mul3A_137 = arith.muli %add3A_135, %mul3A_136 : i32
        %add3A_138 = arith.constant 0 : i32
        %add3A_139 = arith.addi %mul3A_137, %add3A_138 : i32
        %dma_start3A_140 = arith.constant 1 : i32
        %dma_start3A_141 = arith.constant 0 : i32
        %dma_start3A_142 = arith.constant 0 : i32
        %dma_start3A_143 = tpu.memref_slice %arg9[%dma_start3A_140, %dma_start3A_141, %dma_start3A_142] : memref<2x384x16xf32, #tpu.memory_space<vmem>> -> memref<1x128x16xf32, #tpu.memory_space<vmem>>
        %dma_start3A_144 = tpu.memref_squeeze %dma_start3A_143 : memref<1x128x16xf32, #tpu.memory_space<vmem>> -> memref<128x16xf32, #tpu.memory_space<vmem>>
        %dma_start3A_145 = arith.constant 0 : i32
        %dma_start3A_146 = tpu.memref_slice %arg7[%add3A_139, %dma_start3A_145] : memref<79x128xi32, #tpu.memory_space<vmem>> -> memref<1x128xi32, #tpu.memory_space<vmem>>
        %dma_start3A_147 = tpu.memref_squeeze %dma_start3A_146 : memref<1x128xi32, #tpu.memory_space<vmem>> -> memref<128xi32, #tpu.memory_space<vmem>>
        %dma_start3A_148 = arith.constant 0 : i32
        %dma_start3A_149 = arith.constant 0 : i32
        %dma_start3A_150 = tpu.memref_slice %arg4[%dma_start3A_148, %dma_start3A_149] : memref<10000x16xf32, #tpu.memory_space<hbm>> -> memref<10000x16xf32, #tpu.memory_space<hbm>>
        tpu.enqueue_indirect_dma source(%dma_start3A_150 : memref<10000x16xf32, #tpu.memory_space<hbm>>) target(%dma_start3A_144 : memref<128x16xf32, #tpu.memory_space<vmem>>) offsets(%dma_start3A_147 : memref<128xi32, #tpu.memory_space<vmem>>) semaphore(%arg12 : memref<!tpu.dma_semaphore, #tpu.memory_space<semaphore_mem>>)
        %mul3A_151 = arith.constant 3 : i32
        %mul3A_152 = arith.muli %add3A_135, %mul3A_151 : i32
        %add3A_153 = arith.constant 1 : i32
        %add3A_154 = arith.addi %mul3A_152, %add3A_153 : i32
        %dma_start3A_155 = arith.constant 1 : i32
        %dma_start3A_156 = arith.constant 128 : i32
        %dma_start3A_157 = arith.constant 0 : i32
        %dma_start3A_158 = tpu.memref_slice %arg9[%dma_start3A_155, %dma_start3A_156, %dma_start3A_157] : memref<2x384x16xf32, #tpu.memory_space<vmem>> -> memref<1x128x16xf32, #tpu.memory_space<vmem>>
        %dma_start3A_159 = tpu.memref_squeeze %dma_start3A_158 : memref<1x128x16xf32, #tpu.memory_space<vmem>> -> memref<128x16xf32, #tpu.memory_space<vmem>>
        %dma_start3A_160 = arith.constant 0 : i32
        %dma_start3A_161 = tpu.memref_slice %arg7[%add3A_154, %dma_start3A_160] : memref<79x128xi32, #tpu.memory_space<vmem>> -> memref<1x128xi32, #tpu.memory_space<vmem>>
        %dma_start3A_162 = tpu.memref_squeeze %dma_start3A_161 : memref<1x128xi32, #tpu.memory_space<vmem>> -> memref<128xi32, #tpu.memory_space<vmem>>
        %dma_start3A_163 = arith.constant 0 : i32
        %dma_start3A_164 = arith.constant 0 : i32
        %dma_start3A_165 = tpu.memref_slice %arg4[%dma_start3A_163, %dma_start3A_164] : memref<10000x16xf32, #tpu.memory_space<hbm>> -> memref<10000x16xf32, #tpu.memory_space<hbm>>
        tpu.enqueue_indirect_dma source(%dma_start3A_165 : memref<10000x16xf32, #tpu.memory_space<hbm>>) target(%dma_start3A_159 : memref<128x16xf32, #tpu.memory_space<vmem>>) offsets(%dma_start3A_162 : memref<128xi32, #tpu.memory_space<vmem>>) semaphore(%arg12 : memref<!tpu.dma_semaphore, #tpu.memory_space<semaphore_mem>>)
        %mul3A_166 = arith.constant 3 : i32
        %mul3A_167 = arith.muli %add3A_135, %mul3A_166 : i32
        %add3A_168 = arith.constant 2 : i32
        %add3A_169 = arith.addi %mul3A_167, %add3A_168 : i32
        %dma_start3A_170 = arith.constant 1 : i32
        %dma_start3A_171 = arith.constant 256 : i32
        %dma_start3A_172 = arith.constant 0 : i32
        %dma_start3A_173 = tpu.memref_slice %arg9[%dma_start3A_170, %dma_start3A_171, %dma_start3A_172] : memref<2x384x16xf32, #tpu.memory_space<vmem>> -> memref<1x128x16xf32, #tpu.memory_space<vmem>>
        %dma_start3A_174 = tpu.memref_squeeze %dma_start3A_173 : memref<1x128x16xf32, #tpu.memory_space<vmem>> -> memref<128x16xf32, #tpu.memory_space<vmem>>
        %dma_start3A_175 = arith.constant 0 : i32
        %dma_start3A_176 = tpu.memref_slice %arg7[%add3A_169, %dma_start3A_175] : memref<79x128xi32, #tpu.memory_space<vmem>> -> memref<1x128xi32, #tpu.memory_space<vmem>>
        %dma_start3A_177 = tpu.memref_squeeze %dma_start3A_176 : memref<1x128xi32, #tpu.memory_space<vmem>> -> memref<128xi32, #tpu.memory_space<vmem>>
        %dma_start3A_178 = arith.constant 0 : i32
        %dma_start3A_179 = arith.constant 0 : i32
        %dma_start3A_180 = tpu.memref_slice %arg4[%dma_start3A_178, %dma_start3A_179] : memref<10000x16xf32, #tpu.memory_space<hbm>> -> memref<10000x16xf32, #tpu.memory_space<hbm>>
        tpu.enqueue_indirect_dma source(%dma_start3A_180 : memref<10000x16xf32, #tpu.memory_space<hbm>>) target(%dma_start3A_174 : memref<128x16xf32, #tpu.memory_space<vmem>>) offsets(%dma_start3A_177 : memref<128xi32, #tpu.memory_space<vmem>>) semaphore(%arg12 : memref<!tpu.dma_semaphore, #tpu.memory_space<semaphore_mem>>)
      } else {
      }
      %dma_wait3A = arith.constant 0 : i32
      %dma_wait3A_65 = arith.constant 0 : i32
      %dma_wait3A_66 = arith.constant 0 : i32
      %dma_wait3A_67 = tpu.memref_slice %arg9[%dma_wait3A, %dma_wait3A_65, %dma_wait3A_66] : memref<2x384x16xf32, #tpu.memory_space<vmem>> -> memref<1x384x16xf32, #tpu.memory_space<vmem>>
      %dma_wait3A_68 = tpu.memref_squeeze %dma_wait3A_67 : memref<1x384x16xf32, #tpu.memory_space<vmem>> -> memref<384x16xf32, #tpu.memory_space<vmem>>
      %dma_wait3A_69 = arith.constant 0 : i32
      %dma_wait3A_70 = arith.constant 0 : i32
      %dma_wait3A_71 = tpu.memref_slice %arg4[%dma_wait3A_69, %dma_wait3A_70] : memref<10000x16xf32, #tpu.memory_space<hbm>> -> memref<384x16xf32, #tpu.memory_space<hbm>>
      %dma_wait3A_72 = arith.constant 0 : i32
      %dma_wait3A_73 = arith.constant 0 : i32
      %dma_wait3A_74 = tpu.memref_slice %arg9[%dma_wait3A, %dma_wait3A_72, %dma_wait3A_73] : memref<2x384x16xf32, #tpu.memory_space<vmem>> -> memref<1x384x16xf32, #tpu.memory_space<vmem>>
      %dma_wait3A_75 = tpu.memref_squeeze %dma_wait3A_74 : memref<1x384x16xf32, #tpu.memory_space<vmem>> -> memref<384x16xf32, #tpu.memory_space<vmem>>
      %dma_wait3A_76 = arith.constant 0 : i32
      %dma_wait3A_77 = arith.constant 0 : i32
      %dma_wait3A_78 = tpu.memref_slice %arg4[%dma_wait3A_76, %dma_wait3A_77] : memref<10000x16xf32, #tpu.memory_space<hbm>> -> memref<384x16xf32, #tpu.memory_space<hbm>>
      tpu.wait_dma2 semaphore(%arg11 : memref<!tpu.dma_semaphore, #tpu.memory_space<semaphore_mem>>) src(%dma_wait3A_78 : memref<384x16xf32, #tpu.memory_space<hbm>>) dst(%dma_wait3A_75 : memref<384x16xf32, #tpu.memory_space<vmem>>)
      %mul3A_79 = arith.constant 3 : i32
      %mul3A_80 = arith.muli %add3A_57, %mul3A_79 : i32
      %add3A_81 = arith.constant 0 : i32
      %add3A_82 = arith.addi %mul3A_80, %add3A_81 : i32
      %run_scoped3A = arith.constant 0 : i32
      "tpu.region"() ({
        %run_scoped3A_134 = tpu.sem_alloc : memref<!tpu.dma_semaphore, #tpu.memory_space<semaphore_mem>>
        %dma_start3A_135 = arith.constant 0 : i32
        %dma_start3A_136 = arith.constant 0 : i32
        %dma_start3A_137 = tpu.memref_slice %arg9[%run_scoped3A, %dma_start3A_135, %dma_start3A_136] : memref<2x384x16xf32, #tpu.memory_space<vmem>> -> memref<1x128x16xf32, #tpu.memory_space<vmem>>
        %dma_start3A_138 = tpu.memref_squeeze %dma_start3A_137 : memref<1x128x16xf32, #tpu.memory_space<vmem>> -> memref<128x16xf32, #tpu.memory_space<vmem>>
        %dma_start3A_139 = arith.constant 0 : i32
        %dma_start3A_140 = tpu.memref_slice %arg8[%add3A_82, %dma_start3A_139] : memref<79x128xi32, #tpu.memory_space<vmem>> -> memref<1x128xi32, #tpu.memory_space<vmem>>
        %dma_start3A_141 = tpu.memref_squeeze %dma_start3A_140 : memref<1x128xi32, #tpu.memory_space<vmem>> -> memref<128xi32, #tpu.memory_space<vmem>>
        %dma_start3A_142 = arith.constant 0 : i32
        %dma_start3A_143 = arith.constant 0 : i32
        %dma_start3A_144 = tpu.memref_slice %arg10[%dma_start3A_142, %dma_start3A_143] : memref<10240x16xf32, #tpu.memory_space<vmem_shared>> -> memref<10240x16xf32, #tpu.memory_space<vmem_shared>>
        tpu.enqueue_indirect_dma source(%dma_start3A_138 : memref<128x16xf32, #tpu.memory_space<vmem>>) target(%dma_start3A_144 : memref<10240x16xf32, #tpu.memory_space<vmem_shared>>) offsets(%dma_start3A_141 : memref<128xi32, #tpu.memory_space<vmem>>) semaphore(%run_scoped3A_134 : memref<!tpu.dma_semaphore, #tpu.memory_space<semaphore_mem>>) {add = true}
        %dma_wait3A_145 = arith.constant 0 : i32
        %dma_wait3A_146 = arith.constant 0 : i32
        %dma_wait3A_147 = tpu.memref_slice %arg9[%run_scoped3A, %dma_wait3A_145, %dma_wait3A_146] : memref<2x384x16xf32, #tpu.memory_space<vmem>> -> memref<1x128x16xf32, #tpu.memory_space<vmem>>
        %dma_wait3A_148 = tpu.memref_squeeze %dma_wait3A_147 : memref<1x128x16xf32, #tpu.memory_space<vmem>> -> memref<128x16xf32, #tpu.memory_space<vmem>>
        %dma_wait3A_149 = arith.constant 0 : i32
        %dma_wait3A_150 = tpu.memref_slice %arg8[%add3A_82, %dma_wait3A_149] : memref<79x128xi32, #tpu.memory_space<vmem>> -> memref<1x128xi32, #tpu.memory_space<vmem>>
        %dma_wait3A_151 = tpu.memref_squeeze %dma_wait3A_150 : memref<1x128xi32, #tpu.memory_space<vmem>> -> memref<128xi32, #tpu.memory_space<vmem>>
        %dma_wait3A_152 = arith.constant 0 : i32
        %dma_wait3A_153 = arith.constant 0 : i32
        %dma_wait3A_154 = tpu.memref_slice %arg10[%dma_wait3A_152, %dma_wait3A_153] : memref<10240x16xf32, #tpu.memory_space<vmem_shared>> -> memref<10240x16xf32, #tpu.memory_space<vmem_shared>>
        tpu.wait_indirect_dma semaphore(%run_scoped3A_134 : memref<!tpu.dma_semaphore, #tpu.memory_space<semaphore_mem>>) src(%dma_wait3A_148 : memref<128x16xf32, #tpu.memory_space<vmem>>) dst(%dma_wait3A_154 : memref<10240x16xf32, #tpu.memory_space<vmem_shared>>)
        tpu.yield
      }) : () -> ()
      %mul3A_83 = arith.constant 3 : i32
      %mul3A_84 = arith.muli %add3A_57, %mul3A_83 : i32
      %add3A_85 = arith.constant 1 : i32
      %add3A_86 = arith.addi %mul3A_84, %add3A_85 : i32
      %run_scoped3A_87 = arith.constant 0 : i32
      "tpu.region"() ({
        %run_scoped3A_134 = tpu.sem_alloc : memref<!tpu.dma_semaphore, #tpu.memory_space<semaphore_mem>>
        %dma_start3A_135 = arith.constant 128 : i32
        %dma_start3A_136 = arith.constant 0 : i32
        %dma_start3A_137 = tpu.memref_slice %arg9[%run_scoped3A_87, %dma_start3A_135, %dma_start3A_136] : memref<2x384x16xf32, #tpu.memory_space<vmem>> -> memref<1x128x16xf32, #tpu.memory_space<vmem>>
        %dma_start3A_138 = tpu.memref_squeeze %dma_start3A_137 : memref<1x128x16xf32, #tpu.memory_space<vmem>> -> memref<128x16xf32, #tpu.memory_space<vmem>>
        %dma_start3A_139 = arith.constant 0 : i32
        %dma_start3A_140 = tpu.memref_slice %arg8[%add3A_86, %dma_start3A_139] : memref<79x128xi32, #tpu.memory_space<vmem>> -> memref<1x128xi32, #tpu.memory_space<vmem>>
        %dma_start3A_141 = tpu.memref_squeeze %dma_start3A_140 : memref<1x128xi32, #tpu.memory_space<vmem>> -> memref<128xi32, #tpu.memory_space<vmem>>
        %dma_start3A_142 = arith.constant 0 : i32
        %dma_start3A_143 = arith.constant 0 : i32
        %dma_start3A_144 = tpu.memref_slice %arg10[%dma_start3A_142, %dma_start3A_143] : memref<10240x16xf32, #tpu.memory_space<vmem_shared>> -> memref<10240x16xf32, #tpu.memory_space<vmem_shared>>
        tpu.enqueue_indirect_dma source(%dma_start3A_138 : memref<128x16xf32, #tpu.memory_space<vmem>>) target(%dma_start3A_144 : memref<10240x16xf32, #tpu.memory_space<vmem_shared>>) offsets(%dma_start3A_141 : memref<128xi32, #tpu.memory_space<vmem>>) semaphore(%run_scoped3A_134 : memref<!tpu.dma_semaphore, #tpu.memory_space<semaphore_mem>>) {add = true}
        %dma_wait3A_145 = arith.constant 128 : i32
        %dma_wait3A_146 = arith.constant 0 : i32
        %dma_wait3A_147 = tpu.memref_slice %arg9[%run_scoped3A_87, %dma_wait3A_145, %dma_wait3A_146] : memref<2x384x16xf32, #tpu.memory_space<vmem>> -> memref<1x128x16xf32, #tpu.memory_space<vmem>>
        %dma_wait3A_148 = tpu.memref_squeeze %dma_wait3A_147 : memref<1x128x16xf32, #tpu.memory_space<vmem>> -> memref<128x16xf32, #tpu.memory_space<vmem>>
        %dma_wait3A_149 = arith.constant 0 : i32
        %dma_wait3A_150 = tpu.memref_slice %arg8[%add3A_86, %dma_wait3A_149] : memref<79x128xi32, #tpu.memory_space<vmem>> -> memref<1x128xi32, #tpu.memory_space<vmem>>
        %dma_wait3A_151 = tpu.memref_squeeze %dma_wait3A_150 : memref<1x128xi32, #tpu.memory_space<vmem>> -> memref<128xi32, #tpu.memory_space<vmem>>
        %dma_wait3A_152 = arith.constant 0 : i32
        %dma_wait3A_153 = arith.constant 0 : i32
        %dma_wait3A_154 = tpu.memref_slice %arg10[%dma_wait3A_152, %dma_wait3A_153] : memref<10240x16xf32, #tpu.memory_space<vmem_shared>> -> memref<10240x16xf32, #tpu.memory_space<vmem_shared>>
        tpu.wait_indirect_dma semaphore(%run_scoped3A_134 : memref<!tpu.dma_semaphore, #tpu.memory_space<semaphore_mem>>) src(%dma_wait3A_148 : memref<128x16xf32, #tpu.memory_space<vmem>>) dst(%dma_wait3A_154 : memref<10240x16xf32, #tpu.memory_space<vmem_shared>>)
        tpu.yield
      }) : () -> ()
      %mul3A_88 = arith.constant 3 : i32
      %mul3A_89 = arith.muli %add3A_57, %mul3A_88 : i32
      %add3A_90 = arith.constant 2 : i32
      %add3A_91 = arith.addi %mul3A_89, %add3A_90 : i32
      %run_scoped3A_92 = arith.constant 0 : i32
      "tpu.region"() ({
        %run_scoped3A_134 = tpu.sem_alloc : memref<!tpu.dma_semaphore, #tpu.memory_space<semaphore_mem>>
        %dma_start3A_135 = arith.constant 256 : i32
        %dma_start3A_136 = arith.constant 0 : i32
        %dma_start3A_137 = tpu.memref_slice %arg9[%run_scoped3A_92, %dma_start3A_135, %dma_start3A_136] : memref<2x384x16xf32, #tpu.memory_space<vmem>> -> memref<1x128x16xf32, #tpu.memory_space<vmem>>
        %dma_start3A_138 = tpu.memref_squeeze %dma_start3A_137 : memref<1x128x16xf32, #tpu.memory_space<vmem>> -> memref<128x16xf32, #tpu.memory_space<vmem>>
        %dma_start3A_139 = arith.constant 0 : i32
        %dma_start3A_140 = tpu.memref_slice %arg8[%add3A_91, %dma_start3A_139] : memref<79x128xi32, #tpu.memory_space<vmem>> -> memref<1x128xi32, #tpu.memory_space<vmem>>
        %dma_start3A_141 = tpu.memref_squeeze %dma_start3A_140 : memref<1x128xi32, #tpu.memory_space<vmem>> -> memref<128xi32, #tpu.memory_space<vmem>>
        %dma_start3A_142 = arith.constant 0 : i32
        %dma_start3A_143 = arith.constant 0 : i32
        %dma_start3A_144 = tpu.memref_slice %arg10[%dma_start3A_142, %dma_start3A_143] : memref<10240x16xf32, #tpu.memory_space<vmem_shared>> -> memref<10240x16xf32, #tpu.memory_space<vmem_shared>>
        tpu.enqueue_indirect_dma source(%dma_start3A_138 : memref<128x16xf32, #tpu.memory_space<vmem>>) target(%dma_start3A_144 : memref<10240x16xf32, #tpu.memory_space<vmem_shared>>) offsets(%dma_start3A_141 : memref<128xi32, #tpu.memory_space<vmem>>) semaphore(%run_scoped3A_134 : memref<!tpu.dma_semaphore, #tpu.memory_space<semaphore_mem>>) {add = true}
        %dma_wait3A_145 = arith.constant 256 : i32
        %dma_wait3A_146 = arith.constant 0 : i32
        %dma_wait3A_147 = tpu.memref_slice %arg9[%run_scoped3A_92, %dma_wait3A_145, %dma_wait3A_146] : memref<2x384x16xf32, #tpu.memory_space<vmem>> -> memref<1x128x16xf32, #tpu.memory_space<vmem>>
        %dma_wait3A_148 = tpu.memref_squeeze %dma_wait3A_147 : memref<1x128x16xf32, #tpu.memory_space<vmem>> -> memref<128x16xf32, #tpu.memory_space<vmem>>
        %dma_wait3A_149 = arith.constant 0 : i32
        %dma_wait3A_150 = tpu.memref_slice %arg8[%add3A_91, %dma_wait3A_149] : memref<79x128xi32, #tpu.memory_space<vmem>> -> memref<1x128xi32, #tpu.memory_space<vmem>>
        %dma_wait3A_151 = tpu.memref_squeeze %dma_wait3A_150 : memref<1x128xi32, #tpu.memory_space<vmem>> -> memref<128xi32, #tpu.memory_space<vmem>>
        %dma_wait3A_152 = arith.constant 0 : i32
        %dma_wait3A_153 = arith.constant 0 : i32
        %dma_wait3A_154 = tpu.memref_slice %arg10[%dma_wait3A_152, %dma_wait3A_153] : memref<10240x16xf32, #tpu.memory_space<vmem_shared>> -> memref<10240x16xf32, #tpu.memory_space<vmem_shared>>
        tpu.wait_indirect_dma semaphore(%run_scoped3A_134 : memref<!tpu.dma_semaphore, #tpu.memory_space<semaphore_mem>>) src(%dma_wait3A_148 : memref<128x16xf32, #tpu.memory_space<vmem>>) dst(%dma_wait3A_154 : memref<10240x16xf32, #tpu.memory_space<vmem_shared>>)
        tpu.yield
      }) : () -> ()
      %mul3A_93 = arith.constant 2 : i32
      %mul3A_94 = arith.muli %scan3A_53, %mul3A_93 : i32
      %add3A_95 = arith.constant 1 : i32
      %add3A_96 = arith.addi %mul3A_94, %add3A_95 : i32
      %add3A_97 = arith.constant 1 : i32
      %add3A_98 = arith.addi %add3A_96, %add3A_97 : i32
      %lt3A_99 = arith.constant 26 : i32
      %lt3A_100 = arith.cmpi slt, %add3A_98, %lt3A_99 : i32
      %convert_element_type3A_101 = arith.extui %lt3A_100 : i1 to i32
      %cond3A_102 = arith.constant 0 : i32
      %cond3A_103 = arith.cmpi ne, %convert_element_type3A_101, %cond3A_102 : i32
      scf.if %cond3A_103 {
        %add3A_134 = arith.constant 1 : i32
        %add3A_135 = arith.addi %add3A_96, %add3A_134 : i32
        %mul3A_136 = arith.constant 3 : i32
        %mul3A_137 = arith.muli %add3A_135, %mul3A_136 : i32
        %add3A_138 = arith.constant 0 : i32
        %add3A_139 = arith.addi %mul3A_137, %add3A_138 : i32
        %dma_start3A_140 = arith.constant 0 : i32
        %dma_start3A_141 = arith.constant 0 : i32
        %dma_start3A_142 = arith.constant 0 : i32
        %dma_start3A_143 = tpu.memref_slice %arg9[%dma_start3A_140, %dma_start3A_141, %dma_start3A_142] : memref<2x384x16xf32, #tpu.memory_space<vmem>> -> memref<1x128x16xf32, #tpu.memory_space<vmem>>
        %dma_start3A_144 = tpu.memref_squeeze %dma_start3A_143 : memref<1x128x16xf32, #tpu.memory_space<vmem>> -> memref<128x16xf32, #tpu.memory_space<vmem>>
        %dma_start3A_145 = arith.constant 0 : i32
        %dma_start3A_146 = tpu.memref_slice %arg7[%add3A_139, %dma_start3A_145] : memref<79x128xi32, #tpu.memory_space<vmem>> -> memref<1x128xi32, #tpu.memory_space<vmem>>
        %dma_start3A_147 = tpu.memref_squeeze %dma_start3A_146 : memref<1x128xi32, #tpu.memory_space<vmem>> -> memref<128xi32, #tpu.memory_space<vmem>>
        %dma_start3A_148 = arith.constant 0 : i32
        %dma_start3A_149 = arith.constant 0 : i32
        %dma_start3A_150 = tpu.memref_slice %arg4[%dma_start3A_148, %dma_start3A_149] : memref<10000x16xf32, #tpu.memory_space<hbm>> -> memref<10000x16xf32, #tpu.memory_space<hbm>>
        tpu.enqueue_indirect_dma source(%dma_start3A_150 : memref<10000x16xf32, #tpu.memory_space<hbm>>) target(%dma_start3A_144 : memref<128x16xf32, #tpu.memory_space<vmem>>) offsets(%dma_start3A_147 : memref<128xi32, #tpu.memory_space<vmem>>) semaphore(%arg11 : memref<!tpu.dma_semaphore, #tpu.memory_space<semaphore_mem>>)
        %mul3A_151 = arith.constant 3 : i32
        %mul3A_152 = arith.muli %add3A_135, %mul3A_151 : i32
        %add3A_153 = arith.constant 1 : i32
        %add3A_154 = arith.addi %mul3A_152, %add3A_153 : i32
        %dma_start3A_155 = arith.constant 0 : i32
        %dma_start3A_156 = arith.constant 128 : i32
        %dma_start3A_157 = arith.constant 0 : i32
        %dma_start3A_158 = tpu.memref_slice %arg9[%dma_start3A_155, %dma_start3A_156, %dma_start3A_157] : memref<2x384x16xf32, #tpu.memory_space<vmem>> -> memref<1x128x16xf32, #tpu.memory_space<vmem>>
        %dma_start3A_159 = tpu.memref_squeeze %dma_start3A_158 : memref<1x128x16xf32, #tpu.memory_space<vmem>> -> memref<128x16xf32, #tpu.memory_space<vmem>>
        %dma_start3A_160 = arith.constant 0 : i32
        %dma_start3A_161 = tpu.memref_slice %arg7[%add3A_154, %dma_start3A_160] : memref<79x128xi32, #tpu.memory_space<vmem>> -> memref<1x128xi32, #tpu.memory_space<vmem>>
        %dma_start3A_162 = tpu.memref_squeeze %dma_start3A_161 : memref<1x128xi32, #tpu.memory_space<vmem>> -> memref<128xi32, #tpu.memory_space<vmem>>
        %dma_start3A_163 = arith.constant 0 : i32
        %dma_start3A_164 = arith.constant 0 : i32
        %dma_start3A_165 = tpu.memref_slice %arg4[%dma_start3A_163, %dma_start3A_164] : memref<10000x16xf32, #tpu.memory_space<hbm>> -> memref<10000x16xf32, #tpu.memory_space<hbm>>
        tpu.enqueue_indirect_dma source(%dma_start3A_165 : memref<10000x16xf32, #tpu.memory_space<hbm>>) target(%dma_start3A_159 : memref<128x16xf32, #tpu.memory_space<vmem>>) offsets(%dma_start3A_162 : memref<128xi32, #tpu.memory_space<vmem>>) semaphore(%arg11 : memref<!tpu.dma_semaphore, #tpu.memory_space<semaphore_mem>>)
        %mul3A_166 = arith.constant 3 : i32
        %mul3A_167 = arith.muli %add3A_135, %mul3A_166 : i32
        %add3A_168 = arith.constant 2 : i32
        %add3A_169 = arith.addi %mul3A_167, %add3A_168 : i32
        %dma_start3A_170 = arith.constant 0 : i32
        %dma_start3A_171 = arith.constant 256 : i32
        %dma_start3A_172 = arith.constant 0 : i32
        %dma_start3A_173 = tpu.memref_slice %arg9[%dma_start3A_170, %dma_start3A_171, %dma_start3A_172] : memref<2x384x16xf32, #tpu.memory_space<vmem>> -> memref<1x128x16xf32, #tpu.memory_space<vmem>>
        %dma_start3A_174 = tpu.memref_squeeze %dma_start3A_173 : memref<1x128x16xf32, #tpu.memory_space<vmem>> -> memref<128x16xf32, #tpu.memory_space<vmem>>
        %dma_start3A_175 = arith.constant 0 : i32
        %dma_start3A_176 = tpu.memref_slice %arg7[%add3A_169, %dma_start3A_175] : memref<79x128xi32, #tpu.memory_space<vmem>> -> memref<1x128xi32, #tpu.memory_space<vmem>>
        %dma_start3A_177 = tpu.memref_squeeze %dma_start3A_176 : memref<1x128xi32, #tpu.memory_space<vmem>> -> memref<128xi32, #tpu.memory_space<vmem>>
        %dma_start3A_178 = arith.constant 0 : i32
        %dma_start3A_179 = arith.constant 0 : i32
        %dma_start3A_180 = tpu.memref_slice %arg4[%dma_start3A_178, %dma_start3A_179] : memref<10000x16xf32, #tpu.memory_space<hbm>> -> memref<10000x16xf32, #tpu.memory_space<hbm>>
        tpu.enqueue_indirect_dma source(%dma_start3A_180 : memref<10000x16xf32, #tpu.memory_space<hbm>>) target(%dma_start3A_174 : memref<128x16xf32, #tpu.memory_space<vmem>>) offsets(%dma_start3A_177 : memref<128xi32, #tpu.memory_space<vmem>>) semaphore(%arg11 : memref<!tpu.dma_semaphore, #tpu.memory_space<semaphore_mem>>)
      } else {
      }
      %dma_wait3A_104 = arith.constant 1 : i32
      %dma_wait3A_105 = arith.constant 0 : i32
      %dma_wait3A_106 = arith.constant 0 : i32
      %dma_wait3A_107 = tpu.memref_slice %arg9[%dma_wait3A_104, %dma_wait3A_105, %dma_wait3A_106] : memref<2x384x16xf32, #tpu.memory_space<vmem>> -> memref<1x384x16xf32, #tpu.memory_space<vmem>>
      %dma_wait3A_108 = tpu.memref_squeeze %dma_wait3A_107 : memref<1x384x16xf32, #tpu.memory_space<vmem>> -> memref<384x16xf32, #tpu.memory_space<vmem>>
      %dma_wait3A_109 = arith.constant 0 : i32
      %dma_wait3A_110 = arith.constant 0 : i32
      %dma_wait3A_111 = tpu.memref_slice %arg4[%dma_wait3A_109, %dma_wait3A_110] : memref<10000x16xf32, #tpu.memory_space<hbm>> -> memref<384x16xf32, #tpu.memory_space<hbm>>
      %dma_wait3A_112 = arith.constant 0 : i32
      %dma_wait3A_113 = arith.constant 0 : i32
      %dma_wait3A_114 = tpu.memref_slice %arg9[%dma_wait3A_104, %dma_wait3A_112, %dma_wait3A_113] : memref<2x384x16xf32, #tpu.memory_space<vmem>> -> memref<1x384x16xf32, #tpu.memory_space<vmem>>
      %dma_wait3A_115 = tpu.memref_squeeze %dma_wait3A_114 : memref<1x384x16xf32, #tpu.memory_space<vmem>> -> memref<384x16xf32, #tpu.memory_space<vmem>>
      %dma_wait3A_116 = arith.constant 0 : i32
      %dma_wait3A_117 = arith.constant 0 : i32
      %dma_wait3A_118 = tpu.memref_slice %arg4[%dma_wait3A_116, %dma_wait3A_117] : memref<10000x16xf32, #tpu.memory_space<hbm>> -> memref<384x16xf32, #tpu.memory_space<hbm>>
      tpu.wait_dma2 semaphore(%arg12 : memref<!tpu.dma_semaphore, #tpu.memory_space<semaphore_mem>>) src(%dma_wait3A_118 : memref<384x16xf32, #tpu.memory_space<hbm>>) dst(%dma_wait3A_115 : memref<384x16xf32, #tpu.memory_space<vmem>>)
      %mul3A_119 = arith.constant 3 : i32
      %mul3A_120 = arith.muli %add3A_96, %mul3A_119 : i32
      %add3A_121 = arith.constant 0 : i32
      %add3A_122 = arith.addi %mul3A_120, %add3A_121 : i32
      %run_scoped3A_123 = arith.constant 1 : i32
      "tpu.region"() ({
        %run_scoped3A_134 = tpu.sem_alloc : memref<!tpu.dma_semaphore, #tpu.memory_space<semaphore_mem>>
        %dma_start3A_135 = arith.constant 0 : i32
        %dma_start3A_136 = arith.constant 0 : i32
        %dma_start3A_137 = tpu.memref_slice %arg9[%run_scoped3A_123, %dma_start3A_135, %dma_start3A_136] : memref<2x384x16xf32, #tpu.memory_space<vmem>> -> memref<1x128x16xf32, #tpu.memory_space<vmem>>
        %dma_start3A_138 = tpu.memref_squeeze %dma_start3A_137 : memref<1x128x16xf32, #tpu.memory_space<vmem>> -> memref<128x16xf32, #tpu.memory_space<vmem>>
        %dma_start3A_139 = arith.constant 0 : i32
        %dma_start3A_140 = tpu.memref_slice %arg8[%add3A_122, %dma_start3A_139] : memref<79x128xi32, #tpu.memory_space<vmem>> -> memref<1x128xi32, #tpu.memory_space<vmem>>
        %dma_start3A_141 = tpu.memref_squeeze %dma_start3A_140 : memref<1x128xi32, #tpu.memory_space<vmem>> -> memref<128xi32, #tpu.memory_space<vmem>>
        %dma_start3A_142 = arith.constant 0 : i32
        %dma_start3A_143 = arith.constant 0 : i32
        %dma_start3A_144 = tpu.memref_slice %arg10[%dma_start3A_142, %dma_start3A_143] : memref<10240x16xf32, #tpu.memory_space<vmem_shared>> -> memref<10240x16xf32, #tpu.memory_space<vmem_shared>>
        tpu.enqueue_indirect_dma source(%dma_start3A_138 : memref<128x16xf32, #tpu.memory_space<vmem>>) target(%dma_start3A_144 : memref<10240x16xf32, #tpu.memory_space<vmem_shared>>) offsets(%dma_start3A_141 : memref<128xi32, #tpu.memory_space<vmem>>) semaphore(%run_scoped3A_134 : memref<!tpu.dma_semaphore, #tpu.memory_space<semaphore_mem>>) {add = true}
        %dma_wait3A_145 = arith.constant 0 : i32
        %dma_wait3A_146 = arith.constant 0 : i32
        %dma_wait3A_147 = tpu.memref_slice %arg9[%run_scoped3A_123, %dma_wait3A_145, %dma_wait3A_146] : memref<2x384x16xf32, #tpu.memory_space<vmem>> -> memref<1x128x16xf32, #tpu.memory_space<vmem>>
        %dma_wait3A_148 = tpu.memref_squeeze %dma_wait3A_147 : memref<1x128x16xf32, #tpu.memory_space<vmem>> -> memref<128x16xf32, #tpu.memory_space<vmem>>
        %dma_wait3A_149 = arith.constant 0 : i32
        %dma_wait3A_150 = tpu.memref_slice %arg8[%add3A_122, %dma_wait3A_149] : memref<79x128xi32, #tpu.memory_space<vmem>> -> memref<1x128xi32, #tpu.memory_space<vmem>>
        %dma_wait3A_151 = tpu.memref_squeeze %dma_wait3A_150 : memref<1x128xi32, #tpu.memory_space<vmem>> -> memref<128xi32, #tpu.memory_space<vmem>>
        %dma_wait3A_152 = arith.constant 0 : i32
        %dma_wait3A_153 = arith.constant 0 : i32
        %dma_wait3A_154 = tpu.memref_slice %arg10[%dma_wait3A_152, %dma_wait3A_153] : memref<10240x16xf32, #tpu.memory_space<vmem_shared>> -> memref<10240x16xf32, #tpu.memory_space<vmem_shared>>
        tpu.wait_indirect_dma semaphore(%run_scoped3A_134 : memref<!tpu.dma_semaphore, #tpu.memory_space<semaphore_mem>>) src(%dma_wait3A_148 : memref<128x16xf32, #tpu.memory_space<vmem>>) dst(%dma_wait3A_154 : memref<10240x16xf32, #tpu.memory_space<vmem_shared>>)
        tpu.yield
      }) : () -> ()
      %mul3A_124 = arith.constant 3 : i32
      %mul3A_125 = arith.muli %add3A_96, %mul3A_124 : i32
      %add3A_126 = arith.constant 1 : i32
      %add3A_127 = arith.addi %mul3A_125, %add3A_126 : i32
      %run_scoped3A_128 = arith.constant 1 : i32
      "tpu.region"() ({
        %run_scoped3A_134 = tpu.sem_alloc : memref<!tpu.dma_semaphore, #tpu.memory_space<semaphore_mem>>
        %dma_start3A_135 = arith.constant 128 : i32
        %dma_start3A_136 = arith.constant 0 : i32
        %dma_start3A_137 = tpu.memref_slice %arg9[%run_scoped3A_128, %dma_start3A_135, %dma_start3A_136] : memref<2x384x16xf32, #tpu.memory_space<vmem>> -> memref<1x128x16xf32, #tpu.memory_space<vmem>>
        %dma_start3A_138 = tpu.memref_squeeze %dma_start3A_137 : memref<1x128x16xf32, #tpu.memory_space<vmem>> -> memref<128x16xf32, #tpu.memory_space<vmem>>
        %dma_start3A_139 = arith.constant 0 : i32
        %dma_start3A_140 = tpu.memref_slice %arg8[%add3A_127, %dma_start3A_139] : memref<79x128xi32, #tpu.memory_space<vmem>> -> memref<1x128xi32, #tpu.memory_space<vmem>>
        %dma_start3A_141 = tpu.memref_squeeze %dma_start3A_140 : memref<1x128xi32, #tpu.memory_space<vmem>> -> memref<128xi32, #tpu.memory_space<vmem>>
        %dma_start3A_142 = arith.constant 0 : i32
        %dma_start3A_143 = arith.constant 0 : i32
        %dma_start3A_144 = tpu.memref_slice %arg10[%dma_start3A_142, %dma_start3A_143] : memref<10240x16xf32, #tpu.memory_space<vmem_shared>> -> memref<10240x16xf32, #tpu.memory_space<vmem_shared>>
        tpu.enqueue_indirect_dma source(%dma_start3A_138 : memref<128x16xf32, #tpu.memory_space<vmem>>) target(%dma_start3A_144 : memref<10240x16xf32, #tpu.memory_space<vmem_shared>>) offsets(%dma_start3A_141 : memref<128xi32, #tpu.memory_space<vmem>>) semaphore(%run_scoped3A_134 : memref<!tpu.dma_semaphore, #tpu.memory_space<semaphore_mem>>) {add = true}
        %dma_wait3A_145 = arith.constant 128 : i32
        %dma_wait3A_146 = arith.constant 0 : i32
        %dma_wait3A_147 = tpu.memref_slice %arg9[%run_scoped3A_128, %dma_wait3A_145, %dma_wait3A_146] : memref<2x384x16xf32, #tpu.memory_space<vmem>> -> memref<1x128x16xf32, #tpu.memory_space<vmem>>
        %dma_wait3A_148 = tpu.memref_squeeze %dma_wait3A_147 : memref<1x128x16xf32, #tpu.memory_space<vmem>> -> memref<128x16xf32, #tpu.memory_space<vmem>>
        %dma_wait3A_149 = arith.constant 0 : i32
        %dma_wait3A_150 = tpu.memref_slice %arg8[%add3A_127, %dma_wait3A_149] : memref<79x128xi32, #tpu.memory_space<vmem>> -> memref<1x128xi32, #tpu.memory_space<vmem>>
        %dma_wait3A_151 = tpu.memref_squeeze %dma_wait3A_150 : memref<1x128xi32, #tpu.memory_space<vmem>> -> memref<128xi32, #tpu.memory_space<vmem>>
        %dma_wait3A_152 = arith.constant 0 : i32
        %dma_wait3A_153 = arith.constant 0 : i32
        %dma_wait3A_154 = tpu.memref_slice %arg10[%dma_wait3A_152, %dma_wait3A_153] : memref<10240x16xf32, #tpu.memory_space<vmem_shared>> -> memref<10240x16xf32, #tpu.memory_space<vmem_shared>>
        tpu.wait_indirect_dma semaphore(%run_scoped3A_134 : memref<!tpu.dma_semaphore, #tpu.memory_space<semaphore_mem>>) src(%dma_wait3A_148 : memref<128x16xf32, #tpu.memory_space<vmem>>) dst(%dma_wait3A_154 : memref<10240x16xf32, #tpu.memory_space<vmem_shared>>)
        tpu.yield
      }) : () -> ()
      %mul3A_129 = arith.constant 3 : i32
      %mul3A_130 = arith.muli %add3A_96, %mul3A_129 : i32
      %add3A_131 = arith.constant 2 : i32
      %add3A_132 = arith.addi %mul3A_130, %add3A_131 : i32
      %run_scoped3A_133 = arith.constant 1 : i32
      "tpu.region"() ({
        %run_scoped3A_134 = tpu.sem_alloc : memref<!tpu.dma_semaphore, #tpu.memory_space<semaphore_mem>>
        %dma_start3A_135 = arith.constant 256 : i32
        %dma_start3A_136 = arith.constant 0 : i32
        %dma_start3A_137 = tpu.memref_slice %arg9[%run_scoped3A_133, %dma_start3A_135, %dma_start3A_136] : memref<2x384x16xf32, #tpu.memory_space<vmem>> -> memref<1x128x16xf32, #tpu.memory_space<vmem>>
        %dma_start3A_138 = tpu.memref_squeeze %dma_start3A_137 : memref<1x128x16xf32, #tpu.memory_space<vmem>> -> memref<128x16xf32, #tpu.memory_space<vmem>>
        %dma_start3A_139 = arith.constant 0 : i32
        %dma_start3A_140 = tpu.memref_slice %arg8[%add3A_132, %dma_start3A_139] : memref<79x128xi32, #tpu.memory_space<vmem>> -> memref<1x128xi32, #tpu.memory_space<vmem>>
        %dma_start3A_141 = tpu.memref_squeeze %dma_start3A_140 : memref<1x128xi32, #tpu.memory_space<vmem>> -> memref<128xi32, #tpu.memory_space<vmem>>
        %dma_start3A_142 = arith.constant 0 : i32
        %dma_start3A_143 = arith.constant 0 : i32
        %dma_start3A_144 = tpu.memref_slice %arg10[%dma_start3A_142, %dma_start3A_143] : memref<10240x16xf32, #tpu.memory_space<vmem_shared>> -> memref<10240x16xf32, #tpu.memory_space<vmem_shared>>
        tpu.enqueue_indirect_dma source(%dma_start3A_138 : memref<128x16xf32, #tpu.memory_space<vmem>>) target(%dma_start3A_144 : memref<10240x16xf32, #tpu.memory_space<vmem_shared>>) offsets(%dma_start3A_141 : memref<128xi32, #tpu.memory_space<vmem>>) semaphore(%run_scoped3A_134 : memref<!tpu.dma_semaphore, #tpu.memory_space<semaphore_mem>>) {add = true}
        %dma_wait3A_145 = arith.constant 256 : i32
        %dma_wait3A_146 = arith.constant 0 : i32
        %dma_wait3A_147 = tpu.memref_slice %arg9[%run_scoped3A_133, %dma_wait3A_145, %dma_wait3A_146] : memref<2x384x16xf32, #tpu.memory_space<vmem>> -> memref<1x128x16xf32, #tpu.memory_space<vmem>>
        %dma_wait3A_148 = tpu.memref_squeeze %dma_wait3A_147 : memref<1x128x16xf32, #tpu.memory_space<vmem>> -> memref<128x16xf32, #tpu.memory_space<vmem>>
        %dma_wait3A_149 = arith.constant 0 : i32
        %dma_wait3A_150 = tpu.memref_slice %arg8[%add3A_132, %dma_wait3A_149] : memref<79x128xi32, #tpu.memory_space<vmem>> -> memref<1x128xi32, #tpu.memory_space<vmem>>
        %dma_wait3A_151 = tpu.memref_squeeze %dma_wait3A_150 : memref<1x128xi32, #tpu.memory_space<vmem>> -> memref<128xi32, #tpu.memory_space<vmem>>
        %dma_wait3A_152 = arith.constant 0 : i32
        %dma_wait3A_153 = arith.constant 0 : i32
        %dma_wait3A_154 = tpu.memref_slice %arg10[%dma_wait3A_152, %dma_wait3A_153] : memref<10240x16xf32, #tpu.memory_space<vmem_shared>> -> memref<10240x16xf32, #tpu.memory_space<vmem_shared>>
        tpu.wait_indirect_dma semaphore(%run_scoped3A_134 : memref<!tpu.dma_semaphore, #tpu.memory_space<semaphore_mem>>) src(%dma_wait3A_148 : memref<128x16xf32, #tpu.memory_space<vmem>>) dst(%dma_wait3A_154 : memref<10240x16xf32, #tpu.memory_space<vmem_shared>>)
        tpu.yield
      }) : () -> ()
    }
    %scan3A_46 = arith.constant 13 : i32
    %lt3A_47 = arith.constant 4 : i32
    %lt3A_48 = arith.cmpi slt, %add3A, %lt3A_47 : i32
    %convert_element_type3A_49 = arith.extui %lt3A_48 : i1 to i32
    %cond3A_50 = arith.constant 0 : i32
    %cond3A_51 = arith.cmpi ne, %convert_element_type3A_49, %cond3A_50 : i32
    scf.if %cond3A_51 {
      %run_scoped3A = arith.constant 78 : i32
      %run_scoped3A_53 = arith.constant 0 : i32
      "tpu.region"() ({
        %run_scoped3A_56 = tpu.sem_alloc : memref<!tpu.dma_semaphore, #tpu.memory_space<semaphore_mem>>
        %dma_start3A_57 = arith.constant 0 : i32
        %dma_start3A_58 = arith.constant 0 : i32
        %dma_start3A_59 = tpu.memref_slice %arg9[%run_scoped3A_53, %dma_start3A_57, %dma_start3A_58] : memref<2x384x16xf32, #tpu.memory_space<vmem>> -> memref<1x128x16xf32, #tpu.memory_space<vmem>>
        %dma_start3A_60 = tpu.memref_squeeze %dma_start3A_59 : memref<1x128x16xf32, #tpu.memory_space<vmem>> -> memref<128x16xf32, #tpu.memory_space<vmem>>
        %dma_start3A_61 = arith.constant 0 : i32
        %dma_start3A_62 = tpu.memref_slice %arg7[%run_scoped3A, %dma_start3A_61] : memref<79x128xi32, #tpu.memory_space<vmem>> -> memref<1x128xi32, #tpu.memory_space<vmem>>
        %dma_start3A_63 = tpu.memref_squeeze %dma_start3A_62 : memref<1x128xi32, #tpu.memory_space<vmem>> -> memref<128xi32, #tpu.memory_space<vmem>>
        %dma_start3A_64 = arith.constant 0 : i32
        %dma_start3A_65 = arith.constant 0 : i32
        %dma_start3A_66 = tpu.memref_slice %arg4[%dma_start3A_64, %dma_start3A_65] : memref<10000x16xf32, #tpu.memory_space<hbm>> -> memref<10000x16xf32, #tpu.memory_space<hbm>>
        tpu.enqueue_indirect_dma source(%dma_start3A_66 : memref<10000x16xf32, #tpu.memory_space<hbm>>) target(%dma_start3A_60 : memref<128x16xf32, #tpu.memory_space<vmem>>) offsets(%dma_start3A_63 : memref<128xi32, #tpu.memory_space<vmem>>) semaphore(%run_scoped3A_56 : memref<!tpu.dma_semaphore, #tpu.memory_space<semaphore_mem>>)
        %dma_wait3A = arith.constant 0 : i32
        %dma_wait3A_67 = arith.constant 0 : i32
        %dma_wait3A_68 = tpu.memref_slice %arg9[%run_scoped3A_53, %dma_wait3A, %dma_wait3A_67] : memref<2x384x16xf32, #tpu.memory_space<vmem>> -> memref<1x128x16xf32, #tpu.memory_space<vmem>>
        %dma_wait3A_69 = tpu.memref_squeeze %dma_wait3A_68 : memref<1x128x16xf32, #tpu.memory_space<vmem>> -> memref<128x16xf32, #tpu.memory_space<vmem>>
        %dma_wait3A_70 = arith.constant 0 : i32
        %dma_wait3A_71 = tpu.memref_slice %arg7[%run_scoped3A, %dma_wait3A_70] : memref<79x128xi32, #tpu.memory_space<vmem>> -> memref<1x128xi32, #tpu.memory_space<vmem>>
        %dma_wait3A_72 = tpu.memref_squeeze %dma_wait3A_71 : memref<1x128xi32, #tpu.memory_space<vmem>> -> memref<128xi32, #tpu.memory_space<vmem>>
        %dma_wait3A_73 = arith.constant 0 : i32
        %dma_wait3A_74 = arith.constant 0 : i32
        %dma_wait3A_75 = tpu.memref_slice %arg4[%dma_wait3A_73, %dma_wait3A_74] : memref<10000x16xf32, #tpu.memory_space<hbm>> -> memref<10000x16xf32, #tpu.memory_space<hbm>>
        tpu.wait_indirect_dma semaphore(%run_scoped3A_56 : memref<!tpu.dma_semaphore, #tpu.memory_space<semaphore_mem>>) src(%dma_wait3A_75 : memref<10000x16xf32, #tpu.memory_space<hbm>>) dst(%dma_wait3A_69 : memref<128x16xf32, #tpu.memory_space<vmem>>)
        tpu.yield
      }) : () -> ()
      %run_scoped3A_54 = arith.constant 0 : i32
      %run_scoped3A_55 = arith.constant 78 : i32
      "tpu.region"() ({
        %run_scoped3A_56 = tpu.sem_alloc : memref<!tpu.dma_semaphore, #tpu.memory_space<semaphore_mem>>
        %dma_start3A_57 = arith.constant 0 : i32
        %dma_start3A_58 = arith.constant 0 : i32
        %dma_start3A_59 = tpu.memref_slice %arg9[%run_scoped3A_54, %dma_start3A_57, %dma_start3A_58] : memref<2x384x16xf32, #tpu.memory_space<vmem>> -> memref<1x128x16xf32, #tpu.memory_space<vmem>>
        %dma_start3A_60 = tpu.memref_squeeze %dma_start3A_59 : memref<1x128x16xf32, #tpu.memory_space<vmem>> -> memref<128x16xf32, #tpu.memory_space<vmem>>
        %dma_start3A_61 = arith.constant 0 : i32
        %dma_start3A_62 = tpu.memref_slice %arg8[%run_scoped3A_55, %dma_start3A_61] : memref<79x128xi32, #tpu.memory_space<vmem>> -> memref<1x128xi32, #tpu.memory_space<vmem>>
        %dma_start3A_63 = tpu.memref_squeeze %dma_start3A_62 : memref<1x128xi32, #tpu.memory_space<vmem>> -> memref<128xi32, #tpu.memory_space<vmem>>
        %dma_start3A_64 = arith.constant 0 : i32
        %dma_start3A_65 = arith.constant 0 : i32
        %dma_start3A_66 = tpu.memref_slice %arg10[%dma_start3A_64, %dma_start3A_65] : memref<10240x16xf32, #tpu.memory_space<vmem_shared>> -> memref<10240x16xf32, #tpu.memory_space<vmem_shared>>
        tpu.enqueue_indirect_dma source(%dma_start3A_60 : memref<128x16xf32, #tpu.memory_space<vmem>>) target(%dma_start3A_66 : memref<10240x16xf32, #tpu.memory_space<vmem_shared>>) offsets(%dma_start3A_63 : memref<128xi32, #tpu.memory_space<vmem>>) semaphore(%run_scoped3A_56 : memref<!tpu.dma_semaphore, #tpu.memory_space<semaphore_mem>>) {add = true}
        %dma_wait3A = arith.constant 0 : i32
        %dma_wait3A_67 = arith.constant 0 : i32
        %dma_wait3A_68 = tpu.memref_slice %arg9[%run_scoped3A_54, %dma_wait3A, %dma_wait3A_67] : memref<2x384x16xf32, #tpu.memory_space<vmem>> -> memref<1x128x16xf32, #tpu.memory_space<vmem>>
        %dma_wait3A_69 = tpu.memref_squeeze %dma_wait3A_68 : memref<1x128x16xf32, #tpu.memory_space<vmem>> -> memref<128x16xf32, #tpu.memory_space<vmem>>
        %dma_wait3A_70 = arith.constant 0 : i32
        %dma_wait3A_71 = tpu.memref_slice %arg8[%run_scoped3A_55, %dma_wait3A_70] : memref<79x128xi32, #tpu.memory_space<vmem>> -> memref<1x128xi32, #tpu.memory_space<vmem>>
        %dma_wait3A_72 = tpu.memref_squeeze %dma_wait3A_71 : memref<1x128xi32, #tpu.memory_space<vmem>> -> memref<128xi32, #tpu.memory_space<vmem>>
        %dma_wait3A_73 = arith.constant 0 : i32
        %dma_wait3A_74 = arith.constant 0 : i32
        %dma_wait3A_75 = tpu.memref_slice %arg10[%dma_wait3A_73, %dma_wait3A_74] : memref<10240x16xf32, #tpu.memory_space<vmem_shared>> -> memref<10240x16xf32, #tpu.memory_space<vmem_shared>>
        tpu.wait_indirect_dma semaphore(%run_scoped3A_56 : memref<!tpu.dma_semaphore, #tpu.memory_space<semaphore_mem>>) src(%dma_wait3A_69 : memref<128x16xf32, #tpu.memory_space<vmem>>) dst(%dma_wait3A_75 : memref<10240x16xf32, #tpu.memory_space<vmem_shared>>)
        tpu.yield
      }) : () -> ()
    } else {
    }
    %barrier3A_52 = arith.constant 0 : index
    tpu.barrier barrier_id(%barrier3A_52)
    "tpu.region"() ({
      %run_scoped3A = tpu.sem_alloc : memref<!tpu.dma_semaphore, #tpu.memory_space<semaphore_mem>>
      %dma_start3A_53 = arith.constant 0 : i32
      %dma_start3A_54 = tpu.memref_slice %arg6[%arg0, %mul3A_2, %dma_start3A_53] : memref<2x10240x16xf32, #tpu.memory_space<hbm>> -> memref<1x640x16xf32, #tpu.memory_space<hbm>>
      %dma_start3A_55 = tpu.memref_squeeze %dma_start3A_54 : memref<1x640x16xf32, #tpu.memory_space<hbm>> -> memref<640x16xf32, #tpu.memory_space<hbm>>
      %dma_start3A_56 = arith.constant 0 : i32
      %dma_start3A_57 = tpu.memref_slice %arg10[%mul3A_2, %dma_start3A_56] : memref<10240x16xf32, #tpu.memory_space<vmem_shared>> -> memref<640x16xf32, #tpu.memory_space<vmem_shared>>
      tpu.enqueue_dma source(%dma_start3A_57 : memref<640x16xf32, #tpu.memory_space<vmem_shared>>) target(%dma_start3A_55 : memref<640x16xf32, #tpu.memory_space<hbm>>) target_semaphore(%run_scoped3A : memref<!tpu.dma_semaphore, #tpu.memory_space<semaphore_mem>>)
      %dma_wait3A = arith.constant 0 : i32
      %dma_wait3A_58 = tpu.memref_slice %arg6[%arg0, %mul3A_2, %dma_wait3A] : memref<2x10240x16xf32, #tpu.memory_space<hbm>> -> memref<1x640x16xf32, #tpu.memory_space<hbm>>
      %dma_wait3A_59 = tpu.memref_squeeze %dma_wait3A_58 : memref<1x640x16xf32, #tpu.memory_space<hbm>> -> memref<640x16xf32, #tpu.memory_space<hbm>>
      %dma_wait3A_60 = arith.constant 0 : i32
      %dma_wait3A_61 = tpu.memref_slice %arg10[%mul3A_2, %dma_wait3A_60] : memref<10240x16xf32, #tpu.memory_space<vmem_shared>> -> memref<640x16xf32, #tpu.memory_space<vmem_shared>>
      tpu.wait_dma2 semaphore(%run_scoped3A : memref<!tpu.dma_semaphore, #tpu.memory_space<semaphore_mem>>) src(%dma_wait3A_61 : memref<640x16xf32, #tpu.memory_space<vmem_shared>>) dst(%dma_wait3A_59 : memref<640x16xf32, #tpu.memory_space<hbm>>)
      tpu.yield
    }) : () -> ()
    return
  }
}

#map = affine_map<(d0, d1) -> (0, 0)>
#map1 = affine_map<(d0, d1) -> (0, 0, 0)>
module attributes {stable_mosaic.version = 14 : i64} {
  func.func @sc_agg(%arg0: i32, %arg1: i32, %arg2: memref<2500x128xi32, #tpu.memory_space<hbm>>, %arg3: memref<2500x128xi32, #tpu.memory_space<hbm>>, %arg4: memref<10000x64xf32, #tpu.memory_space<hbm>>, %arg5: memref<640x64xf32, #tpu.memory_space<hbm>>, %arg6: memref<2x10240x64xf32, #tpu.memory_space<hbm>>, %arg7: memref<79x128xi32, #tpu.memory_space<vmem>>, %arg8: memref<79x128xi32, #tpu.memory_space<vmem>>, %arg9: memref<2x384x64xf32, #tpu.memory_space<vmem>>, %arg10: memref<10240x64xf32, #tpu.memory_space<vmem_shared>>, %arg11: memref<!tpu.dma_semaphore, #tpu.memory_space<semaphore_mem>>, %arg12: memref<!tpu.dma_semaphore, #tpu.memory_space<semaphore_mem>>) attributes {dimension_semantics = [#tpu.dimension_semantics<core_parallel>, #tpu.dimension_semantics<subcore_parallel>], iteration_bounds = array<i64: 2, 16>, scalar_prefetch = 0 : i64, scratch_operands = 6 : i64, tpu.core_type = #tpu.core_type<sc_vector_subcore>, window_params = [{transform_indices = #map}, {transform_indices = #map}, {transform_indices = #map}, {transform_indices = #map}, {transform_indices = #map1}]} {
    %mul3A = arith.constant 2 : i32
    %mul3A_0 = arith.muli %arg1, %mul3A : i32
    %add3A = arith.addi %mul3A_0, %arg0 : i32
    %mul3A_1 = arith.constant 640 : i32
    %mul3A_2 = arith.muli %arg1, %mul3A_1 : i32
    %mul3A_3 = arith.constant 78 : i32
    %mul3A_4 = arith.muli %add3A, %mul3A_3 : i32
    "tpu.region"() ({
      %run_scoped3A = tpu.sem_alloc : memref<!tpu.dma_semaphore, #tpu.memory_space<semaphore_mem>>
      %dma_start3A_53 = arith.constant 0 : i32
      %dma_start3A_54 = arith.constant 0 : i32
      %dma_start3A_55 = tpu.memref_slice %arg7[%dma_start3A_53, %dma_start3A_54] : memref<79x128xi32, #tpu.memory_space<vmem>> -> memref<78x128xi32, #tpu.memory_space<vmem>>
      %dma_start3A_56 = arith.constant 0 : i32
      %dma_start3A_57 = tpu.memref_slice %arg2[%mul3A_4, %dma_start3A_56] : memref<2500x128xi32, #tpu.memory_space<hbm>> -> memref<78x128xi32, #tpu.memory_space<hbm>>
      %dma_start3A_58 = arith.constant 0 : i32
      %dma_start3A_59 = arith.constant 0 : i32
      %dma_start3A_60 = tpu.memref_slice %arg7[%dma_start3A_58, %dma_start3A_59] : memref<79x128xi32, #tpu.memory_space<vmem>> -> memref<78x128xi32, #tpu.memory_space<vmem>>
      %dma_start3A_61 = arith.constant 0 : i32
      %dma_start3A_62 = tpu.memref_slice %arg2[%mul3A_4, %dma_start3A_61] : memref<2500x128xi32, #tpu.memory_space<hbm>> -> memref<78x128xi32, #tpu.memory_space<hbm>>
      tpu.enqueue_dma source(%dma_start3A_62 : memref<78x128xi32, #tpu.memory_space<hbm>>) target(%dma_start3A_60 : memref<78x128xi32, #tpu.memory_space<vmem>>) target_semaphore(%run_scoped3A : memref<!tpu.dma_semaphore, #tpu.memory_space<semaphore_mem>>)
      %dma_wait3A = arith.constant 0 : i32
      %dma_wait3A_63 = arith.constant 0 : i32
      %dma_wait3A_64 = tpu.memref_slice %arg7[%dma_wait3A, %dma_wait3A_63] : memref<79x128xi32, #tpu.memory_space<vmem>> -> memref<78x128xi32, #tpu.memory_space<vmem>>
      %dma_wait3A_65 = arith.constant 0 : i32
      %dma_wait3A_66 = tpu.memref_slice %arg2[%mul3A_4, %dma_wait3A_65] : memref<2500x128xi32, #tpu.memory_space<hbm>> -> memref<78x128xi32, #tpu.memory_space<hbm>>
      %dma_wait3A_67 = arith.constant 0 : i32
      %dma_wait3A_68 = arith.constant 0 : i32
      %dma_wait3A_69 = tpu.memref_slice %arg7[%dma_wait3A_67, %dma_wait3A_68] : memref<79x128xi32, #tpu.memory_space<vmem>> -> memref<78x128xi32, #tpu.memory_space<vmem>>
      %dma_wait3A_70 = arith.constant 0 : i32
      %dma_wait3A_71 = tpu.memref_slice %arg2[%mul3A_4, %dma_wait3A_70] : memref<2500x128xi32, #tpu.memory_space<hbm>> -> memref<78x128xi32, #tpu.memory_space<hbm>>
      tpu.wait_dma2 semaphore(%run_scoped3A : memref<!tpu.dma_semaphore, #tpu.memory_space<semaphore_mem>>) src(%dma_wait3A_71 : memref<78x128xi32, #tpu.memory_space<hbm>>) dst(%dma_wait3A_69 : memref<78x128xi32, #tpu.memory_space<vmem>>)
      tpu.yield
    }) : () -> ()
    "tpu.region"() ({
      %run_scoped3A = tpu.sem_alloc : memref<!tpu.dma_semaphore, #tpu.memory_space<semaphore_mem>>
      %dma_start3A_53 = arith.constant 0 : i32
      %dma_start3A_54 = arith.constant 0 : i32
      %dma_start3A_55 = tpu.memref_slice %arg8[%dma_start3A_53, %dma_start3A_54] : memref<79x128xi32, #tpu.memory_space<vmem>> -> memref<78x128xi32, #tpu.memory_space<vmem>>
      %dma_start3A_56 = arith.constant 0 : i32
      %dma_start3A_57 = tpu.memref_slice %arg3[%mul3A_4, %dma_start3A_56] : memref<2500x128xi32, #tpu.memory_space<hbm>> -> memref<78x128xi32, #tpu.memory_space<hbm>>
      %dma_start3A_58 = arith.constant 0 : i32
      %dma_start3A_59 = arith.constant 0 : i32
      %dma_start3A_60 = tpu.memref_slice %arg8[%dma_start3A_58, %dma_start3A_59] : memref<79x128xi32, #tpu.memory_space<vmem>> -> memref<78x128xi32, #tpu.memory_space<vmem>>
      %dma_start3A_61 = arith.constant 0 : i32
      %dma_start3A_62 = tpu.memref_slice %arg3[%mul3A_4, %dma_start3A_61] : memref<2500x128xi32, #tpu.memory_space<hbm>> -> memref<78x128xi32, #tpu.memory_space<hbm>>
      tpu.enqueue_dma source(%dma_start3A_62 : memref<78x128xi32, #tpu.memory_space<hbm>>) target(%dma_start3A_60 : memref<78x128xi32, #tpu.memory_space<vmem>>) target_semaphore(%run_scoped3A : memref<!tpu.dma_semaphore, #tpu.memory_space<semaphore_mem>>)
      %dma_wait3A = arith.constant 0 : i32
      %dma_wait3A_63 = arith.constant 0 : i32
      %dma_wait3A_64 = tpu.memref_slice %arg8[%dma_wait3A, %dma_wait3A_63] : memref<79x128xi32, #tpu.memory_space<vmem>> -> memref<78x128xi32, #tpu.memory_space<vmem>>
      %dma_wait3A_65 = arith.constant 0 : i32
      %dma_wait3A_66 = tpu.memref_slice %arg3[%mul3A_4, %dma_wait3A_65] : memref<2500x128xi32, #tpu.memory_space<hbm>> -> memref<78x128xi32, #tpu.memory_space<hbm>>
      %dma_wait3A_67 = arith.constant 0 : i32
      %dma_wait3A_68 = arith.constant 0 : i32
      %dma_wait3A_69 = tpu.memref_slice %arg8[%dma_wait3A_67, %dma_wait3A_68] : memref<79x128xi32, #tpu.memory_space<vmem>> -> memref<78x128xi32, #tpu.memory_space<vmem>>
      %dma_wait3A_70 = arith.constant 0 : i32
      %dma_wait3A_71 = tpu.memref_slice %arg3[%mul3A_4, %dma_wait3A_70] : memref<2500x128xi32, #tpu.memory_space<hbm>> -> memref<78x128xi32, #tpu.memory_space<hbm>>
      tpu.wait_dma2 semaphore(%run_scoped3A : memref<!tpu.dma_semaphore, #tpu.memory_space<semaphore_mem>>) src(%dma_wait3A_71 : memref<78x128xi32, #tpu.memory_space<hbm>>) dst(%dma_wait3A_69 : memref<78x128xi32, #tpu.memory_space<vmem>>)
      tpu.yield
    }) : () -> ()
    %lt3A = arith.constant 4 : i32
    %lt3A_5 = arith.cmpi slt, %add3A, %lt3A : i32
    %convert_element_type3A = arith.extui %lt3A_5 : i1 to i32
    %cond3A = arith.constant 0 : i32
    %cond3A_6 = arith.cmpi ne, %convert_element_type3A, %cond3A : i32
    scf.if %cond3A_6 {
      %add3A_53 = arith.constant 2496 : i32
      %add3A_54 = arith.addi %add3A_53, %add3A : i32
      "tpu.region"() ({
        %run_scoped3A = tpu.sem_alloc : memref<!tpu.dma_semaphore, #tpu.memory_space<semaphore_mem>>
        %dma_start3A_57 = arith.constant 78 : i32
        %dma_start3A_58 = arith.constant 0 : i32
        %dma_start3A_59 = tpu.memref_slice %arg7[%dma_start3A_57, %dma_start3A_58] : memref<79x128xi32, #tpu.memory_space<vmem>> -> memref<1x128xi32, #tpu.memory_space<vmem>>
        %dma_start3A_60 = arith.constant 0 : i32
        %dma_start3A_61 = tpu.memref_slice %arg2[%add3A_54, %dma_start3A_60] : memref<2500x128xi32, #tpu.memory_space<hbm>> -> memref<1x128xi32, #tpu.memory_space<hbm>>
        %dma_start3A_62 = arith.constant 78 : i32
        %dma_start3A_63 = arith.constant 0 : i32
        %dma_start3A_64 = tpu.memref_slice %arg7[%dma_start3A_62, %dma_start3A_63] : memref<79x128xi32, #tpu.memory_space<vmem>> -> memref<1x128xi32, #tpu.memory_space<vmem>>
        %dma_start3A_65 = arith.constant 0 : i32
        %dma_start3A_66 = tpu.memref_slice %arg2[%add3A_54, %dma_start3A_65] : memref<2500x128xi32, #tpu.memory_space<hbm>> -> memref<1x128xi32, #tpu.memory_space<hbm>>
        tpu.enqueue_dma source(%dma_start3A_66 : memref<1x128xi32, #tpu.memory_space<hbm>>) target(%dma_start3A_64 : memref<1x128xi32, #tpu.memory_space<vmem>>) target_semaphore(%run_scoped3A : memref<!tpu.dma_semaphore, #tpu.memory_space<semaphore_mem>>)
        %dma_wait3A = arith.constant 78 : i32
        %dma_wait3A_67 = arith.constant 0 : i32
        %dma_wait3A_68 = tpu.memref_slice %arg7[%dma_wait3A, %dma_wait3A_67] : memref<79x128xi32, #tpu.memory_space<vmem>> -> memref<1x128xi32, #tpu.memory_space<vmem>>
        %dma_wait3A_69 = arith.constant 0 : i32
        %dma_wait3A_70 = tpu.memref_slice %arg2[%add3A_54, %dma_wait3A_69] : memref<2500x128xi32, #tpu.memory_space<hbm>> -> memref<1x128xi32, #tpu.memory_space<hbm>>
        %dma_wait3A_71 = arith.constant 78 : i32
        %dma_wait3A_72 = arith.constant 0 : i32
        %dma_wait3A_73 = tpu.memref_slice %arg7[%dma_wait3A_71, %dma_wait3A_72] : memref<79x128xi32, #tpu.memory_space<vmem>> -> memref<1x128xi32, #tpu.memory_space<vmem>>
        %dma_wait3A_74 = arith.constant 0 : i32
        %dma_wait3A_75 = tpu.memref_slice %arg2[%add3A_54, %dma_wait3A_74] : memref<2500x128xi32, #tpu.memory_space<hbm>> -> memref<1x128xi32, #tpu.memory_space<hbm>>
        tpu.wait_dma2 semaphore(%run_scoped3A : memref<!tpu.dma_semaphore, #tpu.memory_space<semaphore_mem>>) src(%dma_wait3A_75 : memref<1x128xi32, #tpu.memory_space<hbm>>) dst(%dma_wait3A_73 : memref<1x128xi32, #tpu.memory_space<vmem>>)
        tpu.yield
      }) : () -> ()
      %add3A_55 = arith.constant 2496 : i32
      %add3A_56 = arith.addi %add3A_55, %add3A : i32
      "tpu.region"() ({
        %run_scoped3A = tpu.sem_alloc : memref<!tpu.dma_semaphore, #tpu.memory_space<semaphore_mem>>
        %dma_start3A_57 = arith.constant 78 : i32
        %dma_start3A_58 = arith.constant 0 : i32
        %dma_start3A_59 = tpu.memref_slice %arg8[%dma_start3A_57, %dma_start3A_58] : memref<79x128xi32, #tpu.memory_space<vmem>> -> memref<1x128xi32, #tpu.memory_space<vmem>>
        %dma_start3A_60 = arith.constant 0 : i32
        %dma_start3A_61 = tpu.memref_slice %arg3[%add3A_56, %dma_start3A_60] : memref<2500x128xi32, #tpu.memory_space<hbm>> -> memref<1x128xi32, #tpu.memory_space<hbm>>
        %dma_start3A_62 = arith.constant 78 : i32
        %dma_start3A_63 = arith.constant 0 : i32
        %dma_start3A_64 = tpu.memref_slice %arg8[%dma_start3A_62, %dma_start3A_63] : memref<79x128xi32, #tpu.memory_space<vmem>> -> memref<1x128xi32, #tpu.memory_space<vmem>>
        %dma_start3A_65 = arith.constant 0 : i32
        %dma_start3A_66 = tpu.memref_slice %arg3[%add3A_56, %dma_start3A_65] : memref<2500x128xi32, #tpu.memory_space<hbm>> -> memref<1x128xi32, #tpu.memory_space<hbm>>
        tpu.enqueue_dma source(%dma_start3A_66 : memref<1x128xi32, #tpu.memory_space<hbm>>) target(%dma_start3A_64 : memref<1x128xi32, #tpu.memory_space<vmem>>) target_semaphore(%run_scoped3A : memref<!tpu.dma_semaphore, #tpu.memory_space<semaphore_mem>>)
        %dma_wait3A = arith.constant 78 : i32
        %dma_wait3A_67 = arith.constant 0 : i32
        %dma_wait3A_68 = tpu.memref_slice %arg8[%dma_wait3A, %dma_wait3A_67] : memref<79x128xi32, #tpu.memory_space<vmem>> -> memref<1x128xi32, #tpu.memory_space<vmem>>
        %dma_wait3A_69 = arith.constant 0 : i32
        %dma_wait3A_70 = tpu.memref_slice %arg3[%add3A_56, %dma_wait3A_69] : memref<2500x128xi32, #tpu.memory_space<hbm>> -> memref<1x128xi32, #tpu.memory_space<hbm>>
        %dma_wait3A_71 = arith.constant 78 : i32
        %dma_wait3A_72 = arith.constant 0 : i32
        %dma_wait3A_73 = tpu.memref_slice %arg8[%dma_wait3A_71, %dma_wait3A_72] : memref<79x128xi32, #tpu.memory_space<vmem>> -> memref<1x128xi32, #tpu.memory_space<vmem>>
        %dma_wait3A_74 = arith.constant 0 : i32
        %dma_wait3A_75 = tpu.memref_slice %arg3[%add3A_56, %dma_wait3A_74] : memref<2500x128xi32, #tpu.memory_space<hbm>> -> memref<1x128xi32, #tpu.memory_space<hbm>>
        tpu.wait_dma2 semaphore(%run_scoped3A : memref<!tpu.dma_semaphore, #tpu.memory_space<semaphore_mem>>) src(%dma_wait3A_75 : memref<1x128xi32, #tpu.memory_space<hbm>>) dst(%dma_wait3A_73 : memref<1x128xi32, #tpu.memory_space<vmem>>)
        tpu.yield
      }) : () -> ()
    } else {
    }
    %dma_start3A = arith.constant 0 : i32
    %dma_start3A_7 = arith.constant 0 : i32
    %dma_start3A_8 = arith.constant 0 : i32
    %dma_start3A_9 = arith.constant 0 : i32
    %dma_start3A_10 = tpu.memref_slice %arg9[%dma_start3A_7, %dma_start3A_8, %dma_start3A_9] : memref<2x384x64xf32, #tpu.memory_space<vmem>> -> memref<1x128x64xf32, #tpu.memory_space<vmem>>
    %dma_start3A_11 = tpu.memref_squeeze %dma_start3A_10 : memref<1x128x64xf32, #tpu.memory_space<vmem>> -> memref<128x64xf32, #tpu.memory_space<vmem>>
    %dma_start3A_12 = arith.constant 0 : i32
    %dma_start3A_13 = tpu.memref_slice %arg7[%dma_start3A, %dma_start3A_12] : memref<79x128xi32, #tpu.memory_space<vmem>> -> memref<1x128xi32, #tpu.memory_space<vmem>>
    %dma_start3A_14 = tpu.memref_squeeze %dma_start3A_13 : memref<1x128xi32, #tpu.memory_space<vmem>> -> memref<128xi32, #tpu.memory_space<vmem>>
    %dma_start3A_15 = arith.constant 0 : i32
    %dma_start3A_16 = arith.constant 0 : i32
    %dma_start3A_17 = tpu.memref_slice %arg4[%dma_start3A_15, %dma_start3A_16] : memref<10000x64xf32, #tpu.memory_space<hbm>> -> memref<10000x64xf32, #tpu.memory_space<hbm>>
    tpu.enqueue_indirect_dma source(%dma_start3A_17 : memref<10000x64xf32, #tpu.memory_space<hbm>>) target(%dma_start3A_11 : memref<128x64xf32, #tpu.memory_space<vmem>>) offsets(%dma_start3A_14 : memref<128xi32, #tpu.memory_space<vmem>>) semaphore(%arg11 : memref<!tpu.dma_semaphore, #tpu.memory_space<semaphore_mem>>)
    %dma_start3A_18 = arith.constant 1 : i32
    %dma_start3A_19 = arith.constant 0 : i32
    %dma_start3A_20 = arith.constant 128 : i32
    %dma_start3A_21 = arith.constant 0 : i32
    %dma_start3A_22 = tpu.memref_slice %arg9[%dma_start3A_19, %dma_start3A_20, %dma_start3A_21] : memref<2x384x64xf32, #tpu.memory_space<vmem>> -> memref<1x128x64xf32, #tpu.memory_space<vmem>>
    %dma_start3A_23 = tpu.memref_squeeze %dma_start3A_22 : memref<1x128x64xf32, #tpu.memory_space<vmem>> -> memref<128x64xf32, #tpu.memory_space<vmem>>
    %dma_start3A_24 = arith.constant 0 : i32
    %dma_start3A_25 = tpu.memref_slice %arg7[%dma_start3A_18, %dma_start3A_24] : memref<79x128xi32, #tpu.memory_space<vmem>> -> memref<1x128xi32, #tpu.memory_space<vmem>>
    %dma_start3A_26 = tpu.memref_squeeze %dma_start3A_25 : memref<1x128xi32, #tpu.memory_space<vmem>> -> memref<128xi32, #tpu.memory_space<vmem>>
    %dma_start3A_27 = arith.constant 0 : i32
    %dma_start3A_28 = arith.constant 0 : i32
    %dma_start3A_29 = tpu.memref_slice %arg4[%dma_start3A_27, %dma_start3A_28] : memref<10000x64xf32, #tpu.memory_space<hbm>> -> memref<10000x64xf32, #tpu.memory_space<hbm>>
    tpu.enqueue_indirect_dma source(%dma_start3A_29 : memref<10000x64xf32, #tpu.memory_space<hbm>>) target(%dma_start3A_23 : memref<128x64xf32, #tpu.memory_space<vmem>>) offsets(%dma_start3A_26 : memref<128xi32, #tpu.memory_space<vmem>>) semaphore(%arg11 : memref<!tpu.dma_semaphore, #tpu.memory_space<semaphore_mem>>)
    %dma_start3A_30 = arith.constant 2 : i32
    %dma_start3A_31 = arith.constant 0 : i32
    %dma_start3A_32 = arith.constant 256 : i32
    %dma_start3A_33 = arith.constant 0 : i32
    %dma_start3A_34 = tpu.memref_slice %arg9[%dma_start3A_31, %dma_start3A_32, %dma_start3A_33] : memref<2x384x64xf32, #tpu.memory_space<vmem>> -> memref<1x128x64xf32, #tpu.memory_space<vmem>>
    %dma_start3A_35 = tpu.memref_squeeze %dma_start3A_34 : memref<1x128x64xf32, #tpu.memory_space<vmem>> -> memref<128x64xf32, #tpu.memory_space<vmem>>
    %dma_start3A_36 = arith.constant 0 : i32
    %dma_start3A_37 = tpu.memref_slice %arg7[%dma_start3A_30, %dma_start3A_36] : memref<79x128xi32, #tpu.memory_space<vmem>> -> memref<1x128xi32, #tpu.memory_space<vmem>>
    %dma_start3A_38 = tpu.memref_squeeze %dma_start3A_37 : memref<1x128xi32, #tpu.memory_space<vmem>> -> memref<128xi32, #tpu.memory_space<vmem>>
    %dma_start3A_39 = arith.constant 0 : i32
    %dma_start3A_40 = arith.constant 0 : i32
    %dma_start3A_41 = tpu.memref_slice %arg4[%dma_start3A_39, %dma_start3A_40] : memref<10000x64xf32, #tpu.memory_space<hbm>> -> memref<10000x64xf32, #tpu.memory_space<hbm>>
    tpu.enqueue_indirect_dma source(%dma_start3A_41 : memref<10000x64xf32, #tpu.memory_space<hbm>>) target(%dma_start3A_35 : memref<128x64xf32, #tpu.memory_space<vmem>>) offsets(%dma_start3A_38 : memref<128xi32, #tpu.memory_space<vmem>>) semaphore(%arg11 : memref<!tpu.dma_semaphore, #tpu.memory_space<semaphore_mem>>)
    "tpu.region"() ({
      %run_scoped3A = tpu.sem_alloc : memref<!tpu.dma_semaphore, #tpu.memory_space<semaphore_mem>>
      %dma_start3A_53 = arith.constant 0 : i32
      %dma_start3A_54 = tpu.memref_slice %arg10[%mul3A_2, %dma_start3A_53] : memref<10240x64xf32, #tpu.memory_space<vmem_shared>> -> memref<640x64xf32, #tpu.memory_space<vmem_shared>>
      tpu.enqueue_dma source(%arg5 : memref<640x64xf32, #tpu.memory_space<hbm>>) target(%dma_start3A_54 : memref<640x64xf32, #tpu.memory_space<vmem_shared>>) target_semaphore(%run_scoped3A : memref<!tpu.dma_semaphore, #tpu.memory_space<semaphore_mem>>)
      %dma_wait3A = arith.constant 0 : i32
      %dma_wait3A_55 = tpu.memref_slice %arg10[%mul3A_2, %dma_wait3A] : memref<10240x64xf32, #tpu.memory_space<vmem_shared>> -> memref<640x64xf32, #tpu.memory_space<vmem_shared>>
      tpu.wait_dma2 semaphore(%run_scoped3A : memref<!tpu.dma_semaphore, #tpu.memory_space<semaphore_mem>>) src(%arg5 : memref<640x64xf32, #tpu.memory_space<hbm>>) dst(%dma_wait3A_55 : memref<640x64xf32, #tpu.memory_space<vmem_shared>>)
      tpu.yield
    }) : () -> ()
    %barrier3A = arith.constant 0 : index
    tpu.barrier barrier_id(%barrier3A)
    %scan3A = arith.constant 0 : i32
    %scan3A_42 = arith.constant 0 : i32
    %scan3A_43 = arith.constant 13 : i32
    %scan3A_44 = arith.addi %scan3A_42, %scan3A_43 : i32
    %scan3A_45 = arith.constant 1 : i32
    scf.for %scan3A_53 = %scan3A_42 to %scan3A_44 step %scan3A_45  : i32 {
      %mul3A_54 = arith.constant 2 : i32
      %mul3A_55 = arith.muli %scan3A_53, %mul3A_54 : i32
      %add3A_56 = arith.constant 0 : i32
      %add3A_57 = arith.addi %mul3A_55, %add3A_56 : i32
      %add3A_58 = arith.constant 1 : i32
      %add3A_59 = arith.addi %add3A_57, %add3A_58 : i32
      %lt3A_60 = arith.constant 26 : i32
      %lt3A_61 = arith.cmpi slt, %add3A_59, %lt3A_60 : i32
      %convert_element_type3A_62 = arith.extui %lt3A_61 : i1 to i32
      %cond3A_63 = arith.constant 0 : i32
      %cond3A_64 = arith.cmpi ne, %convert_element_type3A_62, %cond3A_63 : i32
      scf.if %cond3A_64 {
        %add3A_134 = arith.constant 1 : i32
        %add3A_135 = arith.addi %add3A_57, %add3A_134 : i32
        %mul3A_136 = arith.constant 3 : i32
        %mul3A_137 = arith.muli %add3A_135, %mul3A_136 : i32
        %add3A_138 = arith.constant 0 : i32
        %add3A_139 = arith.addi %mul3A_137, %add3A_138 : i32
        %dma_start3A_140 = arith.constant 1 : i32
        %dma_start3A_141 = arith.constant 0 : i32
        %dma_start3A_142 = arith.constant 0 : i32
        %dma_start3A_143 = tpu.memref_slice %arg9[%dma_start3A_140, %dma_start3A_141, %dma_start3A_142] : memref<2x384x64xf32, #tpu.memory_space<vmem>> -> memref<1x128x64xf32, #tpu.memory_space<vmem>>
        %dma_start3A_144 = tpu.memref_squeeze %dma_start3A_143 : memref<1x128x64xf32, #tpu.memory_space<vmem>> -> memref<128x64xf32, #tpu.memory_space<vmem>>
        %dma_start3A_145 = arith.constant 0 : i32
        %dma_start3A_146 = tpu.memref_slice %arg7[%add3A_139, %dma_start3A_145] : memref<79x128xi32, #tpu.memory_space<vmem>> -> memref<1x128xi32, #tpu.memory_space<vmem>>
        %dma_start3A_147 = tpu.memref_squeeze %dma_start3A_146 : memref<1x128xi32, #tpu.memory_space<vmem>> -> memref<128xi32, #tpu.memory_space<vmem>>
        %dma_start3A_148 = arith.constant 0 : i32
        %dma_start3A_149 = arith.constant 0 : i32
        %dma_start3A_150 = tpu.memref_slice %arg4[%dma_start3A_148, %dma_start3A_149] : memref<10000x64xf32, #tpu.memory_space<hbm>> -> memref<10000x64xf32, #tpu.memory_space<hbm>>
        tpu.enqueue_indirect_dma source(%dma_start3A_150 : memref<10000x64xf32, #tpu.memory_space<hbm>>) target(%dma_start3A_144 : memref<128x64xf32, #tpu.memory_space<vmem>>) offsets(%dma_start3A_147 : memref<128xi32, #tpu.memory_space<vmem>>) semaphore(%arg12 : memref<!tpu.dma_semaphore, #tpu.memory_space<semaphore_mem>>)
        %mul3A_151 = arith.constant 3 : i32
        %mul3A_152 = arith.muli %add3A_135, %mul3A_151 : i32
        %add3A_153 = arith.constant 1 : i32
        %add3A_154 = arith.addi %mul3A_152, %add3A_153 : i32
        %dma_start3A_155 = arith.constant 1 : i32
        %dma_start3A_156 = arith.constant 128 : i32
        %dma_start3A_157 = arith.constant 0 : i32
        %dma_start3A_158 = tpu.memref_slice %arg9[%dma_start3A_155, %dma_start3A_156, %dma_start3A_157] : memref<2x384x64xf32, #tpu.memory_space<vmem>> -> memref<1x128x64xf32, #tpu.memory_space<vmem>>
        %dma_start3A_159 = tpu.memref_squeeze %dma_start3A_158 : memref<1x128x64xf32, #tpu.memory_space<vmem>> -> memref<128x64xf32, #tpu.memory_space<vmem>>
        %dma_start3A_160 = arith.constant 0 : i32
        %dma_start3A_161 = tpu.memref_slice %arg7[%add3A_154, %dma_start3A_160] : memref<79x128xi32, #tpu.memory_space<vmem>> -> memref<1x128xi32, #tpu.memory_space<vmem>>
        %dma_start3A_162 = tpu.memref_squeeze %dma_start3A_161 : memref<1x128xi32, #tpu.memory_space<vmem>> -> memref<128xi32, #tpu.memory_space<vmem>>
        %dma_start3A_163 = arith.constant 0 : i32
        %dma_start3A_164 = arith.constant 0 : i32
        %dma_start3A_165 = tpu.memref_slice %arg4[%dma_start3A_163, %dma_start3A_164] : memref<10000x64xf32, #tpu.memory_space<hbm>> -> memref<10000x64xf32, #tpu.memory_space<hbm>>
        tpu.enqueue_indirect_dma source(%dma_start3A_165 : memref<10000x64xf32, #tpu.memory_space<hbm>>) target(%dma_start3A_159 : memref<128x64xf32, #tpu.memory_space<vmem>>) offsets(%dma_start3A_162 : memref<128xi32, #tpu.memory_space<vmem>>) semaphore(%arg12 : memref<!tpu.dma_semaphore, #tpu.memory_space<semaphore_mem>>)
        %mul3A_166 = arith.constant 3 : i32
        %mul3A_167 = arith.muli %add3A_135, %mul3A_166 : i32
        %add3A_168 = arith.constant 2 : i32
        %add3A_169 = arith.addi %mul3A_167, %add3A_168 : i32
        %dma_start3A_170 = arith.constant 1 : i32
        %dma_start3A_171 = arith.constant 256 : i32
        %dma_start3A_172 = arith.constant 0 : i32
        %dma_start3A_173 = tpu.memref_slice %arg9[%dma_start3A_170, %dma_start3A_171, %dma_start3A_172] : memref<2x384x64xf32, #tpu.memory_space<vmem>> -> memref<1x128x64xf32, #tpu.memory_space<vmem>>
        %dma_start3A_174 = tpu.memref_squeeze %dma_start3A_173 : memref<1x128x64xf32, #tpu.memory_space<vmem>> -> memref<128x64xf32, #tpu.memory_space<vmem>>
        %dma_start3A_175 = arith.constant 0 : i32
        %dma_start3A_176 = tpu.memref_slice %arg7[%add3A_169, %dma_start3A_175] : memref<79x128xi32, #tpu.memory_space<vmem>> -> memref<1x128xi32, #tpu.memory_space<vmem>>
        %dma_start3A_177 = tpu.memref_squeeze %dma_start3A_176 : memref<1x128xi32, #tpu.memory_space<vmem>> -> memref<128xi32, #tpu.memory_space<vmem>>
        %dma_start3A_178 = arith.constant 0 : i32
        %dma_start3A_179 = arith.constant 0 : i32
        %dma_start3A_180 = tpu.memref_slice %arg4[%dma_start3A_178, %dma_start3A_179] : memref<10000x64xf32, #tpu.memory_space<hbm>> -> memref<10000x64xf32, #tpu.memory_space<hbm>>
        tpu.enqueue_indirect_dma source(%dma_start3A_180 : memref<10000x64xf32, #tpu.memory_space<hbm>>) target(%dma_start3A_174 : memref<128x64xf32, #tpu.memory_space<vmem>>) offsets(%dma_start3A_177 : memref<128xi32, #tpu.memory_space<vmem>>) semaphore(%arg12 : memref<!tpu.dma_semaphore, #tpu.memory_space<semaphore_mem>>)
      } else {
      }
      %dma_wait3A = arith.constant 0 : i32
      %dma_wait3A_65 = arith.constant 0 : i32
      %dma_wait3A_66 = arith.constant 0 : i32
      %dma_wait3A_67 = tpu.memref_slice %arg9[%dma_wait3A, %dma_wait3A_65, %dma_wait3A_66] : memref<2x384x64xf32, #tpu.memory_space<vmem>> -> memref<1x384x64xf32, #tpu.memory_space<vmem>>
      %dma_wait3A_68 = tpu.memref_squeeze %dma_wait3A_67 : memref<1x384x64xf32, #tpu.memory_space<vmem>> -> memref<384x64xf32, #tpu.memory_space<vmem>>
      %dma_wait3A_69 = arith.constant 0 : i32
      %dma_wait3A_70 = arith.constant 0 : i32
      %dma_wait3A_71 = tpu.memref_slice %arg4[%dma_wait3A_69, %dma_wait3A_70] : memref<10000x64xf32, #tpu.memory_space<hbm>> -> memref<384x64xf32, #tpu.memory_space<hbm>>
      %dma_wait3A_72 = arith.constant 0 : i32
      %dma_wait3A_73 = arith.constant 0 : i32
      %dma_wait3A_74 = tpu.memref_slice %arg9[%dma_wait3A, %dma_wait3A_72, %dma_wait3A_73] : memref<2x384x64xf32, #tpu.memory_space<vmem>> -> memref<1x384x64xf32, #tpu.memory_space<vmem>>
      %dma_wait3A_75 = tpu.memref_squeeze %dma_wait3A_74 : memref<1x384x64xf32, #tpu.memory_space<vmem>> -> memref<384x64xf32, #tpu.memory_space<vmem>>
      %dma_wait3A_76 = arith.constant 0 : i32
      %dma_wait3A_77 = arith.constant 0 : i32
      %dma_wait3A_78 = tpu.memref_slice %arg4[%dma_wait3A_76, %dma_wait3A_77] : memref<10000x64xf32, #tpu.memory_space<hbm>> -> memref<384x64xf32, #tpu.memory_space<hbm>>
      tpu.wait_dma2 semaphore(%arg11 : memref<!tpu.dma_semaphore, #tpu.memory_space<semaphore_mem>>) src(%dma_wait3A_78 : memref<384x64xf32, #tpu.memory_space<hbm>>) dst(%dma_wait3A_75 : memref<384x64xf32, #tpu.memory_space<vmem>>)
      %mul3A_79 = arith.constant 3 : i32
      %mul3A_80 = arith.muli %add3A_57, %mul3A_79 : i32
      %add3A_81 = arith.constant 0 : i32
      %add3A_82 = arith.addi %mul3A_80, %add3A_81 : i32
      %run_scoped3A = arith.constant 0 : i32
      "tpu.region"() ({
        %run_scoped3A_134 = tpu.sem_alloc : memref<!tpu.dma_semaphore, #tpu.memory_space<semaphore_mem>>
        %dma_start3A_135 = arith.constant 0 : i32
        %dma_start3A_136 = arith.constant 0 : i32
        %dma_start3A_137 = tpu.memref_slice %arg9[%run_scoped3A, %dma_start3A_135, %dma_start3A_136] : memref<2x384x64xf32, #tpu.memory_space<vmem>> -> memref<1x128x64xf32, #tpu.memory_space<vmem>>
        %dma_start3A_138 = tpu.memref_squeeze %dma_start3A_137 : memref<1x128x64xf32, #tpu.memory_space<vmem>> -> memref<128x64xf32, #tpu.memory_space<vmem>>
        %dma_start3A_139 = arith.constant 0 : i32
        %dma_start3A_140 = tpu.memref_slice %arg8[%add3A_82, %dma_start3A_139] : memref<79x128xi32, #tpu.memory_space<vmem>> -> memref<1x128xi32, #tpu.memory_space<vmem>>
        %dma_start3A_141 = tpu.memref_squeeze %dma_start3A_140 : memref<1x128xi32, #tpu.memory_space<vmem>> -> memref<128xi32, #tpu.memory_space<vmem>>
        %dma_start3A_142 = arith.constant 0 : i32
        %dma_start3A_143 = arith.constant 0 : i32
        %dma_start3A_144 = tpu.memref_slice %arg10[%dma_start3A_142, %dma_start3A_143] : memref<10240x64xf32, #tpu.memory_space<vmem_shared>> -> memref<10240x64xf32, #tpu.memory_space<vmem_shared>>
        tpu.enqueue_indirect_dma source(%dma_start3A_138 : memref<128x64xf32, #tpu.memory_space<vmem>>) target(%dma_start3A_144 : memref<10240x64xf32, #tpu.memory_space<vmem_shared>>) offsets(%dma_start3A_141 : memref<128xi32, #tpu.memory_space<vmem>>) semaphore(%run_scoped3A_134 : memref<!tpu.dma_semaphore, #tpu.memory_space<semaphore_mem>>) {add = true}
        %dma_wait3A_145 = arith.constant 0 : i32
        %dma_wait3A_146 = arith.constant 0 : i32
        %dma_wait3A_147 = tpu.memref_slice %arg9[%run_scoped3A, %dma_wait3A_145, %dma_wait3A_146] : memref<2x384x64xf32, #tpu.memory_space<vmem>> -> memref<1x128x64xf32, #tpu.memory_space<vmem>>
        %dma_wait3A_148 = tpu.memref_squeeze %dma_wait3A_147 : memref<1x128x64xf32, #tpu.memory_space<vmem>> -> memref<128x64xf32, #tpu.memory_space<vmem>>
        %dma_wait3A_149 = arith.constant 0 : i32
        %dma_wait3A_150 = tpu.memref_slice %arg8[%add3A_82, %dma_wait3A_149] : memref<79x128xi32, #tpu.memory_space<vmem>> -> memref<1x128xi32, #tpu.memory_space<vmem>>
        %dma_wait3A_151 = tpu.memref_squeeze %dma_wait3A_150 : memref<1x128xi32, #tpu.memory_space<vmem>> -> memref<128xi32, #tpu.memory_space<vmem>>
        %dma_wait3A_152 = arith.constant 0 : i32
        %dma_wait3A_153 = arith.constant 0 : i32
        %dma_wait3A_154 = tpu.memref_slice %arg10[%dma_wait3A_152, %dma_wait3A_153] : memref<10240x64xf32, #tpu.memory_space<vmem_shared>> -> memref<10240x64xf32, #tpu.memory_space<vmem_shared>>
        tpu.wait_indirect_dma semaphore(%run_scoped3A_134 : memref<!tpu.dma_semaphore, #tpu.memory_space<semaphore_mem>>) src(%dma_wait3A_148 : memref<128x64xf32, #tpu.memory_space<vmem>>) dst(%dma_wait3A_154 : memref<10240x64xf32, #tpu.memory_space<vmem_shared>>)
        tpu.yield
      }) : () -> ()
      %mul3A_83 = arith.constant 3 : i32
      %mul3A_84 = arith.muli %add3A_57, %mul3A_83 : i32
      %add3A_85 = arith.constant 1 : i32
      %add3A_86 = arith.addi %mul3A_84, %add3A_85 : i32
      %run_scoped3A_87 = arith.constant 0 : i32
      "tpu.region"() ({
        %run_scoped3A_134 = tpu.sem_alloc : memref<!tpu.dma_semaphore, #tpu.memory_space<semaphore_mem>>
        %dma_start3A_135 = arith.constant 128 : i32
        %dma_start3A_136 = arith.constant 0 : i32
        %dma_start3A_137 = tpu.memref_slice %arg9[%run_scoped3A_87, %dma_start3A_135, %dma_start3A_136] : memref<2x384x64xf32, #tpu.memory_space<vmem>> -> memref<1x128x64xf32, #tpu.memory_space<vmem>>
        %dma_start3A_138 = tpu.memref_squeeze %dma_start3A_137 : memref<1x128x64xf32, #tpu.memory_space<vmem>> -> memref<128x64xf32, #tpu.memory_space<vmem>>
        %dma_start3A_139 = arith.constant 0 : i32
        %dma_start3A_140 = tpu.memref_slice %arg8[%add3A_86, %dma_start3A_139] : memref<79x128xi32, #tpu.memory_space<vmem>> -> memref<1x128xi32, #tpu.memory_space<vmem>>
        %dma_start3A_141 = tpu.memref_squeeze %dma_start3A_140 : memref<1x128xi32, #tpu.memory_space<vmem>> -> memref<128xi32, #tpu.memory_space<vmem>>
        %dma_start3A_142 = arith.constant 0 : i32
        %dma_start3A_143 = arith.constant 0 : i32
        %dma_start3A_144 = tpu.memref_slice %arg10[%dma_start3A_142, %dma_start3A_143] : memref<10240x64xf32, #tpu.memory_space<vmem_shared>> -> memref<10240x64xf32, #tpu.memory_space<vmem_shared>>
        tpu.enqueue_indirect_dma source(%dma_start3A_138 : memref<128x64xf32, #tpu.memory_space<vmem>>) target(%dma_start3A_144 : memref<10240x64xf32, #tpu.memory_space<vmem_shared>>) offsets(%dma_start3A_141 : memref<128xi32, #tpu.memory_space<vmem>>) semaphore(%run_scoped3A_134 : memref<!tpu.dma_semaphore, #tpu.memory_space<semaphore_mem>>) {add = true}
        %dma_wait3A_145 = arith.constant 128 : i32
        %dma_wait3A_146 = arith.constant 0 : i32
        %dma_wait3A_147 = tpu.memref_slice %arg9[%run_scoped3A_87, %dma_wait3A_145, %dma_wait3A_146] : memref<2x384x64xf32, #tpu.memory_space<vmem>> -> memref<1x128x64xf32, #tpu.memory_space<vmem>>
        %dma_wait3A_148 = tpu.memref_squeeze %dma_wait3A_147 : memref<1x128x64xf32, #tpu.memory_space<vmem>> -> memref<128x64xf32, #tpu.memory_space<vmem>>
        %dma_wait3A_149 = arith.constant 0 : i32
        %dma_wait3A_150 = tpu.memref_slice %arg8[%add3A_86, %dma_wait3A_149] : memref<79x128xi32, #tpu.memory_space<vmem>> -> memref<1x128xi32, #tpu.memory_space<vmem>>
        %dma_wait3A_151 = tpu.memref_squeeze %dma_wait3A_150 : memref<1x128xi32, #tpu.memory_space<vmem>> -> memref<128xi32, #tpu.memory_space<vmem>>
        %dma_wait3A_152 = arith.constant 0 : i32
        %dma_wait3A_153 = arith.constant 0 : i32
        %dma_wait3A_154 = tpu.memref_slice %arg10[%dma_wait3A_152, %dma_wait3A_153] : memref<10240x64xf32, #tpu.memory_space<vmem_shared>> -> memref<10240x64xf32, #tpu.memory_space<vmem_shared>>
        tpu.wait_indirect_dma semaphore(%run_scoped3A_134 : memref<!tpu.dma_semaphore, #tpu.memory_space<semaphore_mem>>) src(%dma_wait3A_148 : memref<128x64xf32, #tpu.memory_space<vmem>>) dst(%dma_wait3A_154 : memref<10240x64xf32, #tpu.memory_space<vmem_shared>>)
        tpu.yield
      }) : () -> ()
      %mul3A_88 = arith.constant 3 : i32
      %mul3A_89 = arith.muli %add3A_57, %mul3A_88 : i32
      %add3A_90 = arith.constant 2 : i32
      %add3A_91 = arith.addi %mul3A_89, %add3A_90 : i32
      %run_scoped3A_92 = arith.constant 0 : i32
      "tpu.region"() ({
        %run_scoped3A_134 = tpu.sem_alloc : memref<!tpu.dma_semaphore, #tpu.memory_space<semaphore_mem>>
        %dma_start3A_135 = arith.constant 256 : i32
        %dma_start3A_136 = arith.constant 0 : i32
        %dma_start3A_137 = tpu.memref_slice %arg9[%run_scoped3A_92, %dma_start3A_135, %dma_start3A_136] : memref<2x384x64xf32, #tpu.memory_space<vmem>> -> memref<1x128x64xf32, #tpu.memory_space<vmem>>
        %dma_start3A_138 = tpu.memref_squeeze %dma_start3A_137 : memref<1x128x64xf32, #tpu.memory_space<vmem>> -> memref<128x64xf32, #tpu.memory_space<vmem>>
        %dma_start3A_139 = arith.constant 0 : i32
        %dma_start3A_140 = tpu.memref_slice %arg8[%add3A_91, %dma_start3A_139] : memref<79x128xi32, #tpu.memory_space<vmem>> -> memref<1x128xi32, #tpu.memory_space<vmem>>
        %dma_start3A_141 = tpu.memref_squeeze %dma_start3A_140 : memref<1x128xi32, #tpu.memory_space<vmem>> -> memref<128xi32, #tpu.memory_space<vmem>>
        %dma_start3A_142 = arith.constant 0 : i32
        %dma_start3A_143 = arith.constant 0 : i32
        %dma_start3A_144 = tpu.memref_slice %arg10[%dma_start3A_142, %dma_start3A_143] : memref<10240x64xf32, #tpu.memory_space<vmem_shared>> -> memref<10240x64xf32, #tpu.memory_space<vmem_shared>>
        tpu.enqueue_indirect_dma source(%dma_start3A_138 : memref<128x64xf32, #tpu.memory_space<vmem>>) target(%dma_start3A_144 : memref<10240x64xf32, #tpu.memory_space<vmem_shared>>) offsets(%dma_start3A_141 : memref<128xi32, #tpu.memory_space<vmem>>) semaphore(%run_scoped3A_134 : memref<!tpu.dma_semaphore, #tpu.memory_space<semaphore_mem>>) {add = true}
        %dma_wait3A_145 = arith.constant 256 : i32
        %dma_wait3A_146 = arith.constant 0 : i32
        %dma_wait3A_147 = tpu.memref_slice %arg9[%run_scoped3A_92, %dma_wait3A_145, %dma_wait3A_146] : memref<2x384x64xf32, #tpu.memory_space<vmem>> -> memref<1x128x64xf32, #tpu.memory_space<vmem>>
        %dma_wait3A_148 = tpu.memref_squeeze %dma_wait3A_147 : memref<1x128x64xf32, #tpu.memory_space<vmem>> -> memref<128x64xf32, #tpu.memory_space<vmem>>
        %dma_wait3A_149 = arith.constant 0 : i32
        %dma_wait3A_150 = tpu.memref_slice %arg8[%add3A_91, %dma_wait3A_149] : memref<79x128xi32, #tpu.memory_space<vmem>> -> memref<1x128xi32, #tpu.memory_space<vmem>>
        %dma_wait3A_151 = tpu.memref_squeeze %dma_wait3A_150 : memref<1x128xi32, #tpu.memory_space<vmem>> -> memref<128xi32, #tpu.memory_space<vmem>>
        %dma_wait3A_152 = arith.constant 0 : i32
        %dma_wait3A_153 = arith.constant 0 : i32
        %dma_wait3A_154 = tpu.memref_slice %arg10[%dma_wait3A_152, %dma_wait3A_153] : memref<10240x64xf32, #tpu.memory_space<vmem_shared>> -> memref<10240x64xf32, #tpu.memory_space<vmem_shared>>
        tpu.wait_indirect_dma semaphore(%run_scoped3A_134 : memref<!tpu.dma_semaphore, #tpu.memory_space<semaphore_mem>>) src(%dma_wait3A_148 : memref<128x64xf32, #tpu.memory_space<vmem>>) dst(%dma_wait3A_154 : memref<10240x64xf32, #tpu.memory_space<vmem_shared>>)
        tpu.yield
      }) : () -> ()
      %mul3A_93 = arith.constant 2 : i32
      %mul3A_94 = arith.muli %scan3A_53, %mul3A_93 : i32
      %add3A_95 = arith.constant 1 : i32
      %add3A_96 = arith.addi %mul3A_94, %add3A_95 : i32
      %add3A_97 = arith.constant 1 : i32
      %add3A_98 = arith.addi %add3A_96, %add3A_97 : i32
      %lt3A_99 = arith.constant 26 : i32
      %lt3A_100 = arith.cmpi slt, %add3A_98, %lt3A_99 : i32
      %convert_element_type3A_101 = arith.extui %lt3A_100 : i1 to i32
      %cond3A_102 = arith.constant 0 : i32
      %cond3A_103 = arith.cmpi ne, %convert_element_type3A_101, %cond3A_102 : i32
      scf.if %cond3A_103 {
        %add3A_134 = arith.constant 1 : i32
        %add3A_135 = arith.addi %add3A_96, %add3A_134 : i32
        %mul3A_136 = arith.constant 3 : i32
        %mul3A_137 = arith.muli %add3A_135, %mul3A_136 : i32
        %add3A_138 = arith.constant 0 : i32
        %add3A_139 = arith.addi %mul3A_137, %add3A_138 : i32
        %dma_start3A_140 = arith.constant 0 : i32
        %dma_start3A_141 = arith.constant 0 : i32
        %dma_start3A_142 = arith.constant 0 : i32
        %dma_start3A_143 = tpu.memref_slice %arg9[%dma_start3A_140, %dma_start3A_141, %dma_start3A_142] : memref<2x384x64xf32, #tpu.memory_space<vmem>> -> memref<1x128x64xf32, #tpu.memory_space<vmem>>
        %dma_start3A_144 = tpu.memref_squeeze %dma_start3A_143 : memref<1x128x64xf32, #tpu.memory_space<vmem>> -> memref<128x64xf32, #tpu.memory_space<vmem>>
        %dma_start3A_145 = arith.constant 0 : i32
        %dma_start3A_146 = tpu.memref_slice %arg7[%add3A_139, %dma_start3A_145] : memref<79x128xi32, #tpu.memory_space<vmem>> -> memref<1x128xi32, #tpu.memory_space<vmem>>
        %dma_start3A_147 = tpu.memref_squeeze %dma_start3A_146 : memref<1x128xi32, #tpu.memory_space<vmem>> -> memref<128xi32, #tpu.memory_space<vmem>>
        %dma_start3A_148 = arith.constant 0 : i32
        %dma_start3A_149 = arith.constant 0 : i32
        %dma_start3A_150 = tpu.memref_slice %arg4[%dma_start3A_148, %dma_start3A_149] : memref<10000x64xf32, #tpu.memory_space<hbm>> -> memref<10000x64xf32, #tpu.memory_space<hbm>>
        tpu.enqueue_indirect_dma source(%dma_start3A_150 : memref<10000x64xf32, #tpu.memory_space<hbm>>) target(%dma_start3A_144 : memref<128x64xf32, #tpu.memory_space<vmem>>) offsets(%dma_start3A_147 : memref<128xi32, #tpu.memory_space<vmem>>) semaphore(%arg11 : memref<!tpu.dma_semaphore, #tpu.memory_space<semaphore_mem>>)
        %mul3A_151 = arith.constant 3 : i32
        %mul3A_152 = arith.muli %add3A_135, %mul3A_151 : i32
        %add3A_153 = arith.constant 1 : i32
        %add3A_154 = arith.addi %mul3A_152, %add3A_153 : i32
        %dma_start3A_155 = arith.constant 0 : i32
        %dma_start3A_156 = arith.constant 128 : i32
        %dma_start3A_157 = arith.constant 0 : i32
        %dma_start3A_158 = tpu.memref_slice %arg9[%dma_start3A_155, %dma_start3A_156, %dma_start3A_157] : memref<2x384x64xf32, #tpu.memory_space<vmem>> -> memref<1x128x64xf32, #tpu.memory_space<vmem>>
        %dma_start3A_159 = tpu.memref_squeeze %dma_start3A_158 : memref<1x128x64xf32, #tpu.memory_space<vmem>> -> memref<128x64xf32, #tpu.memory_space<vmem>>
        %dma_start3A_160 = arith.constant 0 : i32
        %dma_start3A_161 = tpu.memref_slice %arg7[%add3A_154, %dma_start3A_160] : memref<79x128xi32, #tpu.memory_space<vmem>> -> memref<1x128xi32, #tpu.memory_space<vmem>>
        %dma_start3A_162 = tpu.memref_squeeze %dma_start3A_161 : memref<1x128xi32, #tpu.memory_space<vmem>> -> memref<128xi32, #tpu.memory_space<vmem>>
        %dma_start3A_163 = arith.constant 0 : i32
        %dma_start3A_164 = arith.constant 0 : i32
        %dma_start3A_165 = tpu.memref_slice %arg4[%dma_start3A_163, %dma_start3A_164] : memref<10000x64xf32, #tpu.memory_space<hbm>> -> memref<10000x64xf32, #tpu.memory_space<hbm>>
        tpu.enqueue_indirect_dma source(%dma_start3A_165 : memref<10000x64xf32, #tpu.memory_space<hbm>>) target(%dma_start3A_159 : memref<128x64xf32, #tpu.memory_space<vmem>>) offsets(%dma_start3A_162 : memref<128xi32, #tpu.memory_space<vmem>>) semaphore(%arg11 : memref<!tpu.dma_semaphore, #tpu.memory_space<semaphore_mem>>)
        %mul3A_166 = arith.constant 3 : i32
        %mul3A_167 = arith.muli %add3A_135, %mul3A_166 : i32
        %add3A_168 = arith.constant 2 : i32
        %add3A_169 = arith.addi %mul3A_167, %add3A_168 : i32
        %dma_start3A_170 = arith.constant 0 : i32
        %dma_start3A_171 = arith.constant 256 : i32
        %dma_start3A_172 = arith.constant 0 : i32
        %dma_start3A_173 = tpu.memref_slice %arg9[%dma_start3A_170, %dma_start3A_171, %dma_start3A_172] : memref<2x384x64xf32, #tpu.memory_space<vmem>> -> memref<1x128x64xf32, #tpu.memory_space<vmem>>
        %dma_start3A_174 = tpu.memref_squeeze %dma_start3A_173 : memref<1x128x64xf32, #tpu.memory_space<vmem>> -> memref<128x64xf32, #tpu.memory_space<vmem>>
        %dma_start3A_175 = arith.constant 0 : i32
        %dma_start3A_176 = tpu.memref_slice %arg7[%add3A_169, %dma_start3A_175] : memref<79x128xi32, #tpu.memory_space<vmem>> -> memref<1x128xi32, #tpu.memory_space<vmem>>
        %dma_start3A_177 = tpu.memref_squeeze %dma_start3A_176 : memref<1x128xi32, #tpu.memory_space<vmem>> -> memref<128xi32, #tpu.memory_space<vmem>>
        %dma_start3A_178 = arith.constant 0 : i32
        %dma_start3A_179 = arith.constant 0 : i32
        %dma_start3A_180 = tpu.memref_slice %arg4[%dma_start3A_178, %dma_start3A_179] : memref<10000x64xf32, #tpu.memory_space<hbm>> -> memref<10000x64xf32, #tpu.memory_space<hbm>>
        tpu.enqueue_indirect_dma source(%dma_start3A_180 : memref<10000x64xf32, #tpu.memory_space<hbm>>) target(%dma_start3A_174 : memref<128x64xf32, #tpu.memory_space<vmem>>) offsets(%dma_start3A_177 : memref<128xi32, #tpu.memory_space<vmem>>) semaphore(%arg11 : memref<!tpu.dma_semaphore, #tpu.memory_space<semaphore_mem>>)
      } else {
      }
      %dma_wait3A_104 = arith.constant 1 : i32
      %dma_wait3A_105 = arith.constant 0 : i32
      %dma_wait3A_106 = arith.constant 0 : i32
      %dma_wait3A_107 = tpu.memref_slice %arg9[%dma_wait3A_104, %dma_wait3A_105, %dma_wait3A_106] : memref<2x384x64xf32, #tpu.memory_space<vmem>> -> memref<1x384x64xf32, #tpu.memory_space<vmem>>
      %dma_wait3A_108 = tpu.memref_squeeze %dma_wait3A_107 : memref<1x384x64xf32, #tpu.memory_space<vmem>> -> memref<384x64xf32, #tpu.memory_space<vmem>>
      %dma_wait3A_109 = arith.constant 0 : i32
      %dma_wait3A_110 = arith.constant 0 : i32
      %dma_wait3A_111 = tpu.memref_slice %arg4[%dma_wait3A_109, %dma_wait3A_110] : memref<10000x64xf32, #tpu.memory_space<hbm>> -> memref<384x64xf32, #tpu.memory_space<hbm>>
      %dma_wait3A_112 = arith.constant 0 : i32
      %dma_wait3A_113 = arith.constant 0 : i32
      %dma_wait3A_114 = tpu.memref_slice %arg9[%dma_wait3A_104, %dma_wait3A_112, %dma_wait3A_113] : memref<2x384x64xf32, #tpu.memory_space<vmem>> -> memref<1x384x64xf32, #tpu.memory_space<vmem>>
      %dma_wait3A_115 = tpu.memref_squeeze %dma_wait3A_114 : memref<1x384x64xf32, #tpu.memory_space<vmem>> -> memref<384x64xf32, #tpu.memory_space<vmem>>
      %dma_wait3A_116 = arith.constant 0 : i32
      %dma_wait3A_117 = arith.constant 0 : i32
      %dma_wait3A_118 = tpu.memref_slice %arg4[%dma_wait3A_116, %dma_wait3A_117] : memref<10000x64xf32, #tpu.memory_space<hbm>> -> memref<384x64xf32, #tpu.memory_space<hbm>>
      tpu.wait_dma2 semaphore(%arg12 : memref<!tpu.dma_semaphore, #tpu.memory_space<semaphore_mem>>) src(%dma_wait3A_118 : memref<384x64xf32, #tpu.memory_space<hbm>>) dst(%dma_wait3A_115 : memref<384x64xf32, #tpu.memory_space<vmem>>)
      %mul3A_119 = arith.constant 3 : i32
      %mul3A_120 = arith.muli %add3A_96, %mul3A_119 : i32
      %add3A_121 = arith.constant 0 : i32
      %add3A_122 = arith.addi %mul3A_120, %add3A_121 : i32
      %run_scoped3A_123 = arith.constant 1 : i32
      "tpu.region"() ({
        %run_scoped3A_134 = tpu.sem_alloc : memref<!tpu.dma_semaphore, #tpu.memory_space<semaphore_mem>>
        %dma_start3A_135 = arith.constant 0 : i32
        %dma_start3A_136 = arith.constant 0 : i32
        %dma_start3A_137 = tpu.memref_slice %arg9[%run_scoped3A_123, %dma_start3A_135, %dma_start3A_136] : memref<2x384x64xf32, #tpu.memory_space<vmem>> -> memref<1x128x64xf32, #tpu.memory_space<vmem>>
        %dma_start3A_138 = tpu.memref_squeeze %dma_start3A_137 : memref<1x128x64xf32, #tpu.memory_space<vmem>> -> memref<128x64xf32, #tpu.memory_space<vmem>>
        %dma_start3A_139 = arith.constant 0 : i32
        %dma_start3A_140 = tpu.memref_slice %arg8[%add3A_122, %dma_start3A_139] : memref<79x128xi32, #tpu.memory_space<vmem>> -> memref<1x128xi32, #tpu.memory_space<vmem>>
        %dma_start3A_141 = tpu.memref_squeeze %dma_start3A_140 : memref<1x128xi32, #tpu.memory_space<vmem>> -> memref<128xi32, #tpu.memory_space<vmem>>
        %dma_start3A_142 = arith.constant 0 : i32
        %dma_start3A_143 = arith.constant 0 : i32
        %dma_start3A_144 = tpu.memref_slice %arg10[%dma_start3A_142, %dma_start3A_143] : memref<10240x64xf32, #tpu.memory_space<vmem_shared>> -> memref<10240x64xf32, #tpu.memory_space<vmem_shared>>
        tpu.enqueue_indirect_dma source(%dma_start3A_138 : memref<128x64xf32, #tpu.memory_space<vmem>>) target(%dma_start3A_144 : memref<10240x64xf32, #tpu.memory_space<vmem_shared>>) offsets(%dma_start3A_141 : memref<128xi32, #tpu.memory_space<vmem>>) semaphore(%run_scoped3A_134 : memref<!tpu.dma_semaphore, #tpu.memory_space<semaphore_mem>>) {add = true}
        %dma_wait3A_145 = arith.constant 0 : i32
        %dma_wait3A_146 = arith.constant 0 : i32
        %dma_wait3A_147 = tpu.memref_slice %arg9[%run_scoped3A_123, %dma_wait3A_145, %dma_wait3A_146] : memref<2x384x64xf32, #tpu.memory_space<vmem>> -> memref<1x128x64xf32, #tpu.memory_space<vmem>>
        %dma_wait3A_148 = tpu.memref_squeeze %dma_wait3A_147 : memref<1x128x64xf32, #tpu.memory_space<vmem>> -> memref<128x64xf32, #tpu.memory_space<vmem>>
        %dma_wait3A_149 = arith.constant 0 : i32
        %dma_wait3A_150 = tpu.memref_slice %arg8[%add3A_122, %dma_wait3A_149] : memref<79x128xi32, #tpu.memory_space<vmem>> -> memref<1x128xi32, #tpu.memory_space<vmem>>
        %dma_wait3A_151 = tpu.memref_squeeze %dma_wait3A_150 : memref<1x128xi32, #tpu.memory_space<vmem>> -> memref<128xi32, #tpu.memory_space<vmem>>
        %dma_wait3A_152 = arith.constant 0 : i32
        %dma_wait3A_153 = arith.constant 0 : i32
        %dma_wait3A_154 = tpu.memref_slice %arg10[%dma_wait3A_152, %dma_wait3A_153] : memref<10240x64xf32, #tpu.memory_space<vmem_shared>> -> memref<10240x64xf32, #tpu.memory_space<vmem_shared>>
        tpu.wait_indirect_dma semaphore(%run_scoped3A_134 : memref<!tpu.dma_semaphore, #tpu.memory_space<semaphore_mem>>) src(%dma_wait3A_148 : memref<128x64xf32, #tpu.memory_space<vmem>>) dst(%dma_wait3A_154 : memref<10240x64xf32, #tpu.memory_space<vmem_shared>>)
        tpu.yield
      }) : () -> ()
      %mul3A_124 = arith.constant 3 : i32
      %mul3A_125 = arith.muli %add3A_96, %mul3A_124 : i32
      %add3A_126 = arith.constant 1 : i32
      %add3A_127 = arith.addi %mul3A_125, %add3A_126 : i32
      %run_scoped3A_128 = arith.constant 1 : i32
      "tpu.region"() ({
        %run_scoped3A_134 = tpu.sem_alloc : memref<!tpu.dma_semaphore, #tpu.memory_space<semaphore_mem>>
        %dma_start3A_135 = arith.constant 128 : i32
        %dma_start3A_136 = arith.constant 0 : i32
        %dma_start3A_137 = tpu.memref_slice %arg9[%run_scoped3A_128, %dma_start3A_135, %dma_start3A_136] : memref<2x384x64xf32, #tpu.memory_space<vmem>> -> memref<1x128x64xf32, #tpu.memory_space<vmem>>
        %dma_start3A_138 = tpu.memref_squeeze %dma_start3A_137 : memref<1x128x64xf32, #tpu.memory_space<vmem>> -> memref<128x64xf32, #tpu.memory_space<vmem>>
        %dma_start3A_139 = arith.constant 0 : i32
        %dma_start3A_140 = tpu.memref_slice %arg8[%add3A_127, %dma_start3A_139] : memref<79x128xi32, #tpu.memory_space<vmem>> -> memref<1x128xi32, #tpu.memory_space<vmem>>
        %dma_start3A_141 = tpu.memref_squeeze %dma_start3A_140 : memref<1x128xi32, #tpu.memory_space<vmem>> -> memref<128xi32, #tpu.memory_space<vmem>>
        %dma_start3A_142 = arith.constant 0 : i32
        %dma_start3A_143 = arith.constant 0 : i32
        %dma_start3A_144 = tpu.memref_slice %arg10[%dma_start3A_142, %dma_start3A_143] : memref<10240x64xf32, #tpu.memory_space<vmem_shared>> -> memref<10240x64xf32, #tpu.memory_space<vmem_shared>>
        tpu.enqueue_indirect_dma source(%dma_start3A_138 : memref<128x64xf32, #tpu.memory_space<vmem>>) target(%dma_start3A_144 : memref<10240x64xf32, #tpu.memory_space<vmem_shared>>) offsets(%dma_start3A_141 : memref<128xi32, #tpu.memory_space<vmem>>) semaphore(%run_scoped3A_134 : memref<!tpu.dma_semaphore, #tpu.memory_space<semaphore_mem>>) {add = true}
        %dma_wait3A_145 = arith.constant 128 : i32
        %dma_wait3A_146 = arith.constant 0 : i32
        %dma_wait3A_147 = tpu.memref_slice %arg9[%run_scoped3A_128, %dma_wait3A_145, %dma_wait3A_146] : memref<2x384x64xf32, #tpu.memory_space<vmem>> -> memref<1x128x64xf32, #tpu.memory_space<vmem>>
        %dma_wait3A_148 = tpu.memref_squeeze %dma_wait3A_147 : memref<1x128x64xf32, #tpu.memory_space<vmem>> -> memref<128x64xf32, #tpu.memory_space<vmem>>
        %dma_wait3A_149 = arith.constant 0 : i32
        %dma_wait3A_150 = tpu.memref_slice %arg8[%add3A_127, %dma_wait3A_149] : memref<79x128xi32, #tpu.memory_space<vmem>> -> memref<1x128xi32, #tpu.memory_space<vmem>>
        %dma_wait3A_151 = tpu.memref_squeeze %dma_wait3A_150 : memref<1x128xi32, #tpu.memory_space<vmem>> -> memref<128xi32, #tpu.memory_space<vmem>>
        %dma_wait3A_152 = arith.constant 0 : i32
        %dma_wait3A_153 = arith.constant 0 : i32
        %dma_wait3A_154 = tpu.memref_slice %arg10[%dma_wait3A_152, %dma_wait3A_153] : memref<10240x64xf32, #tpu.memory_space<vmem_shared>> -> memref<10240x64xf32, #tpu.memory_space<vmem_shared>>
        tpu.wait_indirect_dma semaphore(%run_scoped3A_134 : memref<!tpu.dma_semaphore, #tpu.memory_space<semaphore_mem>>) src(%dma_wait3A_148 : memref<128x64xf32, #tpu.memory_space<vmem>>) dst(%dma_wait3A_154 : memref<10240x64xf32, #tpu.memory_space<vmem_shared>>)
        tpu.yield
      }) : () -> ()
      %mul3A_129 = arith.constant 3 : i32
      %mul3A_130 = arith.muli %add3A_96, %mul3A_129 : i32
      %add3A_131 = arith.constant 2 : i32
      %add3A_132 = arith.addi %mul3A_130, %add3A_131 : i32
      %run_scoped3A_133 = arith.constant 1 : i32
      "tpu.region"() ({
        %run_scoped3A_134 = tpu.sem_alloc : memref<!tpu.dma_semaphore, #tpu.memory_space<semaphore_mem>>
        %dma_start3A_135 = arith.constant 256 : i32
        %dma_start3A_136 = arith.constant 0 : i32
        %dma_start3A_137 = tpu.memref_slice %arg9[%run_scoped3A_133, %dma_start3A_135, %dma_start3A_136] : memref<2x384x64xf32, #tpu.memory_space<vmem>> -> memref<1x128x64xf32, #tpu.memory_space<vmem>>
        %dma_start3A_138 = tpu.memref_squeeze %dma_start3A_137 : memref<1x128x64xf32, #tpu.memory_space<vmem>> -> memref<128x64xf32, #tpu.memory_space<vmem>>
        %dma_start3A_139 = arith.constant 0 : i32
        %dma_start3A_140 = tpu.memref_slice %arg8[%add3A_132, %dma_start3A_139] : memref<79x128xi32, #tpu.memory_space<vmem>> -> memref<1x128xi32, #tpu.memory_space<vmem>>
        %dma_start3A_141 = tpu.memref_squeeze %dma_start3A_140 : memref<1x128xi32, #tpu.memory_space<vmem>> -> memref<128xi32, #tpu.memory_space<vmem>>
        %dma_start3A_142 = arith.constant 0 : i32
        %dma_start3A_143 = arith.constant 0 : i32
        %dma_start3A_144 = tpu.memref_slice %arg10[%dma_start3A_142, %dma_start3A_143] : memref<10240x64xf32, #tpu.memory_space<vmem_shared>> -> memref<10240x64xf32, #tpu.memory_space<vmem_shared>>
        tpu.enqueue_indirect_dma source(%dma_start3A_138 : memref<128x64xf32, #tpu.memory_space<vmem>>) target(%dma_start3A_144 : memref<10240x64xf32, #tpu.memory_space<vmem_shared>>) offsets(%dma_start3A_141 : memref<128xi32, #tpu.memory_space<vmem>>) semaphore(%run_scoped3A_134 : memref<!tpu.dma_semaphore, #tpu.memory_space<semaphore_mem>>) {add = true}
        %dma_wait3A_145 = arith.constant 256 : i32
        %dma_wait3A_146 = arith.constant 0 : i32
        %dma_wait3A_147 = tpu.memref_slice %arg9[%run_scoped3A_133, %dma_wait3A_145, %dma_wait3A_146] : memref<2x384x64xf32, #tpu.memory_space<vmem>> -> memref<1x128x64xf32, #tpu.memory_space<vmem>>
        %dma_wait3A_148 = tpu.memref_squeeze %dma_wait3A_147 : memref<1x128x64xf32, #tpu.memory_space<vmem>> -> memref<128x64xf32, #tpu.memory_space<vmem>>
        %dma_wait3A_149 = arith.constant 0 : i32
        %dma_wait3A_150 = tpu.memref_slice %arg8[%add3A_132, %dma_wait3A_149] : memref<79x128xi32, #tpu.memory_space<vmem>> -> memref<1x128xi32, #tpu.memory_space<vmem>>
        %dma_wait3A_151 = tpu.memref_squeeze %dma_wait3A_150 : memref<1x128xi32, #tpu.memory_space<vmem>> -> memref<128xi32, #tpu.memory_space<vmem>>
        %dma_wait3A_152 = arith.constant 0 : i32
        %dma_wait3A_153 = arith.constant 0 : i32
        %dma_wait3A_154 = tpu.memref_slice %arg10[%dma_wait3A_152, %dma_wait3A_153] : memref<10240x64xf32, #tpu.memory_space<vmem_shared>> -> memref<10240x64xf32, #tpu.memory_space<vmem_shared>>
        tpu.wait_indirect_dma semaphore(%run_scoped3A_134 : memref<!tpu.dma_semaphore, #tpu.memory_space<semaphore_mem>>) src(%dma_wait3A_148 : memref<128x64xf32, #tpu.memory_space<vmem>>) dst(%dma_wait3A_154 : memref<10240x64xf32, #tpu.memory_space<vmem_shared>>)
        tpu.yield
      }) : () -> ()
    }
    %scan3A_46 = arith.constant 13 : i32
    %lt3A_47 = arith.constant 4 : i32
    %lt3A_48 = arith.cmpi slt, %add3A, %lt3A_47 : i32
    %convert_element_type3A_49 = arith.extui %lt3A_48 : i1 to i32
    %cond3A_50 = arith.constant 0 : i32
    %cond3A_51 = arith.cmpi ne, %convert_element_type3A_49, %cond3A_50 : i32
    scf.if %cond3A_51 {
      %run_scoped3A = arith.constant 78 : i32
      %run_scoped3A_53 = arith.constant 0 : i32
      "tpu.region"() ({
        %run_scoped3A_56 = tpu.sem_alloc : memref<!tpu.dma_semaphore, #tpu.memory_space<semaphore_mem>>
        %dma_start3A_57 = arith.constant 0 : i32
        %dma_start3A_58 = arith.constant 0 : i32
        %dma_start3A_59 = tpu.memref_slice %arg9[%run_scoped3A_53, %dma_start3A_57, %dma_start3A_58] : memref<2x384x64xf32, #tpu.memory_space<vmem>> -> memref<1x128x64xf32, #tpu.memory_space<vmem>>
        %dma_start3A_60 = tpu.memref_squeeze %dma_start3A_59 : memref<1x128x64xf32, #tpu.memory_space<vmem>> -> memref<128x64xf32, #tpu.memory_space<vmem>>
        %dma_start3A_61 = arith.constant 0 : i32
        %dma_start3A_62 = tpu.memref_slice %arg7[%run_scoped3A, %dma_start3A_61] : memref<79x128xi32, #tpu.memory_space<vmem>> -> memref<1x128xi32, #tpu.memory_space<vmem>>
        %dma_start3A_63 = tpu.memref_squeeze %dma_start3A_62 : memref<1x128xi32, #tpu.memory_space<vmem>> -> memref<128xi32, #tpu.memory_space<vmem>>
        %dma_start3A_64 = arith.constant 0 : i32
        %dma_start3A_65 = arith.constant 0 : i32
        %dma_start3A_66 = tpu.memref_slice %arg4[%dma_start3A_64, %dma_start3A_65] : memref<10000x64xf32, #tpu.memory_space<hbm>> -> memref<10000x64xf32, #tpu.memory_space<hbm>>
        tpu.enqueue_indirect_dma source(%dma_start3A_66 : memref<10000x64xf32, #tpu.memory_space<hbm>>) target(%dma_start3A_60 : memref<128x64xf32, #tpu.memory_space<vmem>>) offsets(%dma_start3A_63 : memref<128xi32, #tpu.memory_space<vmem>>) semaphore(%run_scoped3A_56 : memref<!tpu.dma_semaphore, #tpu.memory_space<semaphore_mem>>)
        %dma_wait3A = arith.constant 0 : i32
        %dma_wait3A_67 = arith.constant 0 : i32
        %dma_wait3A_68 = tpu.memref_slice %arg9[%run_scoped3A_53, %dma_wait3A, %dma_wait3A_67] : memref<2x384x64xf32, #tpu.memory_space<vmem>> -> memref<1x128x64xf32, #tpu.memory_space<vmem>>
        %dma_wait3A_69 = tpu.memref_squeeze %dma_wait3A_68 : memref<1x128x64xf32, #tpu.memory_space<vmem>> -> memref<128x64xf32, #tpu.memory_space<vmem>>
        %dma_wait3A_70 = arith.constant 0 : i32
        %dma_wait3A_71 = tpu.memref_slice %arg7[%run_scoped3A, %dma_wait3A_70] : memref<79x128xi32, #tpu.memory_space<vmem>> -> memref<1x128xi32, #tpu.memory_space<vmem>>
        %dma_wait3A_72 = tpu.memref_squeeze %dma_wait3A_71 : memref<1x128xi32, #tpu.memory_space<vmem>> -> memref<128xi32, #tpu.memory_space<vmem>>
        %dma_wait3A_73 = arith.constant 0 : i32
        %dma_wait3A_74 = arith.constant 0 : i32
        %dma_wait3A_75 = tpu.memref_slice %arg4[%dma_wait3A_73, %dma_wait3A_74] : memref<10000x64xf32, #tpu.memory_space<hbm>> -> memref<10000x64xf32, #tpu.memory_space<hbm>>
        tpu.wait_indirect_dma semaphore(%run_scoped3A_56 : memref<!tpu.dma_semaphore, #tpu.memory_space<semaphore_mem>>) src(%dma_wait3A_75 : memref<10000x64xf32, #tpu.memory_space<hbm>>) dst(%dma_wait3A_69 : memref<128x64xf32, #tpu.memory_space<vmem>>)
        tpu.yield
      }) : () -> ()
      %run_scoped3A_54 = arith.constant 0 : i32
      %run_scoped3A_55 = arith.constant 78 : i32
      "tpu.region"() ({
        %run_scoped3A_56 = tpu.sem_alloc : memref<!tpu.dma_semaphore, #tpu.memory_space<semaphore_mem>>
        %dma_start3A_57 = arith.constant 0 : i32
        %dma_start3A_58 = arith.constant 0 : i32
        %dma_start3A_59 = tpu.memref_slice %arg9[%run_scoped3A_54, %dma_start3A_57, %dma_start3A_58] : memref<2x384x64xf32, #tpu.memory_space<vmem>> -> memref<1x128x64xf32, #tpu.memory_space<vmem>>
        %dma_start3A_60 = tpu.memref_squeeze %dma_start3A_59 : memref<1x128x64xf32, #tpu.memory_space<vmem>> -> memref<128x64xf32, #tpu.memory_space<vmem>>
        %dma_start3A_61 = arith.constant 0 : i32
        %dma_start3A_62 = tpu.memref_slice %arg8[%run_scoped3A_55, %dma_start3A_61] : memref<79x128xi32, #tpu.memory_space<vmem>> -> memref<1x128xi32, #tpu.memory_space<vmem>>
        %dma_start3A_63 = tpu.memref_squeeze %dma_start3A_62 : memref<1x128xi32, #tpu.memory_space<vmem>> -> memref<128xi32, #tpu.memory_space<vmem>>
        %dma_start3A_64 = arith.constant 0 : i32
        %dma_start3A_65 = arith.constant 0 : i32
        %dma_start3A_66 = tpu.memref_slice %arg10[%dma_start3A_64, %dma_start3A_65] : memref<10240x64xf32, #tpu.memory_space<vmem_shared>> -> memref<10240x64xf32, #tpu.memory_space<vmem_shared>>
        tpu.enqueue_indirect_dma source(%dma_start3A_60 : memref<128x64xf32, #tpu.memory_space<vmem>>) target(%dma_start3A_66 : memref<10240x64xf32, #tpu.memory_space<vmem_shared>>) offsets(%dma_start3A_63 : memref<128xi32, #tpu.memory_space<vmem>>) semaphore(%run_scoped3A_56 : memref<!tpu.dma_semaphore, #tpu.memory_space<semaphore_mem>>) {add = true}
        %dma_wait3A = arith.constant 0 : i32
        %dma_wait3A_67 = arith.constant 0 : i32
        %dma_wait3A_68 = tpu.memref_slice %arg9[%run_scoped3A_54, %dma_wait3A, %dma_wait3A_67] : memref<2x384x64xf32, #tpu.memory_space<vmem>> -> memref<1x128x64xf32, #tpu.memory_space<vmem>>
        %dma_wait3A_69 = tpu.memref_squeeze %dma_wait3A_68 : memref<1x128x64xf32, #tpu.memory_space<vmem>> -> memref<128x64xf32, #tpu.memory_space<vmem>>
        %dma_wait3A_70 = arith.constant 0 : i32
        %dma_wait3A_71 = tpu.memref_slice %arg8[%run_scoped3A_55, %dma_wait3A_70] : memref<79x128xi32, #tpu.memory_space<vmem>> -> memref<1x128xi32, #tpu.memory_space<vmem>>
        %dma_wait3A_72 = tpu.memref_squeeze %dma_wait3A_71 : memref<1x128xi32, #tpu.memory_space<vmem>> -> memref<128xi32, #tpu.memory_space<vmem>>
        %dma_wait3A_73 = arith.constant 0 : i32
        %dma_wait3A_74 = arith.constant 0 : i32
        %dma_wait3A_75 = tpu.memref_slice %arg10[%dma_wait3A_73, %dma_wait3A_74] : memref<10240x64xf32, #tpu.memory_space<vmem_shared>> -> memref<10240x64xf32, #tpu.memory_space<vmem_shared>>
        tpu.wait_indirect_dma semaphore(%run_scoped3A_56 : memref<!tpu.dma_semaphore, #tpu.memory_space<semaphore_mem>>) src(%dma_wait3A_69 : memref<128x64xf32, #tpu.memory_space<vmem>>) dst(%dma_wait3A_75 : memref<10240x64xf32, #tpu.memory_space<vmem_shared>>)
        tpu.yield
      }) : () -> ()
    } else {
    }
    %barrier3A_52 = arith.constant 0 : index
    tpu.barrier barrier_id(%barrier3A_52)
    "tpu.region"() ({
      %run_scoped3A = tpu.sem_alloc : memref<!tpu.dma_semaphore, #tpu.memory_space<semaphore_mem>>
      %dma_start3A_53 = arith.constant 0 : i32
      %dma_start3A_54 = tpu.memref_slice %arg6[%arg0, %mul3A_2, %dma_start3A_53] : memref<2x10240x64xf32, #tpu.memory_space<hbm>> -> memref<1x640x64xf32, #tpu.memory_space<hbm>>
      %dma_start3A_55 = tpu.memref_squeeze %dma_start3A_54 : memref<1x640x64xf32, #tpu.memory_space<hbm>> -> memref<640x64xf32, #tpu.memory_space<hbm>>
      %dma_start3A_56 = arith.constant 0 : i32
      %dma_start3A_57 = tpu.memref_slice %arg10[%mul3A_2, %dma_start3A_56] : memref<10240x64xf32, #tpu.memory_space<vmem_shared>> -> memref<640x64xf32, #tpu.memory_space<vmem_shared>>
      tpu.enqueue_dma source(%dma_start3A_57 : memref<640x64xf32, #tpu.memory_space<vmem_shared>>) target(%dma_start3A_55 : memref<640x64xf32, #tpu.memory_space<hbm>>) target_semaphore(%run_scoped3A : memref<!tpu.dma_semaphore, #tpu.memory_space<semaphore_mem>>)
      %dma_wait3A = arith.constant 0 : i32
      %dma_wait3A_58 = tpu.memref_slice %arg6[%arg0, %mul3A_2, %dma_wait3A] : memref<2x10240x64xf32, #tpu.memory_space<hbm>> -> memref<1x640x64xf32, #tpu.memory_space<hbm>>
      %dma_wait3A_59 = tpu.memref_squeeze %dma_wait3A_58 : memref<1x640x64xf32, #tpu.memory_space<hbm>> -> memref<640x64xf32, #tpu.memory_space<hbm>>
      %dma_wait3A_60 = arith.constant 0 : i32
      %dma_wait3A_61 = tpu.memref_slice %arg10[%mul3A_2, %dma_wait3A_60] : memref<10240x64xf32, #tpu.memory_space<vmem_shared>> -> memref<640x64xf32, #tpu.memory_space<vmem_shared>>
      tpu.wait_dma2 semaphore(%run_scoped3A : memref<!tpu.dma_semaphore, #tpu.memory_space<semaphore_mem>>) src(%dma_wait3A_61 : memref<640x64xf32, #tpu.memory_space<vmem_shared>>) dst(%dma_wait3A_59 : memref<640x64xf32, #tpu.memory_space<hbm>>)
      tpu.yield
    }) : () -> ()
    return
  }
}

#map = affine_map<(d0, d1) -> (0, 0)>
#map1 = affine_map<(d0, d1) -> (0, 0, 0)>
module attributes {stable_mosaic.version = 14 : i64} {
  func.func @_sc_degree(%arg0: i32, %arg1: i32, %arg2: memref<2500x128xi32, #tpu.memory_space<hbm>>, %arg3: memref<128x4xf32, #tpu.memory_space<hbm>>, %arg4: memref<640x4xf32, #tpu.memory_space<hbm>>, %arg5: memref<2x10240x4xf32, #tpu.memory_space<hbm>>, %arg6: memref<79x128xi32, #tpu.memory_space<vmem>>, %arg7: memref<128x4xf32, #tpu.memory_space<vmem>>, %arg8: memref<10240x4xf32, #tpu.memory_space<vmem_shared>>) attributes {dimension_semantics = [#tpu.dimension_semantics<core_parallel>, #tpu.dimension_semantics<subcore_parallel>], iteration_bounds = array<i64: 2, 16>, scalar_prefetch = 0 : i64, scratch_operands = 3 : i64, tpu.core_type = #tpu.core_type<sc_vector_subcore>, window_params = [{transform_indices = #map}, {transform_indices = #map}, {transform_indices = #map}, {transform_indices = #map1}]} {
    %mul3A = arith.constant 2 : i32
    %mul3A_0 = arith.muli %arg1, %mul3A : i32
    %add3A = arith.addi %mul3A_0, %arg0 : i32
    %mul3A_1 = arith.constant 78 : i32
    %mul3A_2 = arith.muli %add3A, %mul3A_1 : i32
    "tpu.region"() ({
      %run_scoped3A = tpu.sem_alloc : memref<!tpu.dma_semaphore, #tpu.memory_space<semaphore_mem>>
      %dma_start3A = arith.constant 0 : i32
      %dma_start3A_18 = arith.constant 0 : i32
      %dma_start3A_19 = tpu.memref_slice %arg6[%dma_start3A, %dma_start3A_18] : memref<79x128xi32, #tpu.memory_space<vmem>> -> memref<78x128xi32, #tpu.memory_space<vmem>>
      %dma_start3A_20 = arith.constant 0 : i32
      %dma_start3A_21 = tpu.memref_slice %arg2[%mul3A_2, %dma_start3A_20] : memref<2500x128xi32, #tpu.memory_space<hbm>> -> memref<78x128xi32, #tpu.memory_space<hbm>>
      %dma_start3A_22 = arith.constant 0 : i32
      %dma_start3A_23 = arith.constant 0 : i32
      %dma_start3A_24 = tpu.memref_slice %arg6[%dma_start3A_22, %dma_start3A_23] : memref<79x128xi32, #tpu.memory_space<vmem>> -> memref<78x128xi32, #tpu.memory_space<vmem>>
      %dma_start3A_25 = arith.constant 0 : i32
      %dma_start3A_26 = tpu.memref_slice %arg2[%mul3A_2, %dma_start3A_25] : memref<2500x128xi32, #tpu.memory_space<hbm>> -> memref<78x128xi32, #tpu.memory_space<hbm>>
      tpu.enqueue_dma source(%dma_start3A_26 : memref<78x128xi32, #tpu.memory_space<hbm>>) target(%dma_start3A_24 : memref<78x128xi32, #tpu.memory_space<vmem>>) target_semaphore(%run_scoped3A : memref<!tpu.dma_semaphore, #tpu.memory_space<semaphore_mem>>)
      %dma_wait3A = arith.constant 0 : i32
      %dma_wait3A_27 = arith.constant 0 : i32
      %dma_wait3A_28 = tpu.memref_slice %arg6[%dma_wait3A, %dma_wait3A_27] : memref<79x128xi32, #tpu.memory_space<vmem>> -> memref<78x128xi32, #tpu.memory_space<vmem>>
      %dma_wait3A_29 = arith.constant 0 : i32
      %dma_wait3A_30 = tpu.memref_slice %arg2[%mul3A_2, %dma_wait3A_29] : memref<2500x128xi32, #tpu.memory_space<hbm>> -> memref<78x128xi32, #tpu.memory_space<hbm>>
      %dma_wait3A_31 = arith.constant 0 : i32
      %dma_wait3A_32 = arith.constant 0 : i32
      %dma_wait3A_33 = tpu.memref_slice %arg6[%dma_wait3A_31, %dma_wait3A_32] : memref<79x128xi32, #tpu.memory_space<vmem>> -> memref<78x128xi32, #tpu.memory_space<vmem>>
      %dma_wait3A_34 = arith.constant 0 : i32
      %dma_wait3A_35 = tpu.memref_slice %arg2[%mul3A_2, %dma_wait3A_34] : memref<2500x128xi32, #tpu.memory_space<hbm>> -> memref<78x128xi32, #tpu.memory_space<hbm>>
      tpu.wait_dma2 semaphore(%run_scoped3A : memref<!tpu.dma_semaphore, #tpu.memory_space<semaphore_mem>>) src(%dma_wait3A_35 : memref<78x128xi32, #tpu.memory_space<hbm>>) dst(%dma_wait3A_33 : memref<78x128xi32, #tpu.memory_space<vmem>>)
      tpu.yield
    }) : () -> ()
    %lt3A = arith.constant 4 : i32
    %lt3A_3 = arith.cmpi slt, %add3A, %lt3A : i32
    %convert_element_type3A = arith.extui %lt3A_3 : i1 to i32
    %cond3A = arith.constant 0 : i32
    %cond3A_4 = arith.cmpi ne, %convert_element_type3A, %cond3A : i32
    scf.if %cond3A_4 {
      %add3A_18 = arith.constant 2496 : i32
      %add3A_19 = arith.addi %add3A_18, %add3A : i32
      "tpu.region"() ({
        %run_scoped3A = tpu.sem_alloc : memref<!tpu.dma_semaphore, #tpu.memory_space<semaphore_mem>>
        %dma_start3A = arith.constant 78 : i32
        %dma_start3A_20 = arith.constant 0 : i32
        %dma_start3A_21 = tpu.memref_slice %arg6[%dma_start3A, %dma_start3A_20] : memref<79x128xi32, #tpu.memory_space<vmem>> -> memref<1x128xi32, #tpu.memory_space<vmem>>
        %dma_start3A_22 = arith.constant 0 : i32
        %dma_start3A_23 = tpu.memref_slice %arg2[%add3A_19, %dma_start3A_22] : memref<2500x128xi32, #tpu.memory_space<hbm>> -> memref<1x128xi32, #tpu.memory_space<hbm>>
        %dma_start3A_24 = arith.constant 78 : i32
        %dma_start3A_25 = arith.constant 0 : i32
        %dma_start3A_26 = tpu.memref_slice %arg6[%dma_start3A_24, %dma_start3A_25] : memref<79x128xi32, #tpu.memory_space<vmem>> -> memref<1x128xi32, #tpu.memory_space<vmem>>
        %dma_start3A_27 = arith.constant 0 : i32
        %dma_start3A_28 = tpu.memref_slice %arg2[%add3A_19, %dma_start3A_27] : memref<2500x128xi32, #tpu.memory_space<hbm>> -> memref<1x128xi32, #tpu.memory_space<hbm>>
        tpu.enqueue_dma source(%dma_start3A_28 : memref<1x128xi32, #tpu.memory_space<hbm>>) target(%dma_start3A_26 : memref<1x128xi32, #tpu.memory_space<vmem>>) target_semaphore(%run_scoped3A : memref<!tpu.dma_semaphore, #tpu.memory_space<semaphore_mem>>)
        %dma_wait3A = arith.constant 78 : i32
        %dma_wait3A_29 = arith.constant 0 : i32
        %dma_wait3A_30 = tpu.memref_slice %arg6[%dma_wait3A, %dma_wait3A_29] : memref<79x128xi32, #tpu.memory_space<vmem>> -> memref<1x128xi32, #tpu.memory_space<vmem>>
        %dma_wait3A_31 = arith.constant 0 : i32
        %dma_wait3A_32 = tpu.memref_slice %arg2[%add3A_19, %dma_wait3A_31] : memref<2500x128xi32, #tpu.memory_space<hbm>> -> memref<1x128xi32, #tpu.memory_space<hbm>>
        %dma_wait3A_33 = arith.constant 78 : i32
        %dma_wait3A_34 = arith.constant 0 : i32
        %dma_wait3A_35 = tpu.memref_slice %arg6[%dma_wait3A_33, %dma_wait3A_34] : memref<79x128xi32, #tpu.memory_space<vmem>> -> memref<1x128xi32, #tpu.memory_space<vmem>>
        %dma_wait3A_36 = arith.constant 0 : i32
        %dma_wait3A_37 = tpu.memref_slice %arg2[%add3A_19, %dma_wait3A_36] : memref<2500x128xi32, #tpu.memory_space<hbm>> -> memref<1x128xi32, #tpu.memory_space<hbm>>
        tpu.wait_dma2 semaphore(%run_scoped3A : memref<!tpu.dma_semaphore, #tpu.memory_space<semaphore_mem>>) src(%dma_wait3A_37 : memref<1x128xi32, #tpu.memory_space<hbm>>) dst(%dma_wait3A_35 : memref<1x128xi32, #tpu.memory_space<vmem>>)
        tpu.yield
      }) : () -> ()
    } else {
    }
    "tpu.region"() ({
      %run_scoped3A = tpu.sem_alloc : memref<!tpu.dma_semaphore, #tpu.memory_space<semaphore_mem>>
      tpu.enqueue_dma source(%arg3 : memref<128x4xf32, #tpu.memory_space<hbm>>) target(%arg7 : memref<128x4xf32, #tpu.memory_space<vmem>>) target_semaphore(%run_scoped3A : memref<!tpu.dma_semaphore, #tpu.memory_space<semaphore_mem>>)
      tpu.wait_dma2 semaphore(%run_scoped3A : memref<!tpu.dma_semaphore, #tpu.memory_space<semaphore_mem>>) src(%arg3 : memref<128x4xf32, #tpu.memory_space<hbm>>) dst(%arg7 : memref<128x4xf32, #tpu.memory_space<vmem>>)
      tpu.yield
    }) : () -> ()
    %mul3A_5 = arith.constant 640 : i32
    %mul3A_6 = arith.muli %arg1, %mul3A_5 : i32
    "tpu.region"() ({
      %run_scoped3A = tpu.sem_alloc : memref<!tpu.dma_semaphore, #tpu.memory_space<semaphore_mem>>
      %dma_start3A = arith.constant 0 : i32
      %dma_start3A_18 = tpu.memref_slice %arg8[%mul3A_6, %dma_start3A] : memref<10240x4xf32, #tpu.memory_space<vmem_shared>> -> memref<640x4xf32, #tpu.memory_space<vmem_shared>>
      tpu.enqueue_dma source(%arg4 : memref<640x4xf32, #tpu.memory_space<hbm>>) target(%dma_start3A_18 : memref<640x4xf32, #tpu.memory_space<vmem_shared>>) target_semaphore(%run_scoped3A : memref<!tpu.dma_semaphore, #tpu.memory_space<semaphore_mem>>)
      %dma_wait3A = arith.constant 0 : i32
      %dma_wait3A_19 = tpu.memref_slice %arg8[%mul3A_6, %dma_wait3A] : memref<10240x4xf32, #tpu.memory_space<vmem_shared>> -> memref<640x4xf32, #tpu.memory_space<vmem_shared>>
      tpu.wait_dma2 semaphore(%run_scoped3A : memref<!tpu.dma_semaphore, #tpu.memory_space<semaphore_mem>>) src(%arg4 : memref<640x4xf32, #tpu.memory_space<hbm>>) dst(%dma_wait3A_19 : memref<640x4xf32, #tpu.memory_space<vmem_shared>>)
      tpu.yield
    }) : () -> ()
    %barrier3A = arith.constant 0 : index
    tpu.barrier barrier_id(%barrier3A)
    %scan3A = arith.constant 0 : i32
    %scan3A_7 = arith.constant 0 : i32
    %scan3A_8 = arith.constant 78 : i32
    %scan3A_9 = arith.addi %scan3A_7, %scan3A_8 : i32
    %scan3A_10 = arith.constant 1 : i32
    scf.for %scan3A_18 = %scan3A_7 to %scan3A_9 step %scan3A_10  : i32 {
      "tpu.region"() ({
        %run_scoped3A = tpu.sem_alloc : memref<!tpu.dma_semaphore, #tpu.memory_space<semaphore_mem>>
        %dma_start3A = arith.constant 0 : i32
        %dma_start3A_19 = tpu.memref_slice %arg6[%scan3A_18, %dma_start3A] : memref<79x128xi32, #tpu.memory_space<vmem>> -> memref<1x128xi32, #tpu.memory_space<vmem>>
        %dma_start3A_20 = tpu.memref_squeeze %dma_start3A_19 : memref<1x128xi32, #tpu.memory_space<vmem>> -> memref<128xi32, #tpu.memory_space<vmem>>
        %dma_start3A_21 = arith.constant 0 : i32
        %dma_start3A_22 = arith.constant 0 : i32
        %dma_start3A_23 = tpu.memref_slice %arg8[%dma_start3A_21, %dma_start3A_22] : memref<10240x4xf32, #tpu.memory_space<vmem_shared>> -> memref<10240x4xf32, #tpu.memory_space<vmem_shared>>
        tpu.enqueue_indirect_dma source(%arg7 : memref<128x4xf32, #tpu.memory_space<vmem>>) target(%dma_start3A_23 : memref<10240x4xf32, #tpu.memory_space<vmem_shared>>) offsets(%dma_start3A_20 : memref<128xi32, #tpu.memory_space<vmem>>) semaphore(%run_scoped3A : memref<!tpu.dma_semaphore, #tpu.memory_space<semaphore_mem>>) {add = true}
        %dma_wait3A = arith.constant 0 : i32
        %dma_wait3A_24 = tpu.memref_slice %arg6[%scan3A_18, %dma_wait3A] : memref<79x128xi32, #tpu.memory_space<vmem>> -> memref<1x128xi32, #tpu.memory_space<vmem>>
        %dma_wait3A_25 = tpu.memref_squeeze %dma_wait3A_24 : memref<1x128xi32, #tpu.memory_space<vmem>> -> memref<128xi32, #tpu.memory_space<vmem>>
        %dma_wait3A_26 = arith.constant 0 : i32
        %dma_wait3A_27 = arith.constant 0 : i32
        %dma_wait3A_28 = tpu.memref_slice %arg8[%dma_wait3A_26, %dma_wait3A_27] : memref<10240x4xf32, #tpu.memory_space<vmem_shared>> -> memref<10240x4xf32, #tpu.memory_space<vmem_shared>>
        tpu.wait_indirect_dma semaphore(%run_scoped3A : memref<!tpu.dma_semaphore, #tpu.memory_space<semaphore_mem>>) src(%arg7 : memref<128x4xf32, #tpu.memory_space<vmem>>) dst(%dma_wait3A_28 : memref<10240x4xf32, #tpu.memory_space<vmem_shared>>)
        tpu.yield
      }) : () -> ()
    }
    %scan3A_11 = arith.constant 78 : i32
    %lt3A_12 = arith.constant 4 : i32
    %lt3A_13 = arith.cmpi slt, %add3A, %lt3A_12 : i32
    %convert_element_type3A_14 = arith.extui %lt3A_13 : i1 to i32
    %cond3A_15 = arith.constant 0 : i32
    %cond3A_16 = arith.cmpi ne, %convert_element_type3A_14, %cond3A_15 : i32
    scf.if %cond3A_16 {
      %run_scoped3A = arith.constant 78 : i32
      "tpu.region"() ({
        %run_scoped3A_18 = tpu.sem_alloc : memref<!tpu.dma_semaphore, #tpu.memory_space<semaphore_mem>>
        %dma_start3A = arith.constant 0 : i32
        %dma_start3A_19 = tpu.memref_slice %arg6[%run_scoped3A, %dma_start3A] : memref<79x128xi32, #tpu.memory_space<vmem>> -> memref<1x128xi32, #tpu.memory_space<vmem>>
        %dma_start3A_20 = tpu.memref_squeeze %dma_start3A_19 : memref<1x128xi32, #tpu.memory_space<vmem>> -> memref<128xi32, #tpu.memory_space<vmem>>
        %dma_start3A_21 = arith.constant 0 : i32
        %dma_start3A_22 = arith.constant 0 : i32
        %dma_start3A_23 = tpu.memref_slice %arg8[%dma_start3A_21, %dma_start3A_22] : memref<10240x4xf32, #tpu.memory_space<vmem_shared>> -> memref<10240x4xf32, #tpu.memory_space<vmem_shared>>
        tpu.enqueue_indirect_dma source(%arg7 : memref<128x4xf32, #tpu.memory_space<vmem>>) target(%dma_start3A_23 : memref<10240x4xf32, #tpu.memory_space<vmem_shared>>) offsets(%dma_start3A_20 : memref<128xi32, #tpu.memory_space<vmem>>) semaphore(%run_scoped3A_18 : memref<!tpu.dma_semaphore, #tpu.memory_space<semaphore_mem>>) {add = true}
        %dma_wait3A = arith.constant 0 : i32
        %dma_wait3A_24 = tpu.memref_slice %arg6[%run_scoped3A, %dma_wait3A] : memref<79x128xi32, #tpu.memory_space<vmem>> -> memref<1x128xi32, #tpu.memory_space<vmem>>
        %dma_wait3A_25 = tpu.memref_squeeze %dma_wait3A_24 : memref<1x128xi32, #tpu.memory_space<vmem>> -> memref<128xi32, #tpu.memory_space<vmem>>
        %dma_wait3A_26 = arith.constant 0 : i32
        %dma_wait3A_27 = arith.constant 0 : i32
        %dma_wait3A_28 = tpu.memref_slice %arg8[%dma_wait3A_26, %dma_wait3A_27] : memref<10240x4xf32, #tpu.memory_space<vmem_shared>> -> memref<10240x4xf32, #tpu.memory_space<vmem_shared>>
        tpu.wait_indirect_dma semaphore(%run_scoped3A_18 : memref<!tpu.dma_semaphore, #tpu.memory_space<semaphore_mem>>) src(%arg7 : memref<128x4xf32, #tpu.memory_space<vmem>>) dst(%dma_wait3A_28 : memref<10240x4xf32, #tpu.memory_space<vmem_shared>>)
        tpu.yield
      }) : () -> ()
    } else {
    }
    %barrier3A_17 = arith.constant 0 : index
    tpu.barrier barrier_id(%barrier3A_17)
    "tpu.region"() ({
      %run_scoped3A = tpu.sem_alloc : memref<!tpu.dma_semaphore, #tpu.memory_space<semaphore_mem>>
      %dma_start3A = arith.constant 0 : i32
      %dma_start3A_18 = tpu.memref_slice %arg5[%arg0, %mul3A_6, %dma_start3A] : memref<2x10240x4xf32, #tpu.memory_space<hbm>> -> memref<1x640x4xf32, #tpu.memory_space<hbm>>
      %dma_start3A_19 = tpu.memref_squeeze %dma_start3A_18 : memref<1x640x4xf32, #tpu.memory_space<hbm>> -> memref<640x4xf32, #tpu.memory_space<hbm>>
      %dma_start3A_20 = arith.constant 0 : i32
      %dma_start3A_21 = tpu.memref_slice %arg8[%mul3A_6, %dma_start3A_20] : memref<10240x4xf32, #tpu.memory_space<vmem_shared>> -> memref<640x4xf32, #tpu.memory_space<vmem_shared>>
      tpu.enqueue_dma source(%dma_start3A_21 : memref<640x4xf32, #tpu.memory_space<vmem_shared>>) target(%dma_start3A_19 : memref<640x4xf32, #tpu.memory_space<hbm>>) target_semaphore(%run_scoped3A : memref<!tpu.dma_semaphore, #tpu.memory_space<semaphore_mem>>)
      %dma_wait3A = arith.constant 0 : i32
      %dma_wait3A_22 = tpu.memref_slice %arg5[%arg0, %mul3A_6, %dma_wait3A] : memref<2x10240x4xf32, #tpu.memory_space<hbm>> -> memref<1x640x4xf32, #tpu.memory_space<hbm>>
      %dma_wait3A_23 = tpu.memref_squeeze %dma_wait3A_22 : memref<1x640x4xf32, #tpu.memory_space<hbm>> -> memref<640x4xf32, #tpu.memory_space<hbm>>
      %dma_wait3A_24 = arith.constant 0 : i32
      %dma_wait3A_25 = tpu.memref_slice %arg8[%mul3A_6, %dma_wait3A_24] : memref<10240x4xf32, #tpu.memory_space<vmem_shared>> -> memref<640x4xf32, #tpu.memory_space<vmem_shared>>
      tpu.wait_dma2 semaphore(%run_scoped3A : memref<!tpu.dma_semaphore, #tpu.memory_space<semaphore_mem>>) src(%dma_wait3A_25 : memref<640x4xf32, #tpu.memory_space<vmem_shared>>) dst(%dma_wait3A_23 : memref<640x4xf32, #tpu.memory_space<hbm>>)
      tpu.yield
    }) : () -> ()
    return
  }
}

module attributes {stable_mosaic.version = 14 : i64} {
  func.func @_tc1_body(%arg0: memref<10000x128xf32, #tpu.memory_space<vmem>>, %arg1: memref<128x64xf32, #tpu.memory_space<vmem>>, %arg2: memref<2x10240x4xf32, #tpu.memory_space<vmem>>, %arg3: memref<10000x64xf32, #tpu.memory_space<vmem>>) attributes {dimension_semantics = [], scalar_prefetch = 0 : i64, scratch_operands = 0 : i64, tpu.core_type = #tpu.core_type<tc>} {
    %get3A = arith.constant 0 : index
    %get3A_0 = arith.constant 0 : index
    %get3A_1 = arith.constant 0 : index
    %get3A_2 = vector.load %arg2[%get3A, %get3A_0, %get3A_1] : memref<2x10240x4xf32, #tpu.memory_space<vmem>>, vector<1x10240x4xf32>
    %get3A_3 = vector.shape_cast %get3A_2 : vector<1x10240x4xf32> to vector<10240x4xf32>
    %get3A_4 = arith.constant 1 : index
    %get3A_5 = arith.constant 0 : index
    %get3A_6 = arith.constant 0 : index
    %get3A_7 = vector.load %arg2[%get3A_4, %get3A_5, %get3A_6] : memref<2x10240x4xf32, #tpu.memory_space<vmem>>, vector<1x10240x4xf32>
    %get3A_8 = vector.shape_cast %get3A_7 : vector<1x10240x4xf32> to vector<10240x4xf32>
    %add3A = arith.addf %get3A_3, %get3A_8 : vector<10240x4xf32>
    %add3A_9 = arith.constant 2.000000e+00 : f32
    %add3A_10 = vector.broadcast %add3A_9 : f32 to vector<10240x4xf32>
    %add3A_11 = arith.addf %add3A, %add3A_10 : vector<10240x4xf32>
    %rsqrt3A = math.rsqrt %add3A_11 : vector<10240x4xf32>
    %slice3A = vector.extract_strided_slice %rsqrt3A {offsets = [0, 0], sizes = [10000, 1], strides = [1, 1]} : vector<10240x4xf32> to vector<10000x1xf32>
    %get3A_12 = arith.constant 0 : index
    %get3A_13 = arith.constant 0 : index
    %get3A_14 = vector.load %arg0[%get3A_12, %get3A_13] : memref<10000x128xf32, #tpu.memory_space<vmem>>, vector<10000x128xf32>
    %get3A_15 = arith.constant 0 : index
    %get3A_16 = arith.constant 0 : index
    %get3A_17 = vector.load %arg1[%get3A_15, %get3A_16] : memref<128x64xf32, #tpu.memory_space<vmem>>, vector<128x64xf32>
    %dot_general3A = arith.constant dense<0.000000e+00> : vector<10000x64xf32>
    %dot_general3A_18 = tpu.matmul %get3A_14, %get3A_17, %dot_general3A {dimension_numbers = #tpu.dot_dimension_numbers<[1], [0], [0], [1], [0, 0, 1, 1], [], []>, transpose_lhs_hint = false} : vector<10000x128xf32>, vector<128x64xf32>, vector<10000x64xf32> -> vector<10000x64xf32>
    %mul3A = vector.broadcast %slice3A : vector<10000x1xf32> to vector<10000x64xf32>
    %mul3A_19 = arith.mulf %dot_general3A_18, %mul3A : vector<10000x64xf32>
    %swap3A = arith.constant 0 : index
    %swap3A_20 = arith.constant 0 : index
    %swap3A_21 = vector.load %arg3[%swap3A, %swap3A_20] : memref<10000x64xf32, #tpu.memory_space<vmem>>, vector<10000x64xf32>
    tpu.vector_store %arg3[%swap3A, %swap3A_20], %mul3A_19 {strides = array<i32>} : memref<10000x64xf32, #tpu.memory_space<vmem>>, vector<10000x64xf32>,
    return
  }
}

module attributes {stable_mosaic.version = 14 : i64} {
  func.func @_tc2_body(%arg0: memref<2x10240x64xf32, #tpu.memory_space<vmem>>, %arg1: memref<10000x64xf32, #tpu.memory_space<vmem>>, %arg2: memref<2x10240x4xf32, #tpu.memory_space<vmem>>, %arg3: memref<64x16xf32, #tpu.memory_space<vmem>>, %arg4: memref<1x64xf32, #tpu.memory_space<vmem>>, %arg5: memref<10000x16xf32, #tpu.memory_space<vmem>>) attributes {dimension_semantics = [], scalar_prefetch = 0 : i64, scratch_operands = 0 : i64, tpu.core_type = #tpu.core_type<tc>} {
    %get3A = arith.constant 0 : index
    %get3A_0 = arith.constant 0 : index
    %get3A_1 = arith.constant 0 : index
    %get3A_2 = vector.load %arg2[%get3A, %get3A_0, %get3A_1] : memref<2x10240x4xf32, #tpu.memory_space<vmem>>, vector<1x10240x4xf32>
    %get3A_3 = vector.shape_cast %get3A_2 : vector<1x10240x4xf32> to vector<10240x4xf32>
    %get3A_4 = arith.constant 1 : index
    %get3A_5 = arith.constant 0 : index
    %get3A_6 = arith.constant 0 : index
    %get3A_7 = vector.load %arg2[%get3A_4, %get3A_5, %get3A_6] : memref<2x10240x4xf32, #tpu.memory_space<vmem>>, vector<1x10240x4xf32>
    %get3A_8 = vector.shape_cast %get3A_7 : vector<1x10240x4xf32> to vector<10240x4xf32>
    %add3A = arith.addf %get3A_3, %get3A_8 : vector<10240x4xf32>
    %add3A_9 = arith.constant 2.000000e+00 : f32
    %add3A_10 = vector.broadcast %add3A_9 : f32 to vector<10240x4xf32>
    %add3A_11 = arith.addf %add3A, %add3A_10 : vector<10240x4xf32>
    %rsqrt3A = math.rsqrt %add3A_11 : vector<10240x4xf32>
    %slice3A = vector.extract_strided_slice %rsqrt3A {offsets = [0, 0], sizes = [10000, 1], strides = [1, 1]} : vector<10240x4xf32> to vector<10000x1xf32>
    %get3A_12 = arith.constant 0 : index
    %get3A_13 = arith.constant 0 : index
    %get3A_14 = arith.constant 0 : index
    %get3A_15 = vector.load %arg0[%get3A_12, %get3A_13, %get3A_14] : memref<2x10240x64xf32, #tpu.memory_space<vmem>>, vector<1x10000x64xf32>
    %get3A_16 = vector.shape_cast %get3A_15 : vector<1x10000x64xf32> to vector<10000x64xf32>
    %get3A_17 = arith.constant 1 : index
    %get3A_18 = arith.constant 0 : index
    %get3A_19 = arith.constant 0 : index
    %get3A_20 = vector.load %arg0[%get3A_17, %get3A_18, %get3A_19] : memref<2x10240x64xf32, #tpu.memory_space<vmem>>, vector<1x10000x64xf32>
    %get3A_21 = vector.shape_cast %get3A_20 : vector<1x10000x64xf32> to vector<10000x64xf32>
    %add3A_22 = arith.addf %get3A_16, %get3A_21 : vector<10000x64xf32>
    %get3A_23 = arith.constant 0 : index
    %get3A_24 = arith.constant 0 : index
    %get3A_25 = vector.load %arg1[%get3A_23, %get3A_24] : memref<10000x64xf32, #tpu.memory_space<vmem>>, vector<10000x64xf32>
    %mul3A = arith.constant 2.000000e+00 : f32
    %mul3A_26 = vector.broadcast %mul3A : f32 to vector<10000x64xf32>
    %mul3A_27 = arith.mulf %mul3A_26, %get3A_25 : vector<10000x64xf32>
    %add3A_28 = arith.addf %add3A_22, %mul3A_27 : vector<10000x64xf32>
    %mul3A_29 = vector.broadcast %slice3A : vector<10000x1xf32> to vector<10000x64xf32>
    %mul3A_30 = arith.mulf %add3A_28, %mul3A_29 : vector<10000x64xf32>
    %get3A_31 = arith.constant 0 : index
    %get3A_32 = arith.constant 0 : index
    %get3A_33 = vector.load %arg4[%get3A_31, %get3A_32] : memref<1x64xf32, #tpu.memory_space<vmem>>, vector<1x64xf32>
    %add3A_34 = vector.broadcast %get3A_33 : vector<1x64xf32> to vector<10000x64xf32>
    %add3A_35 = arith.addf %mul3A_30, %add3A_34 : vector<10000x64xf32>
    %max3A = arith.constant 0.000000e+00 : f32
    %max3A_36 = vector.broadcast %max3A : f32 to vector<10000x64xf32>
    %max3A_37 = arith.maximumf %add3A_35, %max3A_36 : vector<10000x64xf32>
    %get3A_38 = arith.constant 0 : index
    %get3A_39 = arith.constant 0 : index
    %get3A_40 = vector.load %arg3[%get3A_38, %get3A_39] : memref<64x16xf32, #tpu.memory_space<vmem>>, vector<64x16xf32>
    %dot_general3A = arith.constant dense<0.000000e+00> : vector<10000x16xf32>
    %dot_general3A_41 = tpu.matmul %max3A_37, %get3A_40, %dot_general3A {dimension_numbers = #tpu.dot_dimension_numbers<[1], [0], [0], [1], [0, 0, 1, 1], [], []>, transpose_lhs_hint = false} : vector<10000x64xf32>, vector<64x16xf32>, vector<10000x16xf32> -> vector<10000x16xf32>
    %mul3A_42 = vector.broadcast %slice3A : vector<10000x1xf32> to vector<10000x16xf32>
    %mul3A_43 = arith.mulf %dot_general3A_41, %mul3A_42 : vector<10000x16xf32>
    %swap3A = arith.constant 0 : index
    %swap3A_44 = arith.constant 0 : index
    %swap3A_45 = vector.load %arg5[%swap3A, %swap3A_44] : memref<10000x16xf32, #tpu.memory_space<vmem>>, vector<10000x16xf32>
    tpu.vector_store %arg5[%swap3A, %swap3A_44], %mul3A_43 {strides = array<i32>} : memref<10000x16xf32, #tpu.memory_space<vmem>>, vector<10000x16xf32>,
    return
  }
}

module attributes {stable_mosaic.version = 14 : i64} {
  func.func @_tc3_body(%arg0: memref<2x10240x16xf32, #tpu.memory_space<vmem>>, %arg1: memref<10000x16xf32, #tpu.memory_space<vmem>>, %arg2: memref<2x10240x4xf32, #tpu.memory_space<vmem>>, %arg3: memref<1x16xf32, #tpu.memory_space<vmem>>, %arg4: memref<10000x16xf32, #tpu.memory_space<vmem>>) attributes {dimension_semantics = [], scalar_prefetch = 0 : i64, scratch_operands = 0 : i64, tpu.core_type = #tpu.core_type<tc>} {
    %get3A = arith.constant 0 : index
    %get3A_0 = arith.constant 0 : index
    %get3A_1 = arith.constant 0 : index
    %get3A_2 = vector.load %arg2[%get3A, %get3A_0, %get3A_1] : memref<2x10240x4xf32, #tpu.memory_space<vmem>>, vector<1x10240x4xf32>
    %get3A_3 = vector.shape_cast %get3A_2 : vector<1x10240x4xf32> to vector<10240x4xf32>
    %get3A_4 = arith.constant 1 : index
    %get3A_5 = arith.constant 0 : index
    %get3A_6 = arith.constant 0 : index
    %get3A_7 = vector.load %arg2[%get3A_4, %get3A_5, %get3A_6] : memref<2x10240x4xf32, #tpu.memory_space<vmem>>, vector<1x10240x4xf32>
    %get3A_8 = vector.shape_cast %get3A_7 : vector<1x10240x4xf32> to vector<10240x4xf32>
    %add3A = arith.addf %get3A_3, %get3A_8 : vector<10240x4xf32>
    %add3A_9 = arith.constant 2.000000e+00 : f32
    %add3A_10 = vector.broadcast %add3A_9 : f32 to vector<10240x4xf32>
    %add3A_11 = arith.addf %add3A, %add3A_10 : vector<10240x4xf32>
    %rsqrt3A = math.rsqrt %add3A_11 : vector<10240x4xf32>
    %slice3A = vector.extract_strided_slice %rsqrt3A {offsets = [0, 0], sizes = [10000, 1], strides = [1, 1]} : vector<10240x4xf32> to vector<10000x1xf32>
    %get3A_12 = arith.constant 0 : index
    %get3A_13 = arith.constant 0 : index
    %get3A_14 = arith.constant 0 : index
    %get3A_15 = vector.load %arg0[%get3A_12, %get3A_13, %get3A_14] : memref<2x10240x16xf32, #tpu.memory_space<vmem>>, vector<1x10000x16xf32>
    %get3A_16 = vector.shape_cast %get3A_15 : vector<1x10000x16xf32> to vector<10000x16xf32>
    %get3A_17 = arith.constant 1 : index
    %get3A_18 = arith.constant 0 : index
    %get3A_19 = arith.constant 0 : index
    %get3A_20 = vector.load %arg0[%get3A_17, %get3A_18, %get3A_19] : memref<2x10240x16xf32, #tpu.memory_space<vmem>>, vector<1x10000x16xf32>
    %get3A_21 = vector.shape_cast %get3A_20 : vector<1x10000x16xf32> to vector<10000x16xf32>
    %add3A_22 = arith.addf %get3A_16, %get3A_21 : vector<10000x16xf32>
    %get3A_23 = arith.constant 0 : index
    %get3A_24 = arith.constant 0 : index
    %get3A_25 = vector.load %arg1[%get3A_23, %get3A_24] : memref<10000x16xf32, #tpu.memory_space<vmem>>, vector<10000x16xf32>
    %mul3A = arith.constant 2.000000e+00 : f32
    %mul3A_26 = vector.broadcast %mul3A : f32 to vector<10000x16xf32>
    %mul3A_27 = arith.mulf %mul3A_26, %get3A_25 : vector<10000x16xf32>
    %add3A_28 = arith.addf %add3A_22, %mul3A_27 : vector<10000x16xf32>
    %mul3A_29 = vector.broadcast %slice3A : vector<10000x1xf32> to vector<10000x16xf32>
    %mul3A_30 = arith.mulf %add3A_28, %mul3A_29 : vector<10000x16xf32>
    %get3A_31 = arith.constant 0 : index
    %get3A_32 = arith.constant 0 : index
    %get3A_33 = vector.load %arg3[%get3A_31, %get3A_32] : memref<1x16xf32, #tpu.memory_space<vmem>>, vector<1x16xf32>
    %add3A_34 = vector.broadcast %get3A_33 : vector<1x16xf32> to vector<10000x16xf32>
    %add3A_35 = arith.addf %mul3A_30, %add3A_34 : vector<10000x16xf32>
    %reduce_max3A = arith.constant dense<0xFF800000> : vector<10000xf32>
    %reduce_max3A_36 = vector.multi_reduction <maximumf>, %add3A_35, %reduce_max3A [1] : vector<10000x16xf32> to vector<10000xf32>
    %broadcast_in_dim3A = vector.shape_cast %reduce_max3A_36 : vector<10000xf32> to vector<10000x1xf32>
    %sub3A = vector.broadcast %broadcast_in_dim3A : vector<10000x1xf32> to vector<10000x16xf32>
    %sub3A_37 = arith.subf %add3A_35, %sub3A : vector<10000x16xf32>
    %exp3A = math.exp %sub3A_37 : vector<10000x16xf32>
    %reduce_sum3A = arith.constant dense<0.000000e+00> : vector<10000xf32>
    %reduce_sum3A_38 = vector.multi_reduction <add>, %exp3A, %reduce_sum3A [1] : vector<10000x16xf32> to vector<10000xf32>
    %broadcast_in_dim3A_39 = vector.shape_cast %reduce_sum3A_38 : vector<10000xf32> to vector<10000x1xf32>
    %log3A = math.log %broadcast_in_dim3A_39 : vector<10000x1xf32>
    %sub3A_40 = vector.broadcast %broadcast_in_dim3A : vector<10000x1xf32> to vector<10000x16xf32>
    %sub3A_41 = arith.subf %add3A_35, %sub3A_40 : vector<10000x16xf32>
    %sub3A_42 = vector.broadcast %log3A : vector<10000x1xf32> to vector<10000x16xf32>
    %sub3A_43 = arith.subf %sub3A_41, %sub3A_42 : vector<10000x16xf32>
    %swap3A = arith.constant 0 : index
    %swap3A_44 = arith.constant 0 : index
    %swap3A_45 = vector.load %arg4[%swap3A, %swap3A_44] : memref<10000x16xf32, #tpu.memory_space<vmem>>, vector<10000x16xf32>
    tpu.vector_store %arg4[%swap3A, %swap3A_44], %sub3A_43 {strides = array<i32>} : memref<10000x16xf32, #tpu.memory_space<vmem>>, vector<10000x16xf32>,
    return
  }
}

</mosaic_0001>

<sc_bundles>
// kernel: kernel.11.cloned.1.call-start
scs
__scs_entry_jumppad:
0x0: {  	(pc) =	sbr.rel $0x88, $3  }
0x1: {  	(tag) =	ssettag $0x0;
	lr =	simm.s32 $0x1  }
0x2: {  	[smem:$0x3F9B] =	sst lr;
	_ =	strace $0xD0000000  }
0x3: {  	_ = 	snop  }
0x4: {  	_ = 	snop  }
0x5: {  	_ = 	snop  }
0x6: {  	_ = 	snop  }
0x7: {  	_ = 	snop  }
__scs_overlays_trampoline_lowered:
0x8: {  	[smem:$0x3FAA] =	sst s0  }
0x9: {  	[smem:$0x3FAB] =	sst s1  }
0xa: {  	[smem:$0x3FAC] =	sst s2  }
0xb: {  	[smem:$0x3FAD] =	sst s3  }
0xc: {  	[smem:$0x3FAE] =	sst s4  }
0xd: {  	[smem:$0x3FAF] =	sst s5  }
0xe: {  	[smem:$0x3FB0] =	sst s6  }
0xf: {  	[smem:$0x3FB1] =	sst s7  }
0x10: {  	[smem:$0x3FB2] =	sst s8  }
0x11: {  	[smem:$0x3FB3] =	sst s9;
	s0 =	simm.s32 @!p0 $0x0  }
0x12: {  	s1 =	sld [smem:$0x3F99];
	s0 =	simm.s32 @p0 $0x1  }
0x13: {  	[smem:$0x3FB4] =	sst s0;
	s0 =	simm.s32 @!p1 $0x0  }
0x14: {  	s2 =	sld [smem:$0x3F98];
	s0 =	simm.s32 @p1 $0x1  }
0x15: {  	[smem:$0x3FB5] =	sst s0;
	s0 =	simm.s32 @!p2 $0x0  }
0x16: {  	s3 =	sld [smem:$0x3FDB];
	s0 =	simm.s32 @p2 $0x1  }
0x17: {  	s4 =	simm.s32 $0x1BF5;
	[smem:$0x3FB7] =	sst s0  }
0x18: {  	s0 =	sld [smem:$0x3F9A];
	_ =	swait.ge [sflag:s4], $0x0  }
0x19: {  	s7 =	sld [smem:$0x3F9B]  }
0x1a: {  	s8 =	sadd.s32 $0xFFFFE003, lr  }
0x1b: {  	s9 =	sadd.s32 $0xFFFFFEF7, lr;
	s5 =	simm.s32 $0xFFFFFFFF;
	p2 =	slt.u32 s8, $0xFFFFF086  }
0x1c: {  	p1 =	slt.u32 s9, $0xF7A;
	s5 =	simm.s32 @!p2 $0x0  }
0x1d: {  	s5 =	simm.s32 @p1 $0x1;
	p0 =	seq.s32 s7, s2  }
0x1e: {  	s7 =	smul.u32 @!p0 $0xF7A, s2;
	p2 =	seq.s32 @!p0 s5, $0x0  }
0x1f: {  	s9 =	smul.u32 $0xF7A, s1;
	s8 =	simm.s32 @!p0 $0x1BF5;
	p2 =	por !p2, p0  }
0x20: {  	[sflag:s8] =	ssyncset.s32 @!p0 $0xFFFFF086;
	s6 =	sadd.s32 @!p0 s3, s7;
	s7 =	simm.s32 @!p0 $0x108  }
0x21: {  	s3 =	sadd.s32 s3, s9;
	s6 =	sadd.s32 @!p0 $0x88, s6;
	s7 =	simm.s32 @p2 $0x1082  }
0x22: {  	[simem:s7], [sflag:s8] =	dma.local @!p0 [hbm:s6], $0xF7A  }
0x23: {  	s9 =	sor.u32 $0xD0000000, s2;
	s6 =	simm.s32 $0x108;
	_ =	swait.ge @!p0 [sflag:s8], $0x0  }
0x24: {  	s3 =	sadd.s32 $0x88, s3;
	s6 =	simm.s32 @!p1 $0x1082;
	[sflag:s4] =	ssyncset.s32 $0xFFFFF086  }
0x25: {  	[simem:s6], [sflag:s4] =	dma.local [hbm:s3], $0xF7A  }
0x26: {  	[smem:$0x3F9B] =	sst s1;
	(tag) =	ssettag s2;
	_ =	strace s9  }
0x27: {  	s1 =	sld [smem:$0x3FAB]  }
0x28: {  	s2 =	sld [smem:$0x3FAC]  }
0x29: {  	s4 =	sld [smem:$0x3FAE]  }
0x2a: {  	p0 =	seq.s32 s5, $0x0;
	s5 =	sld [smem:$0x3FAF]  }
0x2b: {  	s6 =	sld [smem:$0x3FB0]  }
0x2c: {  	s7 =	sld [smem:$0x3FB1]  }
0x2d: {  	s3 =	simm.s32 $0x108;
	s8 =	sld [smem:$0x3FB2]  }
0x2e: {  	s3 =	simm.s32 @!p0 $0x1082;
	s9 =	sld [smem:$0x3FB3]  }
0x2f: {  	lr =	sadd.s32 s0, s3;
	s0 =	sld [smem:$0x3FAA]  }
0x30: {  	s3 =	sld [smem:$0x3FAD]  }
0x31: {  	[smem:$0x3FB6] =	sst s10  }
0x32: {  	s10 =	sld [smem:$0x3FB4];
	_ =	sdelay $0x3  }
0x33: {  	p0 =	seq.s32 s10, $0x1;
	s10 =	sld [smem:$0x3FB6];
	_ =	sdelay $0x3  }
0x34: {  	[smem:$0x3FB6] =	sst s10  }
0x35: {  	s10 =	sld [smem:$0x3FB5];
	_ =	sdelay $0x3  }
0x36: {  	p1 =	seq.s32 s10, $0x1;
	s10 =	sld [smem:$0x3FB6];
	_ =	sdelay $0x3  }
0x37: {  	[smem:$0x3FB6] =	sst s10  }
0x38: {  	s10 =	sld [smem:$0x3FB7]  }
0x39: {  	_ = 	snop;
	(pc) =	sbr.ind lr, $3  }
0x3a: {  	_ = 	snop  }
0x3b: {  	_ = 	snop  }
0x3c: {  	p2 =	seq.s32 s10, $0x1;
	s10 =	sld [smem:$0x3FB6]  }
0x3d: {  	_ =	shalt  }
0x3e: {  	_ =	shalt  }
0x3f: {  	_ =	shalt  }
0x40: {  	_ =	shalt  }
0x41: {  	_ =	shalt  }
0x42: {  	_ =	shalt  }
0x43: {  	_ =	shalt  }
0x44: {  	_ =	shalt  }
0x45: {  	_ =	shalt  }
0x46: {  	_ =	shalt  }
0x47: {  	_ =	shalt  }
0x48: {  	_ =	shalt  }
0x49: {  	_ =	shalt  }
0x4a: {  	_ =	shalt  }
0x4b: {  	_ =	shalt  }
0x4c: {  	_ =	shalt  }
0x4d: {  	_ =	shalt  }
0x4e: {  	_ =	shalt  }
0x4f: {  	_ =	shalt  }
0x50: {  	_ =	shalt  }
0x51: {  	_ =	shalt  }
0x52: {  	_ =	shalt  }
0x53: {  	_ =	shalt  }
0x54: {  	_ =	shalt  }
0x55: {  	_ =	shalt  }
0x56: {  	_ =	shalt  }
0x57: {  	_ =	shalt  }
0x58: {  	_ =	shalt  }
0x59: {  	_ =	shalt  }
0x5a: {  	_ =	shalt  }
0x5b: {  	_ =	shalt  }
0x5c: {  	_ =	shalt  }
0x5d: {  	_ =	shalt  }
0x5e: {  	_ =	shalt  }
0x5f: {  	_ =	shalt  }
0x60: {  	_ =	shalt  }
0x61: {  	_ =	shalt  }
0x62: {  	_ =	shalt  }
0x63: {  	_ =	shalt  }
0x64: {  	_ =	shalt  }
0x65: {  	_ =	shalt  }
0x66: {  	_ =	shalt  }
0x67: {  	_ =	shalt  }
0x68: {  	_ =	shalt  }
0x69: {  	_ =	shalt  }
0x6a: {  	_ =	shalt  }
0x6b: {  	_ =	shalt  }
0x6c: {  	_ =	shalt  }
0x6d: {  	_ =	shalt  }
0x6e: {  	_ =	shalt  }
0x6f: {  	_ =	shalt  }
0x70: {  	_ =	shalt  }
0x71: {  	_ =	shalt  }
0x72: {  	_ =	shalt  }
0x73: {  	_ =	shalt  }
0x74: {  	_ =	shalt  }
0x75: {  	_ =	shalt  }
0x76: {  	_ =	shalt  }
0x77: {  	_ =	shalt  }
0x78: {  	_ =	shalt  }
0x79: {  	_ =	shalt  }
0x7a: {  	_ =	shalt  }
0x7b: {  	_ =	shalt  }
0x7c: {  	_ =	shalt  }
0x7d: {  	_ =	shalt  }
0x7e: {  	_ =	shalt  }
0x7f: {  	_ =	shalt  }
0x80: {  	_ =	shalt  }
0x81: {  	_ =	shalt  }
0x82: {  	_ =	shalt  }
0x83: {  	_ =	shalt  }
0x84: {  	_ =	shalt  }
0x85: {  	_ =	shalt  }
0x86: {  	_ =	shalt  }
0x87: {  	_ =	shalt  }
.Lfunc_end0:
.L_simem_size_0:
called_computation.1_lowered:
.L_overlay_start_0:
0x88: {  	s2 =	sld [smem:$0x3FD9]  }
0x89: {  	s3 =	sld [smem:$0x3FFE];
	_ =	sdelay $0x1  }
0x8a: {  	s1 =	srdreg.scid  }
0x8b: {  	s0 =	sand.u32 $0x1, s1  }
0x8c: {  	s17 =	sshll.u32 s0, $0xA;
	s2 =	sadd.s32 s3, s2  }
0x8d: {  	s2 =	sadd.s32 s2, s17  }
0x8e: {  	[smem:$0x3FC2] =	sst s2  }
0x8f: {  	_ = 	snop  }
0x90: {  	s2 =	sld [smem:$0x3FD0];
	(tm) =	ssettm $0x1  }
0x91: {  	s18 =	sld [smem:$0x3FFB];
	_ =	sdelay $0x3  }
0x92: {  	_ =	strace s18  }
0x93: {  	s3 =	sld [smem:$0x3FFC];
	_ =	sdelay $0x3  }
0x94: {  	_ =	strace s3  }
0x95: {  	s3 =	sld [smem:$0x3FFD];
	_ =	sdelay $0x3  }
0x96: {  	_ =	strace s3  }
0x97: {  	_ =	strace $0x8FFFFFFF  }
0x98: {  	s19 =	sld [smem:$0x3FDB];
	_ =	sdelay $0x1  }
0x99: {  	s4 =	simm.s32 $_scs_section_size  }
0x9a: {  	s5 =	simm.s32 $_size__tile_overlayer_lowered;
	s6 =	simm.s32 $_tile_overlayer_lowered  }
0x9b: {  	s22 =	simm.s32 $0x1BFF;
	s21 =	sshll.u32 s6, $0x1;
	s3 =	sadd.s32 s4, s19  }
0x9c: {  	s7 =	simm.s32 $0x0;
	s20 =	sshll.u32 s5, $0x1;
	s5 =	sadd.s32 s21, s3  }
0x9d: {  	[timem:s7], [sflag:s22] =	dma.local [hbm:s5], s20  }
0x9e: {  	_ =	swait.ge [sflag:s22], s20  }
0x9f: {  	s4 =	ssub.s32 $0x0, s20;
	[sflag:s22] =	ssyncset.done $0x0  }
0xa0: {  	[sflag:s22] =	ssyncadd.s32 s4;
	_ =	sdelay $0x1  }
0xa1: {  	s23 =	simm.s32 $0x1B8B  }
0xa2: {  	_ =	swait.ge [sflag:s23], $0x1  }
0xa3: {  	[sflag:s23] =	ssyncset.done $0x0  }
0xa4: {  	s25 =	simm.s32 $0x1B8E;
	s24 =	sld [smem:$0x3FFE];
	[sflag:s23] =	ssyncadd.s32 $0xFFFFFFFF  }
0xa5: {  	s26 =	simm.s32 $execute0_lowered;
	[smem:$0x3FD2] =	sst s25  }
0xa6: {  	s5 =	sshll.u32 s26, $0x1;
	_ =	strace $0x80000049;
	[dreg:$0x1] =	wrdreg $0xFFFFFFFF  }
0xa7: {  	s28 =	simm.s32 $_size_execute0_lowered;
	s3 =	sadd.s32 s3, s5;
	[dreg:$0x0] =	wrdreg $0x0  }
0xa8: {  	s5 =	sshll.u32 s28, $0x1;
	[dreg:$0x2] =	wrdreg s3  }
0xa9: {  	[dreg:$0x3] =	wrdreg s5  }
0xaa: {  	[dreg:$0x4] =	wrdreg $0xC0  }
0xab: {  	_ =	task [dreg:s7], $0x5FFFF  }
0xac: {  	[dreg:$0x1] =	wrdreg $0xFFFFFFFF  }
0xad: {  	[dreg:$0x0] =	wrdreg $0x60  }
0xae: {  	[dreg:$0x2] =	wrdreg s24  }
0xaf: {  	[dreg:$0x3] =	wrdreg s2  }
0xb0: {  	[dreg:$0x4] =	wrdreg $0x10F000  }
0xb1: {  	[dreg:$0x5] =	wrdreg $0x9  }
0xb2: {  	_ =	task.clear_ibuf [dreg:s7], $0x6FFFF;
	_ =	strace $0x90000049  }
0xb3: {  	s29 =	simm.s32 $0x9;
	_ =	strace $0x8000004B  }
0xb4: {  	_ =	swait.ge [sflag:s29], $0x1  }
0xb5: {  	[sflag:s29] =	ssyncadd.s32 $0xFFFFFFFF  }
0xb6: {  	_ =	strace $0x9000004B  }
0xb7: {  	_ =	sfence  }
0xb8: {  	s30 =	sld [smem:$0x0];
	_ =	sdelay $0x2  }
0xb9: {  	s31 =	sshll.u32 s1, $0xD;
	s1 =	sshrl.u32 s1, $0x2  }
0xba: {  	s3 =	sand.u32 $0x4000, s31;
	s1 =	sadd.s32 s1, s30  }
0xbb: {  	s0 =	sor.u32 s3, s0;
	s1 =	sshll.u32 s1, $0x11  }
0xbc: {  	s0 =	sor.u32 s1, s0  }
0xbd: {  	s0 =	sadd.s32 $0x8F2B, s0  }
0xbe: {  	[sflag:s0] =	ssyncadd.remote.s32 $0x1  }
0xbf: {  	_ =	sfence.sel $0xFFFF  }
0xc0: {  	[dreg:$0x0] =	wrdreg $0xFFFFFFFF;
	(pc) =	sbr.abs _section_cstart, $3  }
0xc1: {  	[dreg:$0x1] =	wrdreg $0xFFFFFFFF  }
0xc2: {  	_ =	task.clear_ibuf [dreg:s7], $0x2FFFF;
	_ =	strace $0x9FFFFFFF  }
0xc3: {  	(tm) =	ssettm $0x7FFFFFFF  }
tec
execute0_lowered:
.L_overlay_start_1:
0x0: {  	(tag) =	ssettag $0x1  }
0x1: {  	s0 =	rddreg [dreg:$0x0]  }
0x2: {  	s3 =	rddreg [dreg:$0x2]  }
0x3: {  	s1 =	srdreg.scid;
	s13 =	stileid.u32;
	s4 =	simm.s32 $0x0  }
0x4: {  	s14 =	simm.s32 $0x80;
	s15 =	simm.s32 $0x4F00;
	s16 =	simm.s32 $0x6F00  }
0x5: {  	s18 =	simm.s32 $0x8F00;
	s21 =	simm.s32 $0xAF00;
	s22 =	simm.s32 $0xCF00  }
0x6: {  	s23 =	simm.s32 $0xEF00;
	s24 =	simm.s32 $0x1;
	s25 =	simm.s32 $0x2  }
0x7: {  	s17 =	simm.s32 $0x0;
	s1 =	sand.u32 $0x1, s1;
	s2 =	smul.u32 $0xA000, s13  }
0x8: {  	[smem:$0x7FF] =	sst s4;
	s8 =	sadd.s32 $0xB800, s0;
	s9 =	sadd.s32 $0x1A00, s0  }
0x9: {  	s5 =	sadd.s32 $0x8C800, s0;
	s7 =	sshll.u32 s13, $0x1;
	p0 =	sgt.u32 s13, $0x1  }
0xa: {  	s31 =	sshll.u32 s13, $0x6;
	s13 =	simm.s32 $0x4E00;
	s6 =	smul.u32 $0xA0000, s1  }
0xb: {  	_ =	strace $0x8000004A;
	s10 =	ssub.s32 $0x2, s1;
	s1 =	sor.u32 s1, s7  }
0xc: {  	s19 =	sor.u32 $0x1C03, s31;
	s29 =	sshrl.u32 s10, $0x1;
	s11 =	smul.u32 $0x4E0, s1  }
0xd: {  	s1 =	sshll.u32 s1, $0x4;
	s30 =	sadd.s32 s2, s3;
	s6 =	sadd.s32 s2, s6  }
0xe: {  	s12 =	ssub.s32 s10, s29;
	s1 =	sor.u32 $0x9C00, s1;
	s20 =	sshrl.u32 s30, $0x3  }
0xf: {  	s2 =	simm.s32 $0x4D80;
	s6 =	sshrl.u32 s6, $0x3;
	s7 =	sadd.s32 s9, s11  }
0x10: {  	s9 =	sadd.s32 s9, s1;
	s0 =	sadd.s32 s6, s0;
	s6 =	sadd.s32 s8, s11  }
0x11: {  	s8 =	sadd.s32 s8, s1;
	s11 =	smax.u32 s12, $0x1;
	s12 =	simm.s32 $0x3  }
0x12: {  	s1 =	simm.s32 $0x4D00;
	s10 =	sadd.s32 $0xA0200, s0;
	s0 =	simm.s32 $0x4C80  }
.LBB2_1:
0x13: {  	[tilespmem:s4], [sflag:$0x3] =	stream.linear.gather [hbm4b:s6+s4], $0x2700, $0x38;
	[tilespmem:$0x1AF00] =	vst v63  }
0x14: {  	_ =	swait.ge [sflag:s12], $0x2700  }
0x15: {  	[sflag:s12] =	ssyncset.done $0x0  }
0x16: {  	s26 =	simm.s32 $0x2780;
	[sflag:s12] =	ssyncadd.s32 $0xFFFFD900  }
0x17: {  	[tilespmem:s26], [sflag:$0x3] =	stream.linear.gather [hbm4b:s7+s4], $0x2700, $0x38;
	[tilespmem:$0x1AF00] =	vst v63  }
0x18: {  	_ =	swait.ge [sflag:s12], $0x2700  }
0x19: {  	[sflag:s12] =	ssyncset.done $0x0  }
0x1a: {  	s28 =	simm.s32 @!p0 $0x2700;
	s26 =	simm.s32 @!p0 $0x0;
	[sflag:s12] =	ssyncadd.s32 $0xFFFFD900  }
0x1b: {  	[tilespmem:s28], [sflag:$0x3] =	stream.linear.gather @!p0 [hbm4b:s8+s26], $0x80, $0x38;
	[tilespmem:$0x1AF00] =	vst v63  }
0x1c: {  	s28 =	simm.s32 @!p0 $0x3  }
0x1d: {  	_ =	swait.ge @!p0 [sflag:s28], $0x80  }
0x1e: {  	[sflag:s28] =	ssyncset.done @!p0 $0x0  }
0x1f: {  	s29 =	simm.s32 @!p0 $0x4E80;
	[sflag:s28] =	ssyncadd.s32 @!p0 $0xFFFFFF80  }
0x20: {  	[tilespmem:s29], [sflag:$0x3] =	stream.linear.gather @!p0 [hbm4b:s9+s26], $0x80, $0x38;
	[tilespmem:$0x1AF00] =	vst v63  }
0x21: {  	_ =	swait.ge @!p0 [sflag:s28], $0x80  }
0x22: {  	[sflag:s28] =	ssyncset.done @!p0 $0x0  }
0x23: {  	[sflag:s28] =	ssyncadd.s32 @!p0 $0xFFFFFF80  }
0x24: {  	[tilespmem:s15], [sflag:$0x1] =	stream.indirect.gather [hbm4b:s5+s14], $0x40, s4, s14, $0xb8;
	[tilespmem:$0x1AF00] =	vst v63  }
0x25: {  	_ = 	snop  }
0x26: {  	[tilespmem:s16], [sflag:$0x1] =	stream.indirect.gather [hbm4b:s5+s14], $0x40, s14, s14, $0xb8;
	[tilespmem:$0x1AF00] =	vst v63  }
0x27: {  	s30 =	simm.s32 $0x100;
	s31 =	rddreg [dreg:$0x1]  }
0x28: {  	[tilespmem:s18], [sflag:$0x1] =	stream.indirect.gather [hbm4b:s5+s14], $0x40, s30, s14, $0xb8;
	[tilespmem:$0x1AF00] =	vst v63  }
0x29: {  	[spmem:s20], [sflag:s19] =	dma.local [hbm:s31], $0x1400  }
0x2a: {  	_ =	swait.ge [sflag:s12], $0x1400  }
0x2b: {  	[sflag:s12] =	ssyncset.done $0x0  }
0x2c: {  	[sflag:s12] =	ssyncadd.s32 $0xFFFFEC00  }
0x2d: {  	s29 =	simm.s32 $0x180;
	[bflag:$0x0] =	sbarrier.arrive $0xFFFF  }
0x2e: {  	[tilespmem:s21], [sflag:$0x2] =	stream.indirect.gather [hbm4b:s5+s14], $0x40, s29, s14, $0xb8;
	[tilespmem:$0x1AF00] =	vst v63  }
0x2f: {  	s30 =	simm.s32 $0x200  }
0x30: {  	[tilespmem:s22], [sflag:$0x2] =	stream.indirect.gather [hbm4b:s5+s14], $0x40, s30, s14, $0xb8;
	[tilespmem:$0x1AF00] =	vst v63  }
0x31: {  	s31 =	simm.s32 $0x280  }
0x32: {  	[tilespmem:s23], [sflag:$0x2] =	stream.indirect.gather [hbm4b:s5+s14], $0x40, s31, s14, $0xb8;
	[tilespmem:$0x1AF00] =	vst v63  }
0x33: {  	_ =	swait.ge [sflag:s24], $0x6000  }
0x34: {  	[sflag:s24] =	ssyncset.done $0x0  }
0x35: {  	s29 =	simm.s32 $0x2780;
	[sflag:s24] =	ssyncadd.s32 $0xFFFFA000  }
0x36: {  	[spmem:s3] =	stream.indirect.scatter.add.f32 [tilespmem:s15], [sflag:$0x3], $0x40, s29, s14, $0xb8;
	[tilespmem:$0x1AF00] =	vst v63  }
0x37: {  	_ =	swait.ge [sflag:s12], $0x2000  }
0x38: {  	[sflag:s12] =	ssyncset.done $0x0  }
0x39: {  	s30 =	simm.s32 $0x2800;
	[sflag:s12] =	ssyncadd.s32 $0xFFFFE000  }
0x3a: {  	[spmem:s3] =	stream.indirect.scatter.add.f32 [tilespmem:s16], [sflag:$0x3], $0x40, s30, s14, $0xb8;
	[tilespmem:$0x1AF00] =	vst v63  }
0x3b: {  	_ =	swait.ge [sflag:s12], $0x2000  }
0x3c: {  	[sflag:s12] =	ssyncset.done $0x0  }
0x3d: {  	s31 =	simm.s32 $0x2880;
	[sflag:s12] =	ssyncadd.s32 $0xFFFFE000  }
0x3e: {  	[spmem:s3] =	stream.indirect.scatter.add.f32 [tilespmem:s18], [sflag:$0x3], $0x40, s31, s14, $0xb8;
	[tilespmem:$0x1AF00] =	vst v63  }
0x3f: {  	_ =	swait.ge [sflag:s12], $0x2000  }
0x40: {  	[sflag:s12] =	ssyncset.done $0x0  }
0x41: {  	s29 =	simm.s32 $0x300;
	[sflag:s12] =	ssyncadd.s32 $0xFFFFE000  }
0x42: {  	[tilespmem:s15], [sflag:$0x1] =	stream.indirect.gather [hbm4b:s5+s14], $0x40, s29, s14, $0xb8;
	[tilespmem:$0x1AF00] =	vst v63  }
0x43: {  	s30 =	simm.s32 $0x380  }
0x44: {  	[tilespmem:s16], [sflag:$0x1] =	stream.indirect.gather [hbm4b:s5+s14], $0x40, s30, s14, $0xb8;
	[tilespmem:$0x1AF00] =	vst v63  }
0x45: {  	s31 =	simm.s32 $0x400  }
0x46: {  	[tilespmem:s18], [sflag:$0x1] =	stream.indirect.gather [hbm4b:s5+s14], $0x40, s31, s14, $0xb8;
	[tilespmem:$0x1AF00] =	vst v63  }
0x47: {  	_ =	swait.ge [sflag:s25], $0x6000  }
0x48: {  	[sflag:s25] =	ssyncset.done $0x0  }
0x49: {  	s29 =	simm.s32 $0x2900;
	[sflag:s25] =	ssyncadd.s32 $0xFFFFA000  }
0x4a: {  	[spmem:s3] =	stream.indirect.scatter.add.f32 [tilespmem:s21], [sflag:$0x3], $0x40, s29, s14, $0xb8;
	[tilespmem:$0x1AF00] =	vst v63  }
0x4b: {  	_ =	swait.ge [sflag:s12], $0x2000  }
0x4c: {  	[sflag:s12] =	ssyncset.done $0x0  }
0x4d: {  	s30 =	simm.s32 $0x2980;
	[sflag:s12] =	ssyncadd.s32 $0xFFFFE000  }
0x4e: {  	[spmem:s3] =	stream.indirect.scatter.add.f32 [tilespmem:s22], [sflag:$0x3], $0x40, s30, s14, $0xb8;
	[tilespmem:$0x1AF00] =	vst v63  }
0x4f: {  	_ =	swait.ge [sflag:s12], $0x2000  }
0x50: {  	[sflag:s12] =	ssyncset.done $0x0  }
0x51: {  	s31 =	simm.s32 $0x2A00;
	[sflag:s12] =	ssyncadd.s32 $0xFFFFE000  }
0x52: {  	[spmem:s3] =	stream.indirect.scatter.add.f32 [tilespmem:s23], [sflag:$0x3], $0x40, s31, s14, $0xb8;
	[tilespmem:$0x1AF00] =	vst v63  }
0x53: {  	_ =	swait.ge [sflag:s12], $0x2000  }
0x54: {  	s26 =	simm.s32 $0x300;
	s28 =	simm.s32 $0x1800;
	[sflag:s12] =	ssyncset.done $0x0  }
.LBB2_2:
0x55: {  	s31 =	sadd.s32 $0x180, s26  }
0x56: {  	[sflag:s12] =	ssyncadd.s32 $0xFFFFE000;
	s29 =	smov.u32 s28;
	s30 =	sadd.s32 $0xC00, s28  }
0x57: {  	[tilespmem:s21], [sflag:$0x2] =	stream.indirect.gather [hbm4b:s5+s14], $0x40, s31, s14, $0xb8;
	[tilespmem:$0x1AF00] =	vst v63  }
0x58: {  	p1 =	sne.s32 s28, $0x8400;
	s28 =	sadd.s32 $0x200, s26  }
0x59: {  	[tilespmem:s22], [sflag:$0x2] =	stream.indirect.gather [hbm4b:s5+s14], $0x40, s28, s14, $0xb8;
	[tilespmem:$0x1AF00] =	vst v63  }
0x5a: {  	s28 =	sadd.s32 $0x280, s26  }
0x5b: {  	[tilespmem:s23], [sflag:$0x2] =	stream.indirect.gather [hbm4b:s5+s14], $0x40, s28, s14, $0xb8;
	[tilespmem:$0x1AF00] =	vst v63  }
0x5c: {  	_ =	swait.ge [sflag:s24], $0x6000  }
0x5d: {  	[sflag:s24] =	ssyncset.done $0x0  }
0x5e: {  	s28 =	sadd.s32 $0x2780, s26;
	[sflag:s24] =	ssyncadd.s32 $0xFFFFA000  }
0x5f: {  	[spmem:s3] =	stream.indirect.scatter.add.f32 [tilespmem:s15], [sflag:$0x3], $0x40, s28, s14, $0xb8;
	[tilespmem:$0x1AF00] =	vst v63  }
0x60: {  	_ =	swait.ge [sflag:s12], $0x2000  }
0x61: {  	[sflag:s12] =	ssyncset.done $0x0  }
0x62: {  	s28 =	sadd.s32 $0x2800, s26;
	[sflag:s12] =	ssyncadd.s32 $0xFFFFE000  }
0x63: {  	[spmem:s3] =	stream.indirect.scatter.add.f32 [tilespmem:s16], [sflag:$0x3], $0x40, s28, s14, $0xb8;
	[tilespmem:$0x1AF00] =	vst v63  }
0x64: {  	_ =	swait.ge [sflag:s12], $0x2000  }
0x65: {  	[sflag:s12] =	ssyncset.done $0x0  }
0x66: {  	s28 =	sadd.s32 $0x2880, s26;
	[sflag:s12] =	ssyncadd.s32 $0xFFFFE000  }
0x67: {  	[spmem:s3] =	stream.indirect.scatter.add.f32 [tilespmem:s18], [sflag:$0x3], $0x40, s28, s14, $0xb8;
	[tilespmem:$0x1AF00] =	vst v63  }
0x68: {  	_ =	swait.ge [sflag:s12], $0x2000  }
0x69: {  	[sflag:s12] =	ssyncset.done $0x0  }
0x6a: {  	s28 =	sadd.s32 $0x300, s26;
	[sflag:s12] =	ssyncadd.s32 $0xFFFFE000  }
0x6b: {  	[tilespmem:s15], [sflag:$0x1] =	stream.indirect.gather [hbm4b:s5+s14], $0x40, s28, s14, $0xb8;
	[tilespmem:$0x1AF00] =	vst v63  }
0x6c: {  	s28 =	sadd.s32 $0x380, s26  }
0x6d: {  	[tilespmem:s16], [sflag:$0x1] =	stream.indirect.gather [hbm4b:s5+s14], $0x40, s28, s14, $0xb8;
	[tilespmem:$0x1AF00] =	vst v63  }
0x6e: {  	s28 =	sadd.s32 $0x400, s26  }
0x6f: {  	[tilespmem:s18], [sflag:$0x1] =	stream.indirect.gather [hbm4b:s5+s14], $0x40, s28, s14, $0xb8;
	[tilespmem:$0x1AF00] =	vst v63  }
0x70: {  	_ =	swait.ge [sflag:s25], $0x6000  }
0x71: {  	[sflag:s25] =	ssyncset.done $0x0  }
0x72: {  	s28 =	sadd.s32 $0x2900, s26;
	[sflag:s25] =	ssyncadd.s32 $0xFFFFA000  }
0x73: {  	[spmem:s3] =	stream.indirect.scatter.add.f32 [tilespmem:s21], [sflag:$0x3], $0x40, s28, s14, $0xb8;
	[tilespmem:$0x1AF00] =	vst v63  }
0x74: {  	_ =	swait.ge [sflag:s12], $0x2000  }
0x75: {  	[sflag:s12] =	ssyncset.done $0x0  }
0x76: {  	s28 =	sadd.s32 $0x2980, s26;
	[sflag:s12] =	ssyncadd.s32 $0xFFFFE000  }
0x77: {  	[spmem:s3] =	stream.indirect.scatter.add.f32 [tilespmem:s22], [sflag:$0x3], $0x40, s28, s14, $0xb8;
	[tilespmem:$0x1AF00] =	vst v63  }
0x78: {  	_ =	swait.ge [sflag:s12], $0x2000  }
.Ltmp0:
0x79: {  	[sflag:s12] =	ssyncset.done $0x0;
	(pc) =	sbr.rel @p1 .LBB2_2-.Ltmp0, $4  }
0x7a: {  	s26 =	sadd.s32 $0x2A00, s26;
	[sflag:s12] =	ssyncadd.s32 $0xFFFFE000  }
0x7b: {  	[spmem:s3] =	stream.indirect.scatter.add.f32 [tilespmem:s23], [sflag:$0x3], $0x40, s26, s14, $0xb8;
	[tilespmem:$0x1AF00] =	vst v63  }
0x7c: {  	_ =	swait.ge [sflag:s12], $0x2000  }
0x7d: {  	s28 =	smov.u32 s30;
	s26 =	sshra.s32 s29, $0x2;
	[sflag:s12] =	ssyncset.done $0x0  }
0x7e: {  	s28 =	sadd.s32 $0x180, s26;
	[sflag:s12] =	ssyncadd.s32 $0xFFFFE000  }
0x7f: {  	[tilespmem:s21], [sflag:$0x2] =	stream.indirect.gather [hbm4b:s5+s14], $0x40, s28, s14, $0xb8;
	[tilespmem:$0x1AF00] =	vst v63  }
0x80: {  	s29 =	sadd.s32 $0x200, s26  }
0x81: {  	[tilespmem:s22], [sflag:$0x2] =	stream.indirect.gather [hbm4b:s5+s14], $0x40, s29, s14, $0xb8;
	[tilespmem:$0x1AF00] =	vst v63  }
0x82: {  	s30 =	sadd.s32 $0x280, s26  }
0x83: {  	[tilespmem:s23], [sflag:$0x2] =	stream.indirect.gather [hbm4b:s5+s14], $0x40, s30, s14, $0xb8;
	[tilespmem:$0x1AF00] =	vst v63  }
0x84: {  	_ =	swait.ge [sflag:s24], $0x6000  }
0x85: {  	[sflag:s24] =	ssyncset.done $0x0  }
0x86: {  	s31 =	sadd.s32 $0x2780, s26;
	[sflag:s24] =	ssyncadd.s32 $0xFFFFA000  }
0x87: {  	[spmem:s3] =	stream.indirect.scatter.add.f32 [tilespmem:s15], [sflag:$0x3], $0x40, s31, s14, $0xb8;
	[tilespmem:$0x1AF00] =	vst v63  }
0x88: {  	_ =	swait.ge [sflag:s12], $0x2000  }
0x89: {  	[sflag:s12] =	ssyncset.done $0x0  }
0x8a: {  	s29 =	sadd.s32 $0x2800, s26;
	[sflag:s12] =	ssyncadd.s32 $0xFFFFE000  }
0x8b: {  	[spmem:s3] =	stream.indirect.scatter.add.f32 [tilespmem:s16], [sflag:$0x3], $0x40, s29, s14, $0xb8;
	[tilespmem:$0x1AF00] =	vst v63  }
0x8c: {  	_ =	swait.ge [sflag:s12], $0x2000  }
0x8d: {  	[sflag:s12] =	ssyncset.done $0x0  }
0x8e: {  	s30 =	sadd.s32 $0x2880, s26;
	[sflag:s12] =	ssyncadd.s32 $0xFFFFE000  }
0x8f: {  	[spmem:s3] =	stream.indirect.scatter.add.f32 [tilespmem:s18], [sflag:$0x3], $0x40, s30, s14, $0xb8;
	[tilespmem:$0x1AF00] =	vst v63  }
0x90: {  	_ =	swait.ge [sflag:s12], $0x2000  }
0x91: {  	[sflag:s12] =	ssyncset.done $0x0  }
0x92: {  	s31 =	sadd.s32 $0x300, s26;
	[sflag:s12] =	ssyncadd.s32 $0xFFFFE000  }
0x93: {  	[tilespmem:s15], [sflag:$0x1] =	stream.indirect.gather [hbm4b:s5+s14], $0x40, s31, s14, $0xb8;
	[tilespmem:$0x1AF00] =	vst v63  }
0x94: {  	s29 =	sadd.s32 $0x380, s26  }
0x95: {  	[tilespmem:s16], [sflag:$0x1] =	stream.indirect.gather [hbm4b:s5+s14], $0x40, s29, s14, $0xb8;
	[tilespmem:$0x1AF00] =	vst v63  }
0x96: {  	s30 =	sadd.s32 $0x400, s26  }
0x97: {  	[tilespmem:s18], [sflag:$0x1] =	stream.indirect.gather [hbm4b:s5+s14], $0x40, s30, s14, $0xb8;
	[tilespmem:$0x1AF00] =	vst v63  }
0x98: {  	_ =	swait.ge [sflag:s25], $0x6000  }
0x99: {  	[sflag:s25] =	ssyncset.done $0x0  }
0x9a: {  	s31 =	sadd.s32 $0x2900, s26;
	[sflag:s25] =	ssyncadd.s32 $0xFFFFA000  }
0x9b: {  	[spmem:s3] =	stream.indirect.scatter.add.f32 [tilespmem:s21], [sflag:$0x3], $0x40, s31, s14, $0xb8;
	[tilespmem:$0x1AF00] =	vst v63  }
0x9c: {  	_ =	swait.ge [sflag:s12], $0x2000  }
0x9d: {  	[sflag:s12] =	ssyncset.done $0x0  }
0x9e: {  	s29 =	sadd.s32 $0x2980, s26;
	[sflag:s12] =	ssyncadd.s32 $0xFFFFE000  }
0x9f: {  	[spmem:s3] =	stream.indirect.scatter.add.f32 [tilespmem:s22], [sflag:$0x3], $0x40, s29, s14, $0xb8;
	[tilespmem:$0x1AF00] =	vst v63  }
0xa0: {  	_ =	swait.ge [sflag:s12], $0x2000  }
0xa1: {  	[sflag:s12] =	ssyncset.done $0x0  }
0xa2: {  	s30 =	sadd.s32 $0x2A00, s26;
	[sflag:s12] =	ssyncadd.s32 $0xFFFFE000  }
0xa3: {  	[spmem:s3] =	stream.indirect.scatter.add.f32 [tilespmem:s23], [sflag:$0x3], $0x40, s30, s14, $0xb8;
	[tilespmem:$0x1AF00] =	vst v63  }
0xa4: {  	_ =	swait.ge [sflag:s12], $0x2000  }
0xa5: {  	[sflag:s12] =	ssyncset.done $0x0  }
0xa6: {  	s31 =	simm.s32 $0x2580;
	[sflag:s12] =	ssyncadd.s32 $0xFFFFE000  }
0xa7: {  	[tilespmem:s21], [sflag:$0x2] =	stream.indirect.gather [hbm4b:s5+s14], $0x40, s31, s14, $0xb8;
	[tilespmem:$0x1AF00] =	vst v63  }
0xa8: {  	s28 =	simm.s32 $0x2600  }
0xa9: {  	[tilespmem:s22], [sflag:$0x2] =	stream.indirect.gather [hbm4b:s5+s14], $0x40, s28, s14, $0xb8;
	[tilespmem:$0x1AF00] =	vst v63  }
0xaa: {  	s29 =	simm.s32 $0x2680  }
0xab: {  	[tilespmem:s23], [sflag:$0x2] =	stream.indirect.gather [hbm4b:s5+s14], $0x40, s29, s14, $0xb8;
	[tilespmem:$0x1AF00] =	vst v63  }
0xac: {  	_ =	swait.ge [sflag:s24], $0x6000  }
0xad: {  	[sflag:s24] =	ssyncset.done $0x0  }
0xae: {  	s30 =	simm.s32 $0x4B80;
	[sflag:s24] =	ssyncadd.s32 $0xFFFFA000  }
0xaf: {  	[spmem:s3] =	stream.indirect.scatter.add.f32 [tilespmem:s15], [sflag:$0x3], $0x40, s30, s14, $0xb8;
	[tilespmem:$0x1AF00] =	vst v63  }
0xb0: {  	_ =	swait.ge [sflag:s12], $0x2000  }
0xb1: {  	[sflag:s12] =	ssyncset.done $0x0  }
0xb2: {  	s31 =	simm.s32 $0x4C00;
	[sflag:s12] =	ssyncadd.s32 $0xFFFFE000  }
0xb3: {  	[spmem:s3] =	stream.indirect.scatter.add.f32 [tilespmem:s16], [sflag:$0x3], $0x40, s31, s14, $0xb8;
	[tilespmem:$0x1AF00] =	vst v63  }
0xb4: {  	_ =	swait.ge [sflag:s12], $0x2000  }
0xb5: {  	[sflag:s12] =	ssyncset.done $0x0  }
0xb6: {  	[sflag:s12] =	ssyncadd.s32 $0xFFFFE000  }
0xb7: {  	[spmem:s3] =	stream.indirect.scatter.add.f32 [tilespmem:s18], [sflag:$0x3], $0x40, s0, s14, $0xb8;
	[tilespmem:$0x1AF00] =	vst v63  }
0xb8: {  	_ =	swait.ge [sflag:s12], $0x2000  }
0xb9: {  	[sflag:s12] =	ssyncset.done $0x0  }
0xba: {  	[sflag:s12] =	ssyncadd.s32 $0xFFFFE000  }
0xbb: {  	_ =	swait.ge [sflag:s25], $0x6000  }
0xbc: {  	[sflag:s25] =	ssyncset.done $0x0  }
0xbd: {  	[sflag:s25] =	ssyncadd.s32 $0xFFFFA000  }
0xbe: {  	[spmem:s3] =	stream.indirect.scatter.add.f32 [tilespmem:s21], [sflag:$0x3], $0x40, s1, s14, $0xb8;
	[tilespmem:$0x1AF00] =	vst v63  }
0xbf: {  	_ =	swait.ge [sflag:s12], $0x2000  }
0xc0: {  	[sflag:s12] =	ssyncset.done $0x0  }
0xc1: {  	[sflag:s12] =	ssyncadd.s32 $0xFFFFE000  }
0xc2: {  	[spmem:s3] =	stream.indirect.scatter.add.f32 [tilespmem:s22], [sflag:$0x3], $0x40, s2, s14, $0xb8;
	[tilespmem:$0x1AF00] =	vst v63  }
0xc3: {  	_ =	swait.ge [sflag:s12], $0x2000  }
0xc4: {  	[sflag:s12] =	ssyncset.done $0x0  }
0xc5: {  	[sflag:s12] =	ssyncadd.s32 $0xFFFFE000  }
0xc6: {  	[spmem:s3] =	stream.indirect.scatter.add.f32 [tilespmem:s23], [sflag:$0x3], $0x40, s13, s14, $0xb8;
	[tilespmem:$0x1AF00] =	vst v63  }
0xc7: {  	_ =	swait.ge [sflag:s12], $0x2000  }
0xc8: {  	s26 =	simm.s32 @!p0 $0x80;
	[sflag:s12] =	ssyncset.done $0x0  }
0xc9: {  	s28 =	simm.s32 @!p0 $0x2700;
	s29 =	simm.s32 @!p0 $0x4F00;
	[sflag:s12] =	ssyncadd.s32 $0xFFFFE000  }
0xca: {  	[tilespmem:s29], [sflag:$0x3] =	stream.indirect.gather @!p0 [hbm4b:s5+s26], $0x40, s28, s26, $0xb8;
	[tilespmem:$0x1AF00] =	vst v63  }
0xcb: {  	s28 =	simm.s32 @!p0 $0x3  }
0xcc: {  	_ =	swait.ge @!p0 [sflag:s28], $0x2000  }
0xcd: {  	[sflag:s28] =	ssyncset.done @!p0 $0x0  }
0xce: {  	s30 =	simm.s32 @!p0 $0x4E80;
	[sflag:s28] =	ssyncadd.s32 @!p0 $0xFFFFE000  }
0xcf: {  	[spmem:s3] =	stream.indirect.scatter.add.f32 @!p0 [tilespmem:s29], [sflag:$0x3], $0x40, s30, s26, $0xb8;
	[tilespmem:$0x1AF00] =	vst v63  }
0xd0: {  	_ =	swait.ge @!p0 [sflag:s28], $0x2000  }
0xd1: {  	s17 =	sadd.s32 $0x1, s17;
	[sflag:s28] =	ssyncset.done @!p0 $0x0  }
0xd2: {  	p1 =	sne.s32 s17, s11;
	[sflag:s28] =	ssyncadd.s32 @!p0 $0xFFFFE000  }
.Ltmp1:
0xd3: {  	[bflag:$0x0] =	sbarrier.arrive $0xFFFF;
	(pc) =	sbr.rel @p1 .LBB2_1-.Ltmp1, $4  }
0xd4: {  	[hbm:s10], [sflag:s19] =	dma.local [spmem:s20], $0x1400  }
0xd5: {  	_ =	swait.ge [sflag:s12], $0x1400  }
0xd6: {  	[sflag:s12] =	ssyncset.done $0x0  }
0xd7: {  	[sflag:s12] =	ssyncadd.s32 $0xFFFFEC00  }
0xd8: {  	_ =	sfence.sel $0x180000  }
0xd9: {  	[bflag:$0x0] =	sbarrier.arrive $0xFFFF  }
0xda: {  	_ =	strace $0x9000004A  }
0xdb: {  	s0 =	stileid.u32;
	[bflag:$0x2] =	sbarrier.arrive $0xFFFF  }
0xdc: {  	p0 =	sne.s32 s0, $0x0;
	s0 =	rddreg [dreg:$0x3]  }
0xdd: {  	s0 =	sadd.s32 @!p0 $0x100000, s0  }
0xde: {  	[sflag:s0] =	ssyncadd.tile.s32 @!p0 $0x1;
	_ =	shalt  }
.Lfunc_end2:
_tile_overlayer_lowered:
.L_overlay_start_2:
0xdf: {  	(tag) =	ssettag $0x2  }
0xe0: {  	s0 =	rddreg [dreg:$0x0];
	s2 =	stileid.u32  }
0xe1: {  	s1 =	rddreg [dreg:$0x1];
	p0 =	sne.s32 s2, $0x0  }
0xe2: {  	s3 =	rddreg [dreg:$0x2];
	[bflag:$0x3] =	sbarrier.arrive $0xFFFF;
	s2 =	simm.s32 @!p0 $0x1C03  }
0xe3: {  	[timem:s3], [sflag:s2] =	dma.local @!p0 [hbm:s0], s1  }
0xe4: {  	s0 =	simm.s32 @!p0 $0x3  }
0xe5: {  	_ =	swait.ge @!p0 [sflag:s0], s1  }
0xe6: {  	s1 =	ssub.s32 @!p0 $0x0, s1;
	[sflag:s0] =	ssyncset.done @!p0 $0x0  }
0xe7: {  	[sflag:s0] =	ssyncadd.s32 @!p0 s1  }
0xe8: {  	[bflag:$0x3] =	sbarrier.arrive $0xFFFF  }
0xe9: {  	_ =	shalt  }

// kernel: kernel.14.cloned.1.call-start
scs
__scs_entry_jumppad:
0x0: {  	(pc) =	sbr.rel $0x88, $3  }
0x1: {  	(tag) =	ssettag $0x0;
	lr =	simm.s32 $0x1  }
0x2: {  	[smem:$0x3F9B] =	sst lr;
	_ =	strace $0xD0000000  }
0x3: {  	_ = 	snop  }
0x4: {  	_ = 	snop  }
0x5: {  	_ = 	snop  }
0x6: {  	_ = 	snop  }
0x7: {  	_ = 	snop  }
__scs_overlays_trampoline_lowered:
0x8: {  	[smem:$0x3FAA] =	sst s0  }
0x9: {  	[smem:$0x3FAB] =	sst s1  }
0xa: {  	[smem:$0x3FAC] =	sst s2  }
0xb: {  	[smem:$0x3FAD] =	sst s3  }
0xc: {  	[smem:$0x3FAE] =	sst s4  }
0xd: {  	[smem:$0x3FAF] =	sst s5  }
0xe: {  	[smem:$0x3FB0] =	sst s6  }
0xf: {  	[smem:$0x3FB1] =	sst s7  }
0x10: {  	[smem:$0x3FB2] =	sst s8  }
0x11: {  	[smem:$0x3FB3] =	sst s9;
	s0 =	simm.s32 @!p0 $0x0  }
0x12: {  	s1 =	sld [smem:$0x3F99];
	s0 =	simm.s32 @p0 $0x1  }
0x13: {  	[smem:$0x3FB4] =	sst s0;
	s0 =	simm.s32 @!p1 $0x0  }
0x14: {  	s2 =	sld [smem:$0x3F98];
	s0 =	simm.s32 @p1 $0x1  }
0x15: {  	[smem:$0x3FB5] =	sst s0;
	s0 =	simm.s32 @!p2 $0x0  }
0x16: {  	s3 =	sld [smem:$0x3FDB];
	s0 =	simm.s32 @p2 $0x1  }
0x17: {  	s4 =	simm.s32 $0x1BF5;
	[smem:$0x3FB7] =	sst s0  }
0x18: {  	s0 =	sld [smem:$0x3F9A];
	_ =	swait.ge [sflag:s4], $0x0  }
0x19: {  	s7 =	sld [smem:$0x3F9B]  }
0x1a: {  	s8 =	sadd.s32 $0xFFFFE003, lr  }
0x1b: {  	s9 =	sadd.s32 $0xFFFFFEF7, lr;
	s5 =	simm.s32 $0xFFFFFFFF;
	p2 =	slt.u32 s8, $0xFFFFF086  }
0x1c: {  	p1 =	slt.u32 s9, $0xF7A;
	s5 =	simm.s32 @!p2 $0x0  }
0x1d: {  	s5 =	simm.s32 @p1 $0x1;
	p0 =	seq.s32 s7, s2  }
0x1e: {  	s7 =	smul.u32 @!p0 $0xF7A, s2;
	p2 =	seq.s32 @!p0 s5, $0x0  }
0x1f: {  	s9 =	smul.u32 $0xF7A, s1;
	s8 =	simm.s32 @!p0 $0x1BF5;
	p2 =	por !p2, p0  }
0x20: {  	[sflag:s8] =	ssyncset.s32 @!p0 $0xFFFFF086;
	s6 =	sadd.s32 @!p0 s3, s7;
	s7 =	simm.s32 @!p0 $0x108  }
0x21: {  	s3 =	sadd.s32 s3, s9;
	s6 =	sadd.s32 @!p0 $0x88, s6;
	s7 =	simm.s32 @p2 $0x1082  }
0x22: {  	[simem:s7], [sflag:s8] =	dma.local @!p0 [hbm:s6], $0xF7A  }
0x23: {  	s9 =	sor.u32 $0xD0000000, s2;
	s6 =	simm.s32 $0x108;
	_ =	swait.ge @!p0 [sflag:s8], $0x0  }
0x24: {  	s3 =	sadd.s32 $0x88, s3;
	s6 =	simm.s32 @!p1 $0x1082;
	[sflag:s4] =	ssyncset.s32 $0xFFFFF086  }
0x25: {  	[simem:s6], [sflag:s4] =	dma.local [hbm:s3], $0xF7A  }
0x26: {  	[smem:$0x3F9B] =	sst s1;
	(tag) =	ssettag s2;
	_ =	strace s9  }
0x27: {  	s1 =	sld [smem:$0x3FAB]  }
0x28: {  	s2 =	sld [smem:$0x3FAC]  }
0x29: {  	s4 =	sld [smem:$0x3FAE]  }
0x2a: {  	p0 =	seq.s32 s5, $0x0;
	s5 =	sld [smem:$0x3FAF]  }
0x2b: {  	s6 =	sld [smem:$0x3FB0]  }
0x2c: {  	s7 =	sld [smem:$0x3FB1]  }
0x2d: {  	s3 =	simm.s32 $0x108;
	s8 =	sld [smem:$0x3FB2]  }
0x2e: {  	s3 =	simm.s32 @!p0 $0x1082;
	s9 =	sld [smem:$0x3FB3]  }
0x2f: {  	lr =	sadd.s32 s0, s3;
	s0 =	sld [smem:$0x3FAA]  }
0x30: {  	s3 =	sld [smem:$0x3FAD]  }
0x31: {  	[smem:$0x3FB6] =	sst s10  }
0x32: {  	s10 =	sld [smem:$0x3FB4];
	_ =	sdelay $0x3  }
0x33: {  	p0 =	seq.s32 s10, $0x1;
	s10 =	sld [smem:$0x3FB6];
	_ =	sdelay $0x3  }
0x34: {  	[smem:$0x3FB6] =	sst s10  }
0x35: {  	s10 =	sld [smem:$0x3FB5];
	_ =	sdelay $0x3  }
0x36: {  	p1 =	seq.s32 s10, $0x1;
	s10 =	sld [smem:$0x3FB6];
	_ =	sdelay $0x3  }
0x37: {  	[smem:$0x3FB6] =	sst s10  }
0x38: {  	s10 =	sld [smem:$0x3FB7]  }
0x39: {  	_ = 	snop;
	(pc) =	sbr.ind lr, $3  }
0x3a: {  	_ = 	snop  }
0x3b: {  	_ = 	snop  }
0x3c: {  	p2 =	seq.s32 s10, $0x1;
	s10 =	sld [smem:$0x3FB6]  }
0x3d: {  	_ =	shalt  }
0x3e: {  	_ =	shalt  }
0x3f: {  	_ =	shalt  }
0x40: {  	_ =	shalt  }
0x41: {  	_ =	shalt  }
0x42: {  	_ =	shalt  }
0x43: {  	_ =	shalt  }
0x44: {  	_ =	shalt  }
0x45: {  	_ =	shalt  }
0x46: {  	_ =	shalt  }
0x47: {  	_ =	shalt  }
0x48: {  	_ =	shalt  }
0x49: {  	_ =	shalt  }
0x4a: {  	_ =	shalt  }
0x4b: {  	_ =	shalt  }
0x4c: {  	_ =	shalt  }
0x4d: {  	_ =	shalt  }
0x4e: {  	_ =	shalt  }
0x4f: {  	_ =	shalt  }
0x50: {  	_ =	shalt  }
0x51: {  	_ =	shalt  }
0x52: {  	_ =	shalt  }
0x53: {  	_ =	shalt  }
0x54: {  	_ =	shalt  }
0x55: {  	_ =	shalt  }
0x56: {  	_ =	shalt  }
0x57: {  	_ =	shalt  }
0x58: {  	_ =	shalt  }
0x59: {  	_ =	shalt  }
0x5a: {  	_ =	shalt  }
0x5b: {  	_ =	shalt  }
0x5c: {  	_ =	shalt  }
0x5d: {  	_ =	shalt  }
0x5e: {  	_ =	shalt  }
0x5f: {  	_ =	shalt  }
0x60: {  	_ =	shalt  }
0x61: {  	_ =	shalt  }
0x62: {  	_ =	shalt  }
0x63: {  	_ =	shalt  }
0x64: {  	_ =	shalt  }
0x65: {  	_ =	shalt  }
0x66: {  	_ =	shalt  }
0x67: {  	_ =	shalt  }
0x68: {  	_ =	shalt  }
0x69: {  	_ =	shalt  }
0x6a: {  	_ =	shalt  }
0x6b: {  	_ =	shalt  }
0x6c: {  	_ =	shalt  }
0x6d: {  	_ =	shalt  }
0x6e: {  	_ =	shalt  }
0x6f: {  	_ =	shalt  }
0x70: {  	_ =	shalt  }
0x71: {  	_ =	shalt  }
0x72: {  	_ =	shalt  }
0x73: {  	_ =	shalt  }
0x74: {  	_ =	shalt  }
0x75: {  	_ =	shalt  }
0x76: {  	_ =	shalt  }
0x77: {  	_ =	shalt  }
0x78: {  	_ =	shalt  }
0x79: {  	_ =	shalt  }
0x7a: {  	_ =	shalt  }
0x7b: {  	_ =	shalt  }
0x7c: {  	_ =	shalt  }
0x7d: {  	_ =	shalt  }
0x7e: {  	_ =	shalt  }
0x7f: {  	_ =	shalt  }
0x80: {  	_ =	shalt  }
0x81: {  	_ =	shalt  }
0x82: {  	_ =	shalt  }
0x83: {  	_ =	shalt  }
0x84: {  	_ =	shalt  }
0x85: {  	_ =	shalt  }
0x86: {  	_ =	shalt  }
0x87: {  	_ =	shalt  }
.Lfunc_end0:
.L_simem_size_0:
called_computation.2_lowered:
.L_overlay_start_0:
0x88: {  	s2 =	sld [smem:$0x3FD9]  }
0x89: {  	s3 =	sld [smem:$0x3FFE];
	_ =	sdelay $0x1  }
0x8a: {  	s1 =	srdreg.scid  }
0x8b: {  	s0 =	sand.u32 $0x1, s1  }
0x8c: {  	s17 =	sshll.u32 s0, $0xA;
	s2 =	sadd.s32 s3, s2  }
0x8d: {  	s2 =	sadd.s32 s2, s17  }
0x8e: {  	[smem:$0x3FC2] =	sst s2  }
0x8f: {  	_ = 	snop  }
0x90: {  	s2 =	sld [smem:$0x3FD0];
	(tm) =	ssettm $0x1  }
0x91: {  	s18 =	sld [smem:$0x3FFB];
	_ =	sdelay $0x3  }
0x92: {  	_ =	strace s18  }
0x93: {  	s3 =	sld [smem:$0x3FFC];
	_ =	sdelay $0x3  }
0x94: {  	_ =	strace s3  }
0x95: {  	s3 =	sld [smem:$0x3FFD];
	_ =	sdelay $0x3  }
0x96: {  	_ =	strace s3  }
0x97: {  	_ =	strace $0x8FFFFFFF  }
0x98: {  	s19 =	sld [smem:$0x3FDB];
	_ =	sdelay $0x1  }
0x99: {  	s4 =	simm.s32 $_scs_section_size  }
0x9a: {  	s5 =	simm.s32 $_size__tile_overlayer_lowered;
	s6 =	simm.s32 $_tile_overlayer_lowered  }
0x9b: {  	s22 =	simm.s32 $0x1BFF;
	s21 =	sshll.u32 s6, $0x1;
	s3 =	sadd.s32 s4, s19  }
0x9c: {  	s7 =	simm.s32 $0x0;
	s20 =	sshll.u32 s5, $0x1;
	s5 =	sadd.s32 s21, s3  }
0x9d: {  	[timem:s7], [sflag:s22] =	dma.local [hbm:s5], s20  }
0x9e: {  	_ =	swait.ge [sflag:s22], s20  }
0x9f: {  	s4 =	ssub.s32 $0x0, s20;
	[sflag:s22] =	ssyncset.done $0x0  }
0xa0: {  	[sflag:s22] =	ssyncadd.s32 s4;
	_ =	sdelay $0x1  }
0xa1: {  	s23 =	simm.s32 $0x1B8B  }
0xa2: {  	_ =	swait.ge [sflag:s23], $0x1  }
0xa3: {  	[sflag:s23] =	ssyncset.done $0x0  }
0xa4: {  	s25 =	simm.s32 $0x1B8E;
	s24 =	sld [smem:$0x3FFE];
	[sflag:s23] =	ssyncadd.s32 $0xFFFFFFFF  }
0xa5: {  	s26 =	simm.s32 $execute0_lowered;
	[smem:$0x3FD2] =	sst s25  }
0xa6: {  	s5 =	sshll.u32 s26, $0x1;
	_ =	strace $0x8000004C;
	[dreg:$0x1] =	wrdreg $0xFFFFFFFF  }
0xa7: {  	s28 =	simm.s32 $_size_execute0_lowered;
	s3 =	sadd.s32 s3, s5;
	[dreg:$0x0] =	wrdreg $0x0  }
0xa8: {  	s5 =	sshll.u32 s28, $0x1;
	[dreg:$0x2] =	wrdreg s3  }
0xa9: {  	[dreg:$0x3] =	wrdreg s5  }
0xaa: {  	[dreg:$0x4] =	wrdreg $0xC0  }
0xab: {  	_ =	task [dreg:s7], $0x5FFFF  }
0xac: {  	[dreg:$0x1] =	wrdreg $0xFFFFFFFF  }
0xad: {  	[dreg:$0x0] =	wrdreg $0x60  }
0xae: {  	[dreg:$0x2] =	wrdreg s24  }
0xaf: {  	[dreg:$0x3] =	wrdreg s2  }
0xb0: {  	[dreg:$0x4] =	wrdreg $0x7F000  }
0xb1: {  	[dreg:$0x5] =	wrdreg $0x9  }
0xb2: {  	_ =	task.clear_ibuf [dreg:s7], $0x6FFFF;
	_ =	strace $0x9000004C  }
0xb3: {  	s29 =	simm.s32 $0x9;
	_ =	strace $0x8000004E  }
0xb4: {  	_ =	swait.ge [sflag:s29], $0x1  }
0xb5: {  	[sflag:s29] =	ssyncadd.s32 $0xFFFFFFFF  }
0xb6: {  	_ =	strace $0x9000004E  }
0xb7: {  	_ =	sfence  }
0xb8: {  	s30 =	sld [smem:$0x0];
	_ =	sdelay $0x2  }
0xb9: {  	s31 =	sshll.u32 s1, $0xD;
	s1 =	sshrl.u32 s1, $0x2  }
0xba: {  	s3 =	sand.u32 $0x4000, s31;
	s1 =	sadd.s32 s1, s30  }
0xbb: {  	s0 =	sor.u32 s3, s0;
	s1 =	sshll.u32 s1, $0x11  }
0xbc: {  	s0 =	sor.u32 s1, s0  }
0xbd: {  	s0 =	sadd.s32 $0x8F2B, s0  }
0xbe: {  	[sflag:s0] =	ssyncadd.remote.s32 $0x1  }
0xbf: {  	_ =	sfence.sel $0xFFFF  }
0xc0: {  	[dreg:$0x0] =	wrdreg $0xFFFFFFFF;
	(pc) =	sbr.abs _section_cstart, $3  }
0xc1: {  	[dreg:$0x1] =	wrdreg $0xFFFFFFFF  }
0xc2: {  	_ =	task.clear_ibuf [dreg:s7], $0x2FFFF;
	_ =	strace $0x9FFFFFFF  }
0xc3: {  	(tm) =	ssettm $0x7FFFFFFF  }
tec
execute0_lowered:
.L_overlay_start_1:
0x0: {  	(tag) =	ssettag $0x1  }
0x1: {  	s0 =	rddreg [dreg:$0x0]  }
0x2: {  	s2 =	rddreg [dreg:$0x1]  }
0x3: {  	s3 =	rddreg [dreg:$0x2]  }
0x4: {  	s1 =	srdreg.scid;
	s13 =	stileid.u32  }
0x5: {  	s4 =	simm.s32 $0x0;
	s14 =	simm.s32 $0x80;
	s15 =	simm.s32 $0x4F00  }
0x6: {  	s16 =	simm.s32 $0x5700;
	s18 =	simm.s32 $0x5F00;
	s21 =	simm.s32 $0x6700  }
0x7: {  	s22 =	simm.s32 $0x6F00;
	s23 =	simm.s32 $0x7700;
	s24 =	simm.s32 $0x1  }
0x8: {  	s25 =	simm.s32 $0x2;
	s17 =	simm.s32 $0x4E00;
	s26 =	simm.s32 $0x0  }
0x9: {  	s1 =	sand.u32 $0x1, s1;
	s10 =	smul.u32 $0x2800, s13;
	[smem:$0x7FF] =	sst s4  }
0xa: {  	s8 =	sadd.s32 $0xB800, s0;
	s9 =	sadd.s32 $0x1A00, s0;
	s5 =	sadd.s32 $0x65600, s0  }
0xb: {  	s7 =	sshll.u32 s13, $0x1;
	p0 =	sgt.u32 s13, $0x1;
	s31 =	sshll.u32 s13, $0x6  }
0xc: {  	s13 =	simm.s32 $0x4D80;
	s6 =	smul.u32 $0x28000, s1;
	_ =	strace $0x8000004D  }
0xd: {  	s11 =	ssub.s32 $0x2, s1;
	s1 =	sor.u32 s1, s7;
	s19 =	sor.u32 $0x1C03, s31  }
0xe: {  	s29 =	sshrl.u32 s11, $0x1;
	s12 =	smul.u32 $0x4E0, s1;
	s1 =	sshll.u32 s1, $0x4  }
0xf: {  	s30 =	sadd.s32 s10, s3;
	s6 =	sadd.s32 s10, s6;
	s11 =	ssub.s32 s11, s29  }
0x10: {  	s1 =	sor.u32 $0x9C00, s1;
	s20 =	sshrl.u32 s30, $0x3;
	s6 =	sshrl.u32 s6, $0x3  }
0x11: {  	s7 =	sadd.s32 s9, s12;
	s9 =	sadd.s32 s9, s1;
	s11 =	smax.u32 s11, $0x1  }
0x12: {  	s0 =	sadd.s32 s6, s0;
	s6 =	sadd.s32 s8, s12;
	s8 =	sadd.s32 s8, s1  }
0x13: {  	s12 =	simm.s32 $0x3;
	s1 =	simm.s32 $0x4D00;
	s10 =	sadd.s32 $0x65C00, s0  }
.LBB2_1:
0x14: {  	[tilespmem:s4], [sflag:$0x3] =	stream.linear.gather [hbm4b:s6+s4], $0x2700, $0x38;
	[tilespmem:$0xA700] =	vst v63  }
0x15: {  	_ =	swait.ge [sflag:s12], $0x2700  }
0x16: {  	[sflag:s12] =	ssyncset.done $0x0  }
0x17: {  	s0 =	simm.s32 $0x2780;
	[sflag:s12] =	ssyncadd.s32 $0xFFFFD900  }
0x18: {  	[tilespmem:s0], [sflag:$0x3] =	stream.linear.gather [hbm4b:s7+s4], $0x2700, $0x38;
	[tilespmem:$0xA700] =	vst v63  }
0x19: {  	_ =	swait.ge [sflag:s12], $0x2700  }
0x1a: {  	[sflag:s12] =	ssyncset.done $0x0  }
0x1b: {  	s28 =	simm.s32 @!p0 $0x0;
	s29 =	simm.s32 @!p0 $0x2700;
	[sflag:s12] =	ssyncadd.s32 $0xFFFFD900  }
0x1c: {  	[tilespmem:s29], [sflag:$0x3] =	stream.linear.gather @!p0 [hbm4b:s8+s28], $0x80, $0x38;
	[tilespmem:$0xA700] =	vst v63  }
0x1d: {  	s29 =	simm.s32 @!p0 $0x3  }
0x1e: {  	_ =	swait.ge @!p0 [sflag:s29], $0x80  }
0x1f: {  	[sflag:s29] =	ssyncset.done @!p0 $0x0  }
0x20: {  	s30 =	simm.s32 @!p0 $0x4E80;
	[sflag:s29] =	ssyncadd.s32 @!p0 $0xFFFFFF80  }
0x21: {  	[tilespmem:s30], [sflag:$0x3] =	stream.linear.gather @!p0 [hbm4b:s9+s28], $0x80, $0x38;
	[tilespmem:$0xA700] =	vst v63  }
0x22: {  	_ =	swait.ge @!p0 [sflag:s29], $0x80  }
0x23: {  	[sflag:s29] =	ssyncset.done @!p0 $0x0  }
0x24: {  	[sflag:s29] =	ssyncadd.s32 @!p0 $0xFFFFFF80  }
0x25: {  	[tilespmem:s15], [sflag:$0x1] =	stream.indirect.gather [hbm4b:s2+s14], $0x10, s4, s14, $0xb8;
	[tilespmem:$0xA700] =	vst v63  }
0x26: {  	_ = 	snop  }
0x27: {  	[tilespmem:s16], [sflag:$0x1] =	stream.indirect.gather [hbm4b:s2+s14], $0x10, s14, s14, $0xb8;
	[tilespmem:$0xA700] =	vst v63  }
0x28: {  	s31 =	simm.s32 $0x100  }
0x29: {  	[tilespmem:s18], [sflag:$0x1] =	stream.indirect.gather [hbm4b:s2+s14], $0x10, s31, s14, $0xb8;
	[tilespmem:$0xA700] =	vst v63  }
0x2a: {  	[spmem:s20], [sflag:s19] =	dma.local [hbm:s5], $0x500  }
0x2b: {  	_ =	swait.ge [sflag:s12], $0x500  }
0x2c: {  	[sflag:s12] =	ssyncset.done $0x0  }
0x2d: {  	[sflag:s12] =	ssyncadd.s32 $0xFFFFFB00  }
0x2e: {  	s28 =	simm.s32 $0x180;
	[bflag:$0x0] =	sbarrier.arrive $0xFFFF  }
0x2f: {  	[tilespmem:s21], [sflag:$0x2] =	stream.indirect.gather [hbm4b:s2+s14], $0x10, s28, s14, $0xb8;
	[tilespmem:$0xA700] =	vst v63  }
0x30: {  	s28 =	simm.s32 $0x200  }
0x31: {  	[tilespmem:s22], [sflag:$0x2] =	stream.indirect.gather [hbm4b:s2+s14], $0x10, s28, s14, $0xb8;
	[tilespmem:$0xA700] =	vst v63  }
0x32: {  	s28 =	simm.s32 $0x280  }
0x33: {  	[tilespmem:s23], [sflag:$0x2] =	stream.indirect.gather [hbm4b:s2+s14], $0x10, s28, s14, $0xb8;
	[tilespmem:$0xA700] =	vst v63  }
0x34: {  	_ =	swait.ge [sflag:s24], $0x1800  }
0x35: {  	[sflag:s24] =	ssyncset.done $0x0  }
0x36: {  	s28 =	simm.s32 $0x2780;
	[sflag:s24] =	ssyncadd.s32 $0xFFFFE800  }
0x37: {  	[spmem:s3] =	stream.indirect.scatter.add.f32 [tilespmem:s15], [sflag:$0x3], $0x10, s28, s14, $0xb8;
	[tilespmem:$0xA700] =	vst v63  }
0x38: {  	_ =	swait.ge [sflag:s12], $0x800  }
0x39: {  	[sflag:s12] =	ssyncset.done $0x0  }
0x3a: {  	s28 =	simm.s32 $0x2800;
	[sflag:s12] =	ssyncadd.s32 $0xFFFFF800  }
0x3b: {  	[spmem:s3] =	stream.indirect.scatter.add.f32 [tilespmem:s16], [sflag:$0x3], $0x10, s28, s14, $0xb8;
	[tilespmem:$0xA700] =	vst v63  }
0x3c: {  	_ =	swait.ge [sflag:s12], $0x800  }
0x3d: {  	[sflag:s12] =	ssyncset.done $0x0  }
0x3e: {  	s28 =	simm.s32 $0x2880;
	[sflag:s12] =	ssyncadd.s32 $0xFFFFF800  }
0x3f: {  	[spmem:s3] =	stream.indirect.scatter.add.f32 [tilespmem:s18], [sflag:$0x3], $0x10, s28, s14, $0xb8;
	[tilespmem:$0xA700] =	vst v63  }
0x40: {  	_ =	swait.ge [sflag:s12], $0x800  }
0x41: {  	[sflag:s12] =	ssyncset.done $0x0  }
0x42: {  	s28 =	simm.s32 $0x300;
	[sflag:s12] =	ssyncadd.s32 $0xFFFFF800  }
0x43: {  	[tilespmem:s15], [sflag:$0x1] =	stream.indirect.gather [hbm4b:s2+s14], $0x10, s28, s14, $0xb8;
	[tilespmem:$0xA700] =	vst v63  }
0x44: {  	s28 =	simm.s32 $0x380  }
0x45: {  	[tilespmem:s16], [sflag:$0x1] =	stream.indirect.gather [hbm4b:s2+s14], $0x10, s28, s14, $0xb8;
	[tilespmem:$0xA700] =	vst v63  }
0x46: {  	s28 =	simm.s32 $0x400  }
0x47: {  	[tilespmem:s18], [sflag:$0x1] =	stream.indirect.gather [hbm4b:s2+s14], $0x10, s28, s14, $0xb8;
	[tilespmem:$0xA700] =	vst v63  }
0x48: {  	_ =	swait.ge [sflag:s25], $0x1800  }
0x49: {  	[sflag:s25] =	ssyncset.done $0x0  }
0x4a: {  	s28 =	simm.s32 $0x2900;
	[sflag:s25] =	ssyncadd.s32 $0xFFFFE800  }
0x4b: {  	[spmem:s3] =	stream.indirect.scatter.add.f32 [tilespmem:s21], [sflag:$0x3], $0x10, s28, s14, $0xb8;
	[tilespmem:$0xA700] =	vst v63  }
0x4c: {  	_ =	swait.ge [sflag:s12], $0x800  }
0x4d: {  	[sflag:s12] =	ssyncset.done $0x0  }
0x4e: {  	s28 =	simm.s32 $0x2980;
	[sflag:s12] =	ssyncadd.s32 $0xFFFFF800  }
0x4f: {  	[spmem:s3] =	stream.indirect.scatter.add.f32 [tilespmem:s22], [sflag:$0x3], $0x10, s28, s14, $0xb8;
	[tilespmem:$0xA700] =	vst v63  }
0x50: {  	_ =	swait.ge [sflag:s12], $0x800  }
0x51: {  	[sflag:s12] =	ssyncset.done $0x0  }
0x52: {  	s28 =	simm.s32 $0x2A00;
	[sflag:s12] =	ssyncadd.s32 $0xFFFFF800  }
0x53: {  	[spmem:s3] =	stream.indirect.scatter.add.f32 [tilespmem:s23], [sflag:$0x3], $0x10, s28, s14, $0xb8;
	[tilespmem:$0xA700] =	vst v63  }
0x54: {  	_ =	swait.ge [sflag:s12], $0x800  }
0x55: {  	s29 =	simm.s32 $0x1800;
	s28 =	simm.s32 $0x300;
	[sflag:s12] =	ssyncset.done $0x0  }
.LBB2_2:
0x56: {  	s0 =	sadd.s32 $0x180, s28  }
0x57: {  	[sflag:s12] =	ssyncadd.s32 $0xFFFFF800;
	s30 =	smov.u32 s29;
	s31 =	sadd.s32 $0xC00, s29  }
0x58: {  	[tilespmem:s21], [sflag:$0x2] =	stream.indirect.gather [hbm4b:s2+s14], $0x10, s0, s14, $0xb8;
	[tilespmem:$0xA700] =	vst v63  }
0x59: {  	p1 =	sne.s32 s29, $0x8400;
	s0 =	sadd.s32 $0x200, s28  }
0x5a: {  	[tilespmem:s22], [sflag:$0x2] =	stream.indirect.gather [hbm4b:s2+s14], $0x10, s0, s14, $0xb8;
	[tilespmem:$0xA700] =	vst v63  }
0x5b: {  	s0 =	sadd.s32 $0x280, s28  }
0x5c: {  	[tilespmem:s23], [sflag:$0x2] =	stream.indirect.gather [hbm4b:s2+s14], $0x10, s0, s14, $0xb8;
	[tilespmem:$0xA700] =	vst v63  }
0x5d: {  	_ =	swait.ge [sflag:s24], $0x1800  }
0x5e: {  	[sflag:s24] =	ssyncset.done $0x0  }
0x5f: {  	s0 =	sadd.s32 $0x2780, s28;
	[sflag:s24] =	ssyncadd.s32 $0xFFFFE800  }
0x60: {  	[spmem:s3] =	stream.indirect.scatter.add.f32 [tilespmem:s15], [sflag:$0x3], $0x10, s0, s14, $0xb8;
	[tilespmem:$0xA700] =	vst v63  }
0x61: {  	_ =	swait.ge [sflag:s12], $0x800  }
0x62: {  	[sflag:s12] =	ssyncset.done $0x0  }
0x63: {  	s0 =	sadd.s32 $0x2800, s28;
	[sflag:s12] =	ssyncadd.s32 $0xFFFFF800  }
0x64: {  	[spmem:s3] =	stream.indirect.scatter.add.f32 [tilespmem:s16], [sflag:$0x3], $0x10, s0, s14, $0xb8;
	[tilespmem:$0xA700] =	vst v63  }
0x65: {  	_ =	swait.ge [sflag:s12], $0x800  }
0x66: {  	[sflag:s12] =	ssyncset.done $0x0  }
0x67: {  	s0 =	sadd.s32 $0x2880, s28;
	[sflag:s12] =	ssyncadd.s32 $0xFFFFF800  }
0x68: {  	[spmem:s3] =	stream.indirect.scatter.add.f32 [tilespmem:s18], [sflag:$0x3], $0x10, s0, s14, $0xb8;
	[tilespmem:$0xA700] =	vst v63  }
0x69: {  	_ =	swait.ge [sflag:s12], $0x800  }
0x6a: {  	[sflag:s12] =	ssyncset.done $0x0  }
0x6b: {  	s0 =	sadd.s32 $0x300, s28;
	[sflag:s12] =	ssyncadd.s32 $0xFFFFF800  }
0x6c: {  	[tilespmem:s15], [sflag:$0x1] =	stream.indirect.gather [hbm4b:s2+s14], $0x10, s0, s14, $0xb8;
	[tilespmem:$0xA700] =	vst v63  }
0x6d: {  	s0 =	sadd.s32 $0x380, s28  }
0x6e: {  	[tilespmem:s16], [sflag:$0x1] =	stream.indirect.gather [hbm4b:s2+s14], $0x10, s0, s14, $0xb8;
	[tilespmem:$0xA700] =	vst v63  }
0x6f: {  	s0 =	sadd.s32 $0x400, s28  }
0x70: {  	[tilespmem:s18], [sflag:$0x1] =	stream.indirect.gather [hbm4b:s2+s14], $0x10, s0, s14, $0xb8;
	[tilespmem:$0xA700] =	vst v63  }
0x71: {  	_ =	swait.ge [sflag:s25], $0x1800  }
0x72: {  	[sflag:s25] =	ssyncset.done $0x0  }
0x73: {  	s0 =	sadd.s32 $0x2900, s28;
	[sflag:s25] =	ssyncadd.s32 $0xFFFFE800  }
0x74: {  	[spmem:s3] =	stream.indirect.scatter.add.f32 [tilespmem:s21], [sflag:$0x3], $0x10, s0, s14, $0xb8;
	[tilespmem:$0xA700] =	vst v63  }
0x75: {  	_ =	swait.ge [sflag:s12], $0x800  }
0x76: {  	[sflag:s12] =	ssyncset.done $0x0  }
0x77: {  	s0 =	sadd.s32 $0x2980, s28;
	[sflag:s12] =	ssyncadd.s32 $0xFFFFF800  }
0x78: {  	[spmem:s3] =	stream.indirect.scatter.add.f32 [tilespmem:s22], [sflag:$0x3], $0x10, s0, s14, $0xb8;
	[tilespmem:$0xA700] =	vst v63  }
0x79: {  	_ =	swait.ge [sflag:s12], $0x800  }
.Ltmp0:
0x7a: {  	[sflag:s12] =	ssyncset.done $0x0;
	(pc) =	sbr.rel @p1 .LBB2_2-.Ltmp0, $4  }
0x7b: {  	s0 =	sadd.s32 $0x2A00, s28;
	[sflag:s12] =	ssyncadd.s32 $0xFFFFF800  }
0x7c: {  	[spmem:s3] =	stream.indirect.scatter.add.f32 [tilespmem:s23], [sflag:$0x3], $0x10, s0, s14, $0xb8;
	[tilespmem:$0xA700] =	vst v63  }
0x7d: {  	_ =	swait.ge [sflag:s12], $0x800  }
0x7e: {  	s29 =	smov.u32 s31;
	s28 =	sshra.s32 s30, $0x2;
	[sflag:s12] =	ssyncset.done $0x0  }
0x7f: {  	s0 =	sadd.s32 $0x180, s28;
	[sflag:s12] =	ssyncadd.s32 $0xFFFFF800  }
0x80: {  	[tilespmem:s21], [sflag:$0x2] =	stream.indirect.gather [hbm4b:s2+s14], $0x10, s0, s14, $0xb8;
	[tilespmem:$0xA700] =	vst v63  }
0x81: {  	s31 =	sadd.s32 $0x200, s28  }
0x82: {  	[tilespmem:s22], [sflag:$0x2] =	stream.indirect.gather [hbm4b:s2+s14], $0x10, s31, s14, $0xb8;
	[tilespmem:$0xA700] =	vst v63  }
0x83: {  	s29 =	sadd.s32 $0x280, s28  }
0x84: {  	[tilespmem:s23], [sflag:$0x2] =	stream.indirect.gather [hbm4b:s2+s14], $0x10, s29, s14, $0xb8;
	[tilespmem:$0xA700] =	vst v63  }
0x85: {  	_ =	swait.ge [sflag:s24], $0x1800  }
0x86: {  	[sflag:s24] =	ssyncset.done $0x0  }
0x87: {  	s30 =	sadd.s32 $0x2780, s28;
	[sflag:s24] =	ssyncadd.s32 $0xFFFFE800  }
0x88: {  	[spmem:s3] =	stream.indirect.scatter.add.f32 [tilespmem:s15], [sflag:$0x3], $0x10, s30, s14, $0xb8;
	[tilespmem:$0xA700] =	vst v63  }
0x89: {  	_ =	swait.ge [sflag:s12], $0x800  }
0x8a: {  	[sflag:s12] =	ssyncset.done $0x0  }
0x8b: {  	s31 =	sadd.s32 $0x2800, s28;
	[sflag:s12] =	ssyncadd.s32 $0xFFFFF800  }
0x8c: {  	[spmem:s3] =	stream.indirect.scatter.add.f32 [tilespmem:s16], [sflag:$0x3], $0x10, s31, s14, $0xb8;
	[tilespmem:$0xA700] =	vst v63  }
0x8d: {  	_ =	swait.ge [sflag:s12], $0x800  }
0x8e: {  	[sflag:s12] =	ssyncset.done $0x0  }
0x8f: {  	s29 =	sadd.s32 $0x2880, s28;
	[sflag:s12] =	ssyncadd.s32 $0xFFFFF800  }
0x90: {  	[spmem:s3] =	stream.indirect.scatter.add.f32 [tilespmem:s18], [sflag:$0x3], $0x10, s29, s14, $0xb8;
	[tilespmem:$0xA700] =	vst v63  }
0x91: {  	_ =	swait.ge [sflag:s12], $0x800  }
0x92: {  	[sflag:s12] =	ssyncset.done $0x0  }
0x93: {  	s30 =	sadd.s32 $0x300, s28;
	[sflag:s12] =	ssyncadd.s32 $0xFFFFF800  }
0x94: {  	[tilespmem:s15], [sflag:$0x1] =	stream.indirect.gather [hbm4b:s2+s14], $0x10, s30, s14, $0xb8;
	[tilespmem:$0xA700] =	vst v63  }
0x95: {  	s31 =	sadd.s32 $0x380, s28  }
0x96: {  	[tilespmem:s16], [sflag:$0x1] =	stream.indirect.gather [hbm4b:s2+s14], $0x10, s31, s14, $0xb8;
	[tilespmem:$0xA700] =	vst v63  }
0x97: {  	s29 =	sadd.s32 $0x400, s28  }
0x98: {  	[tilespmem:s18], [sflag:$0x1] =	stream.indirect.gather [hbm4b:s2+s14], $0x10, s29, s14, $0xb8;
	[tilespmem:$0xA700] =	vst v63  }
0x99: {  	_ =	swait.ge [sflag:s25], $0x1800  }
0x9a: {  	[sflag:s25] =	ssyncset.done $0x0  }
0x9b: {  	s30 =	sadd.s32 $0x2900, s28;
	[sflag:s25] =	ssyncadd.s32 $0xFFFFE800  }
0x9c: {  	[spmem:s3] =	stream.indirect.scatter.add.f32 [tilespmem:s21], [sflag:$0x3], $0x10, s30, s14, $0xb8;
	[tilespmem:$0xA700] =	vst v63  }
0x9d: {  	_ =	swait.ge [sflag:s12], $0x800  }
0x9e: {  	[sflag:s12] =	ssyncset.done $0x0  }
0x9f: {  	s31 =	sadd.s32 $0x2980, s28;
	[sflag:s12] =	ssyncadd.s32 $0xFFFFF800  }
0xa0: {  	[spmem:s3] =	stream.indirect.scatter.add.f32 [tilespmem:s22], [sflag:$0x3], $0x10, s31, s14, $0xb8;
	[tilespmem:$0xA700] =	vst v63  }
0xa1: {  	_ =	swait.ge [sflag:s12], $0x800  }
0xa2: {  	[sflag:s12] =	ssyncset.done $0x0  }
0xa3: {  	s29 =	sadd.s32 $0x2A00, s28;
	[sflag:s12] =	ssyncadd.s32 $0xFFFFF800  }
0xa4: {  	[spmem:s3] =	stream.indirect.scatter.add.f32 [tilespmem:s23], [sflag:$0x3], $0x10, s29, s14, $0xb8;
	[tilespmem:$0xA700] =	vst v63  }
0xa5: {  	_ =	swait.ge [sflag:s12], $0x800  }
0xa6: {  	[sflag:s12] =	ssyncset.done $0x0  }
0xa7: {  	s30 =	simm.s32 $0x2580;
	[sflag:s12] =	ssyncadd.s32 $0xFFFFF800  }
0xa8: {  	[tilespmem:s21], [sflag:$0x2] =	stream.indirect.gather [hbm4b:s2+s14], $0x10, s30, s14, $0xb8;
	[tilespmem:$0xA700] =	vst v63  }
0xa9: {  	s31 =	simm.s32 $0x2600  }
0xaa: {  	[tilespmem:s22], [sflag:$0x2] =	stream.indirect.gather [hbm4b:s2+s14], $0x10, s31, s14, $0xb8;
	[tilespmem:$0xA700] =	vst v63  }
0xab: {  	s28 =	simm.s32 $0x2680  }
0xac: {  	[tilespmem:s23], [sflag:$0x2] =	stream.indirect.gather [hbm4b:s2+s14], $0x10, s28, s14, $0xb8;
	[tilespmem:$0xA700] =	vst v63  }
0xad: {  	_ =	swait.ge [sflag:s24], $0x1800  }
0xae: {  	[sflag:s24] =	ssyncset.done $0x0  }
0xaf: {  	s29 =	simm.s32 $0x4B80;
	[sflag:s24] =	ssyncadd.s32 $0xFFFFE800  }
0xb0: {  	[spmem:s3] =	stream.indirect.scatter.add.f32 [tilespmem:s15], [sflag:$0x3], $0x10, s29, s14, $0xb8;
	[tilespmem:$0xA700] =	vst v63  }
0xb1: {  	_ =	swait.ge [sflag:s12], $0x800  }
0xb2: {  	[sflag:s12] =	ssyncset.done $0x0  }
0xb3: {  	s30 =	simm.s32 $0x4C00;
	[sflag:s12] =	ssyncadd.s32 $0xFFFFF800  }
0xb4: {  	[spmem:s3] =	stream.indirect.scatter.add.f32 [tilespmem:s16], [sflag:$0x3], $0x10, s30, s14, $0xb8;
	[tilespmem:$0xA700] =	vst v63  }
0xb5: {  	_ =	swait.ge [sflag:s12], $0x800  }
0xb6: {  	[sflag:s12] =	ssyncset.done $0x0  }
0xb7: {  	s31 =	simm.s32 $0x4C80;
	[sflag:s12] =	ssyncadd.s32 $0xFFFFF800  }
0xb8: {  	[spmem:s3] =	stream.indirect.scatter.add.f32 [tilespmem:s18], [sflag:$0x3], $0x10, s31, s14, $0xb8;
	[tilespmem:$0xA700] =	vst v63  }
0xb9: {  	_ =	swait.ge [sflag:s12], $0x800  }
0xba: {  	[sflag:s12] =	ssyncset.done $0x0  }
0xbb: {  	[sflag:s12] =	ssyncadd.s32 $0xFFFFF800  }
0xbc: {  	_ =	swait.ge [sflag:s25], $0x1800  }
0xbd: {  	[sflag:s25] =	ssyncset.done $0x0  }
0xbe: {  	[sflag:s25] =	ssyncadd.s32 $0xFFFFE800  }
0xbf: {  	[spmem:s3] =	stream.indirect.scatter.add.f32 [tilespmem:s21], [sflag:$0x3], $0x10, s1, s14, $0xb8;
	[tilespmem:$0xA700] =	vst v63  }
0xc0: {  	_ =	swait.ge [sflag:s12], $0x800  }
0xc1: {  	[sflag:s12] =	ssyncset.done $0x0  }
0xc2: {  	[sflag:s12] =	ssyncadd.s32 $0xFFFFF800  }
0xc3: {  	[spmem:s3] =	stream.indirect.scatter.add.f32 [tilespmem:s22], [sflag:$0x3], $0x10, s13, s14, $0xb8;
	[tilespmem:$0xA700] =	vst v63  }
0xc4: {  	_ =	swait.ge [sflag:s12], $0x800  }
0xc5: {  	[sflag:s12] =	ssyncset.done $0x0  }
0xc6: {  	[sflag:s12] =	ssyncadd.s32 $0xFFFFF800  }
0xc7: {  	[spmem:s3] =	stream.indirect.scatter.add.f32 [tilespmem:s23], [sflag:$0x3], $0x10, s17, s14, $0xb8;
	[tilespmem:$0xA700] =	vst v63  }
0xc8: {  	_ =	swait.ge [sflag:s12], $0x800  }
0xc9: {  	s0 =	simm.s32 @!p0 $0x80;
	[sflag:s12] =	ssyncset.done $0x0  }
0xca: {  	s28 =	simm.s32 @!p0 $0x2700;
	s29 =	simm.s32 @!p0 $0x4F00;
	[sflag:s12] =	ssyncadd.s32 $0xFFFFF800  }
0xcb: {  	[tilespmem:s29], [sflag:$0x3] =	stream.indirect.gather @!p0 [hbm4b:s2+s0], $0x10, s28, s0, $0xb8;
	[tilespmem:$0xA700] =	vst v63  }
0xcc: {  	s28 =	simm.s32 @!p0 $0x3  }
0xcd: {  	_ =	swait.ge @!p0 [sflag:s28], $0x800  }
0xce: {  	[sflag:s28] =	ssyncset.done @!p0 $0x0  }
0xcf: {  	s30 =	simm.s32 @!p0 $0x4E80;
	[sflag:s28] =	ssyncadd.s32 @!p0 $0xFFFFF800  }
0xd0: {  	[spmem:s3] =	stream.indirect.scatter.add.f32 @!p0 [tilespmem:s29], [sflag:$0x3], $0x10, s30, s0, $0xb8;
	[tilespmem:$0xA700] =	vst v63  }
0xd1: {  	_ =	swait.ge @!p0 [sflag:s28], $0x800  }
0xd2: {  	s26 =	sadd.s32 $0x1, s26;
	[sflag:s28] =	ssyncset.done @!p0 $0x0  }
0xd3: {  	p1 =	sne.s32 s26, s11;
	[sflag:s28] =	ssyncadd.s32 @!p0 $0xFFFFF800  }
.Ltmp1:
0xd4: {  	[bflag:$0x0] =	sbarrier.arrive $0xFFFF;
	(pc) =	sbr.rel @p1 .LBB2_1-.Ltmp1, $4  }
0xd5: {  	[hbm:s10], [sflag:s19] =	dma.local [spmem:s20], $0x500  }
0xd6: {  	_ =	swait.ge [sflag:s12], $0x500  }
0xd7: {  	[sflag:s12] =	ssyncset.done $0x0  }
0xd8: {  	[sflag:s12] =	ssyncadd.s32 $0xFFFFFB00  }
0xd9: {  	_ =	sfence.sel $0x180000  }
0xda: {  	[bflag:$0x0] =	sbarrier.arrive $0xFFFF  }
0xdb: {  	_ =	strace $0x9000004D  }
0xdc: {  	s0 =	stileid.u32;
	[bflag:$0x2] =	sbarrier.arrive $0xFFFF  }
0xdd: {  	p0 =	sne.s32 s0, $0x0;
	s0 =	rddreg [dreg:$0x3]  }
0xde: {  	s0 =	sadd.s32 @!p0 $0x100000, s0  }
0xdf: {  	[sflag:s0] =	ssyncadd.tile.s32 @!p0 $0x1;
	_ =	shalt  }
.Lfunc_end2:
_tile_overlayer_lowered:
.L_overlay_start_2:
0xe0: {  	(tag) =	ssettag $0x2  }
0xe1: {  	s0 =	rddreg [dreg:$0x0];
	s2 =	stileid.u32  }
0xe2: {  	s1 =	rddreg [dreg:$0x1];
	p0 =	sne.s32 s2, $0x0  }
0xe3: {  	s3 =	rddreg [dreg:$0x2];
	[bflag:$0x3] =	sbarrier.arrive $0xFFFF;
	s2 =	simm.s32 @!p0 $0x1C03  }
0xe4: {  	[timem:s3], [sflag:s2] =	dma.local @!p0 [hbm:s0], s1  }
0xe5: {  	s0 =	simm.s32 @!p0 $0x3  }
0xe6: {  	_ =	swait.ge @!p0 [sflag:s0], s1  }
0xe7: {  	s1 =	ssub.s32 @!p0 $0x0, s1;
	[sflag:s0] =	ssyncset.done @!p0 $0x0  }
0xe8: {  	[sflag:s0] =	ssyncadd.s32 @!p0 s1  }
0xe9: {  	[bflag:$0x3] =	sbarrier.arrive $0xFFFF  }
0xea: {  	_ =	shalt  }

// kernel: kernel.8.cloned.1.call-start
scs
__scs_entry_jumppad:
0x0: {  	(pc) =	sbr.rel $0x88, $3  }
0x1: {  	(tag) =	ssettag $0x0;
	lr =	simm.s32 $0x1  }
0x2: {  	[smem:$0x3F9B] =	sst lr;
	_ =	strace $0xD0000000  }
0x3: {  	_ = 	snop  }
0x4: {  	_ = 	snop  }
0x5: {  	_ = 	snop  }
0x6: {  	_ = 	snop  }
0x7: {  	_ = 	snop  }
__scs_overlays_trampoline_lowered:
0x8: {  	[smem:$0x3FAA] =	sst s0  }
0x9: {  	[smem:$0x3FAB] =	sst s1  }
0xa: {  	[smem:$0x3FAC] =	sst s2  }
0xb: {  	[smem:$0x3FAD] =	sst s3  }
0xc: {  	[smem:$0x3FAE] =	sst s4  }
0xd: {  	[smem:$0x3FAF] =	sst s5  }
0xe: {  	[smem:$0x3FB0] =	sst s6  }
0xf: {  	[smem:$0x3FB1] =	sst s7  }
0x10: {  	[smem:$0x3FB2] =	sst s8  }
0x11: {  	[smem:$0x3FB3] =	sst s9;
	s0 =	simm.s32 @!p0 $0x0  }
0x12: {  	s1 =	sld [smem:$0x3F99];
	s0 =	simm.s32 @p0 $0x1  }
0x13: {  	[smem:$0x3FB4] =	sst s0;
	s0 =	simm.s32 @!p1 $0x0  }
0x14: {  	s2 =	sld [smem:$0x3F98];
	s0 =	simm.s32 @p1 $0x1  }
0x15: {  	[smem:$0x3FB5] =	sst s0;
	s0 =	simm.s32 @!p2 $0x0  }
0x16: {  	s3 =	sld [smem:$0x3FDB];
	s0 =	simm.s32 @p2 $0x1  }
0x17: {  	s4 =	simm.s32 $0x1BF5;
	[smem:$0x3FB7] =	sst s0  }
0x18: {  	s0 =	sld [smem:$0x3F9A];
	_ =	swait.ge [sflag:s4], $0x0  }
0x19: {  	s7 =	sld [smem:$0x3F9B]  }
0x1a: {  	s8 =	sadd.s32 $0xFFFFE003, lr  }
0x1b: {  	s9 =	sadd.s32 $0xFFFFFEF7, lr;
	s5 =	simm.s32 $0xFFFFFFFF;
	p2 =	slt.u32 s8, $0xFFFFF086  }
0x1c: {  	p1 =	slt.u32 s9, $0xF7A;
	s5 =	simm.s32 @!p2 $0x0  }
0x1d: {  	s5 =	simm.s32 @p1 $0x1;
	p0 =	seq.s32 s7, s2  }
0x1e: {  	s7 =	smul.u32 @!p0 $0xF7A, s2;
	p2 =	seq.s32 @!p0 s5, $0x0  }
0x1f: {  	s9 =	smul.u32 $0xF7A, s1;
	s8 =	simm.s32 @!p0 $0x1BF5;
	p2 =	por !p2, p0  }
0x20: {  	[sflag:s8] =	ssyncset.s32 @!p0 $0xFFFFF086;
	s6 =	sadd.s32 @!p0 s3, s7;
	s7 =	simm.s32 @!p0 $0x108  }
0x21: {  	s3 =	sadd.s32 s3, s9;
	s6 =	sadd.s32 @!p0 $0x88, s6;
	s7 =	simm.s32 @p2 $0x1082  }
0x22: {  	[simem:s7], [sflag:s8] =	dma.local @!p0 [hbm:s6], $0xF7A  }
0x23: {  	s9 =	sor.u32 $0xD0000000, s2;
	s6 =	simm.s32 $0x108;
	_ =	swait.ge @!p0 [sflag:s8], $0x0  }
0x24: {  	s3 =	sadd.s32 $0x88, s3;
	s6 =	simm.s32 @!p1 $0x1082;
	[sflag:s4] =	ssyncset.s32 $0xFFFFF086  }
0x25: {  	[simem:s6], [sflag:s4] =	dma.local [hbm:s3], $0xF7A  }
0x26: {  	[smem:$0x3F9B] =	sst s1;
	(tag) =	ssettag s2;
	_ =	strace s9  }
0x27: {  	s1 =	sld [smem:$0x3FAB]  }
0x28: {  	s2 =	sld [smem:$0x3FAC]  }
0x29: {  	s4 =	sld [smem:$0x3FAE]  }
0x2a: {  	p0 =	seq.s32 s5, $0x0;
	s5 =	sld [smem:$0x3FAF]  }
0x2b: {  	s6 =	sld [smem:$0x3FB0]  }
0x2c: {  	s7 =	sld [smem:$0x3FB1]  }
0x2d: {  	s3 =	simm.s32 $0x108;
	s8 =	sld [smem:$0x3FB2]  }
0x2e: {  	s3 =	simm.s32 @!p0 $0x1082;
	s9 =	sld [smem:$0x3FB3]  }
0x2f: {  	lr =	sadd.s32 s0, s3;
	s0 =	sld [smem:$0x3FAA]  }
0x30: {  	s3 =	sld [smem:$0x3FAD]  }
0x31: {  	[smem:$0x3FB6] =	sst s10  }
0x32: {  	s10 =	sld [smem:$0x3FB4];
	_ =	sdelay $0x3  }
0x33: {  	p0 =	seq.s32 s10, $0x1;
	s10 =	sld [smem:$0x3FB6];
	_ =	sdelay $0x3  }
0x34: {  	[smem:$0x3FB6] =	sst s10  }
0x35: {  	s10 =	sld [smem:$0x3FB5];
	_ =	sdelay $0x3  }
0x36: {  	p1 =	seq.s32 s10, $0x1;
	s10 =	sld [smem:$0x3FB6];
	_ =	sdelay $0x3  }
0x37: {  	[smem:$0x3FB6] =	sst s10  }
0x38: {  	s10 =	sld [smem:$0x3FB7]  }
0x39: {  	_ = 	snop;
	(pc) =	sbr.ind lr, $3  }
0x3a: {  	_ = 	snop  }
0x3b: {  	_ = 	snop  }
0x3c: {  	p2 =	seq.s32 s10, $0x1;
	s10 =	sld [smem:$0x3FB6]  }
0x3d: {  	_ =	shalt  }
0x3e: {  	_ =	shalt  }
0x3f: {  	_ =	shalt  }
0x40: {  	_ =	shalt  }
0x41: {  	_ =	shalt  }
0x42: {  	_ =	shalt  }
0x43: {  	_ =	shalt  }
0x44: {  	_ =	shalt  }
0x45: {  	_ =	shalt  }
0x46: {  	_ =	shalt  }
0x47: {  	_ =	shalt  }
0x48: {  	_ =	shalt  }
0x49: {  	_ =	shalt  }
0x4a: {  	_ =	shalt  }
0x4b: {  	_ =	shalt  }
0x4c: {  	_ =	shalt  }
0x4d: {  	_ =	shalt  }
0x4e: {  	_ =	shalt  }
0x4f: {  	_ =	shalt  }
0x50: {  	_ =	shalt  }
0x51: {  	_ =	shalt  }
0x52: {  	_ =	shalt  }
0x53: {  	_ =	shalt  }
0x54: {  	_ =	shalt  }
0x55: {  	_ =	shalt  }
0x56: {  	_ =	shalt  }
0x57: {  	_ =	shalt  }
0x58: {  	_ =	shalt  }
0x59: {  	_ =	shalt  }
0x5a: {  	_ =	shalt  }
0x5b: {  	_ =	shalt  }
0x5c: {  	_ =	shalt  }
0x5d: {  	_ =	shalt  }
0x5e: {  	_ =	shalt  }
0x5f: {  	_ =	shalt  }
0x60: {  	_ =	shalt  }
0x61: {  	_ =	shalt  }
0x62: {  	_ =	shalt  }
0x63: {  	_ =	shalt  }
0x64: {  	_ =	shalt  }
0x65: {  	_ =	shalt  }
0x66: {  	_ =	shalt  }
0x67: {  	_ =	shalt  }
0x68: {  	_ =	shalt  }
0x69: {  	_ =	shalt  }
0x6a: {  	_ =	shalt  }
0x6b: {  	_ =	shalt  }
0x6c: {  	_ =	shalt  }
0x6d: {  	_ =	shalt  }
0x6e: {  	_ =	shalt  }
0x6f: {  	_ =	shalt  }
0x70: {  	_ =	shalt  }
0x71: {  	_ =	shalt  }
0x72: {  	_ =	shalt  }
0x73: {  	_ =	shalt  }
0x74: {  	_ =	shalt  }
0x75: {  	_ =	shalt  }
0x76: {  	_ =	shalt  }
0x77: {  	_ =	shalt  }
0x78: {  	_ =	shalt  }
0x79: {  	_ =	shalt  }
0x7a: {  	_ =	shalt  }
0x7b: {  	_ =	shalt  }
0x7c: {  	_ =	shalt  }
0x7d: {  	_ =	shalt  }
0x7e: {  	_ =	shalt  }
0x7f: {  	_ =	shalt  }
0x80: {  	_ =	shalt  }
0x81: {  	_ =	shalt  }
0x82: {  	_ =	shalt  }
0x83: {  	_ =	shalt  }
0x84: {  	_ =	shalt  }
0x85: {  	_ =	shalt  }
0x86: {  	_ =	shalt  }
0x87: {  	_ =	shalt  }
.Lfunc_end0:
.L_simem_size_0:
called_computation_lowered:
.L_overlay_start_0:
0x88: {  	s2 =	sld [smem:$0x3FD9]  }
0x89: {  	s3 =	sld [smem:$0x3FFE];
	_ =	sdelay $0x1  }
0x8a: {  	s1 =	srdreg.scid  }
0x8b: {  	s0 =	sand.u32 $0x1, s1  }
0x8c: {  	s17 =	sshll.u32 s0, $0xA;
	s2 =	sadd.s32 s3, s2  }
0x8d: {  	s2 =	sadd.s32 s2, s17  }
0x8e: {  	[smem:$0x3FC2] =	sst s2  }
0x8f: {  	_ = 	snop  }
0x90: {  	s2 =	sld [smem:$0x3FD0];
	(tm) =	ssettm $0x1  }
0x91: {  	s18 =	sld [smem:$0x3FFB];
	_ =	sdelay $0x3  }
0x92: {  	_ =	strace s18  }
0x93: {  	s3 =	sld [smem:$0x3FFC];
	_ =	sdelay $0x3  }
0x94: {  	_ =	strace s3  }
0x95: {  	s3 =	sld [smem:$0x3FFD];
	_ =	sdelay $0x3  }
0x96: {  	_ =	strace s3  }
0x97: {  	_ =	strace $0x8FFFFFFF  }
0x98: {  	s19 =	sld [smem:$0x3FDB];
	_ =	sdelay $0x1  }
0x99: {  	s4 =	simm.s32 $_scs_section_size  }
0x9a: {  	s5 =	simm.s32 $_size__tile_overlayer_lowered;
	s6 =	simm.s32 $_tile_overlayer_lowered  }
0x9b: {  	s22 =	simm.s32 $0x1BFF;
	s21 =	sshll.u32 s6, $0x1;
	s3 =	sadd.s32 s4, s19  }
0x9c: {  	s7 =	simm.s32 $0x0;
	s20 =	sshll.u32 s5, $0x1;
	s5 =	sadd.s32 s21, s3  }
0x9d: {  	[timem:s7], [sflag:s22] =	dma.local [hbm:s5], s20  }
0x9e: {  	_ =	swait.ge [sflag:s22], s20  }
0x9f: {  	s4 =	ssub.s32 $0x0, s20;
	[sflag:s22] =	ssyncset.done $0x0  }
0xa0: {  	[sflag:s22] =	ssyncadd.s32 s4;
	_ =	sdelay $0x1  }
0xa1: {  	s23 =	simm.s32 $0x1B8B  }
0xa2: {  	_ =	swait.ge [sflag:s23], $0x1  }
0xa3: {  	[sflag:s23] =	ssyncset.done $0x0  }
0xa4: {  	s25 =	simm.s32 $0x1B8E;
	s24 =	sld [smem:$0x3FFE];
	[sflag:s23] =	ssyncadd.s32 $0xFFFFFFFF  }
0xa5: {  	s26 =	simm.s32 $execute0_lowered;
	[smem:$0x3FD2] =	sst s25  }
0xa6: {  	s5 =	sshll.u32 s26, $0x1;
	_ =	strace $0x80000046;
	[dreg:$0x1] =	wrdreg $0xFFFFFFFF  }
0xa7: {  	s28 =	simm.s32 $_size_execute0_lowered;
	s3 =	sadd.s32 s3, s5;
	[dreg:$0x0] =	wrdreg $0x0  }
0xa8: {  	s5 =	sshll.u32 s28, $0x1;
	[dreg:$0x2] =	wrdreg s3  }
0xa9: {  	[dreg:$0x3] =	wrdreg s5  }
0xaa: {  	[dreg:$0x4] =	wrdreg $0xC0  }
0xab: {  	_ =	task [dreg:s7], $0x5FFFF  }
0xac: {  	[dreg:$0x1] =	wrdreg $0xFFFFFFFF  }
0xad: {  	[dreg:$0x0] =	wrdreg $0x60  }
0xae: {  	[dreg:$0x2] =	wrdreg s24  }
0xaf: {  	[dreg:$0x3] =	wrdreg s2  }
0xb0: {  	[dreg:$0x4] =	wrdreg $0x2B800  }
0xb1: {  	[dreg:$0x5] =	wrdreg $0x9  }
0xb2: {  	_ =	task.clear_ibuf [dreg:s7], $0x6FFFF;
	_ =	strace $0x90000046  }
0xb3: {  	s29 =	simm.s32 $0x9;
	_ =	strace $0x80000048  }
0xb4: {  	_ =	swait.ge [sflag:s29], $0x1  }
0xb5: {  	[sflag:s29] =	ssyncadd.s32 $0xFFFFFFFF  }
0xb6: {  	_ =	strace $0x90000048  }
0xb7: {  	_ =	sfence  }
0xb8: {  	s30 =	sld [smem:$0x0];
	_ =	sdelay $0x2  }
0xb9: {  	s31 =	sshll.u32 s1, $0xD;
	s1 =	sshrl.u32 s1, $0x2  }
0xba: {  	s3 =	sand.u32 $0x4000, s31;
	s1 =	sadd.s32 s1, s30  }
0xbb: {  	s0 =	sor.u32 s3, s0;
	s1 =	sshll.u32 s1, $0x11  }
0xbc: {  	s0 =	sor.u32 s1, s0  }
0xbd: {  	s0 =	sadd.s32 $0x8F2B, s0  }
0xbe: {  	[sflag:s0] =	ssyncadd.remote.s32 $0x1  }
0xbf: {  	_ =	sfence.sel $0xFFFF  }
0xc0: {  	[dreg:$0x0] =	wrdreg $0xFFFFFFFF;
	(pc) =	sbr.abs _section_cstart, $3  }
0xc1: {  	[dreg:$0x1] =	wrdreg $0xFFFFFFFF  }
0xc2: {  	_ =	task.clear_ibuf [dreg:s7], $0x2FFFF;
	_ =	strace $0x9FFFFFFF  }
0xc3: {  	(tm) =	ssettm $0x7FFFFFFF  }
tec
execute0_lowered:
.L_overlay_start_1:
0x0: {  	(tag) =	ssettag $0x1  }
0x1: {  	s6 =	rddreg [dreg:$0x0]  }
0x2: {  	s2 =	rddreg [dreg:$0x1]  }
0x3: {  	s3 =	rddreg [dreg:$0x2]  }
0x4: {  	s0 =	rddreg [dreg:$0x3];
	s5 =	srdreg.scid  }
0x5: {  	s1 =	stileid.u32;
	s4 =	simm.s32 $0x0;
	s15 =	simm.s32 $0x0  }
0x6: {  	s7 =	sand.u32 $0x1, s5;
	s8 =	smul.u32 $0x1400, s1;
	[smem:$0x7FF] =	sst s4  }
0x7: {  	s10 =	sadd.s32 $0x1A00, s6;
	s11 =	sshll.u32 s1, $0x1;
	s5 =	sadd.s32 $0x15600, s6  }
0x8: {  	p0 =	sgt.u32 s1, $0x1;
	s31 =	sshll.u32 s1, $0x6;
	s9 =	smul.u32 $0x14000, s7  }
0x9: {  	_ =	strace $0x80000047;
	s11 =	sor.u32 s7, s11;
	s7 =	ssub.s32 $0x2, s7  }
0xa: {  	s12 =	smul.u32 $0x4E0, s11;
	s29 =	sshrl.u32 s7, $0x1;
	s11 =	sshll.u32 s11, $0x4  }
0xb: {  	s14 =	sadd.s32 s8, s3;
	s9 =	sadd.s32 s8, s9;
	s13 =	ssub.s32 s7, s29  }
0xc: {  	s30 =	sadd.s32 s11, s10;
	s11 =	simm.s32 $0x2780;
	s9 =	sshrl.u32 s9, $0x3  }
0xd: {  	s7 =	sadd.s32 $0x9C00, s30;
	s9 =	sadd.s32 s9, s6;
	s6 =	sadd.s32 s10, s12  }
0xe: {  	s10 =	simm.s32 $0x1;
	s12 =	sor.u32 $0x1C01, s31;
	s8 =	sadd.s32 $0x15800, s9  }
0xf: {  	s9 =	smax.u32 s13, $0x1;
	s13 =	sshrl.u32 s14, $0x3;
	s14 =	simm.s32 $0x80  }
.LBB2_1:
0x10: {  	[tilespmem:s4], [sflag:$0x1] =	stream.linear.gather [hbm4b:s6+s4], $0x2700, $0x38;
	[tilespmem:$0x3580] =	vst v63  }
0x11: {  	_ =	swait.ge [sflag:s10], $0x2700  }
0x12: {  	[sflag:s10] =	ssyncset.done $0x0  }
0x13: {  	s16 =	simm.s32 @!p0 $0x0;
	s17 =	simm.s32 @!p0 $0x2700;
	[sflag:s10] =	ssyncadd.s32 $0xFFFFD900  }
0x14: {  	[tilespmem:s17], [sflag:$0x1] =	stream.linear.gather @!p0 [hbm4b:s7+s16], $0x80, $0x38;
	[tilespmem:$0x3580] =	vst v63  }
0x15: {  	s16 =	simm.s32 @!p0 $0x1  }
0x16: {  	_ =	swait.ge @!p0 [sflag:s16], $0x80  }
0x17: {  	[sflag:s16] =	ssyncset.done @!p0 $0x0  }
0x18: {  	[sflag:s16] =	ssyncadd.s32 @!p0 $0xFFFFFF80  }
0x19: {  	[tilespmem:s11], [sflag:$0x1] =	stream.linear.gather [hbm4b:s5+s4], $0x400, $0x38;
	[tilespmem:$0x3580] =	vst v63  }
0x1a: {  	_ =	swait.ge [sflag:s10], $0x400  }
0x1b: {  	[sflag:s10] =	ssyncset.done $0x0  }
0x1c: {  	[sflag:s10] =	ssyncadd.s32 $0xFFFFFC00  }
0x1d: {  	[spmem:s13], [sflag:s12] =	dma.local [hbm:s2], $0x280  }
0x1e: {  	_ =	swait.ge [sflag:s10], $0x280  }
0x1f: {  	[sflag:s10] =	ssyncset.done $0x0  }
0x20: {  	[sflag:s10] =	ssyncadd.s32 $0xFFFFFD80  }
0x21: {  	s31 =	simm.s32 $0x0;
	[bflag:$0x0] =	sbarrier.arrive $0xFFFF  }
0x22: {  	[spmem:s3] =	stream.indirect.scatter.add.f32 [tilespmem:s11], [sflag:$0x1], $0x4, s31, s14, $0xb8;
	[tilespmem:$0x3580] =	vst v63  }
0x23: {  	_ =	swait.ge [sflag:s10], $0x200  }
0x24: {  	s16 =	simm.s32 $0x200;
	[sflag:s10] =	ssyncset.done $0x0  }
.LBB2_2:
0x25: {  	s17 =	sshra.s32 s16, $0x2;
	[sflag:s10] =	ssyncadd.s32 $0xFFFFFE00;
	p1 =	sne.s32 s16, $0x9A00  }
0x26: {  	[spmem:s3] =	stream.indirect.scatter.add.f32 [tilespmem:s11], [sflag:$0x1], $0x4, s17, s14, $0xb8;
	[tilespmem:$0x3580] =	vst v63  }
.Ltmp0:
0x27: {  	_ = 	snop;
	(pc) =	sbr.rel @p1 .LBB2_2-.Ltmp0, $4  }
0x28: {  	_ = 	snop  }
0x29: {  	s16 =	sadd.s32 $0x200, s16  }
0x2a: {  	_ =	swait.ge [sflag:s10], $0x200  }
0x2b: {  	[sflag:s10] =	ssyncset.done $0x0  }
0x2c: {  	[sflag:s10] =	ssyncadd.s32 $0xFFFFFE00  }
0x2d: {  	s16 =	simm.s32 @!p0 $0x80;
	s17 =	simm.s32 @!p0 $0x2700;
	s18 =	simm.s32 @!p0 $0x2780  }
0x2e: {  	[spmem:s3] =	stream.indirect.scatter.add.f32 @!p0 [tilespmem:s18], [sflag:$0x1], $0x4, s17, s16, $0xb8;
	[tilespmem:$0x3580] =	vst v63  }
0x2f: {  	s16 =	simm.s32 @!p0 $0x1  }
0x30: {  	_ =	swait.ge @!p0 [sflag:s16], $0x200  }
0x31: {  	s15 =	sadd.s32 $0x1, s15;
	[sflag:s16] =	ssyncset.done @!p0 $0x0  }
0x32: {  	p1 =	sne.s32 s15, s9;
	[sflag:s16] =	ssyncadd.s32 @!p0 $0xFFFFFE00  }
.Ltmp1:
0x33: {  	[bflag:$0x0] =	sbarrier.arrive $0xFFFF;
	(pc) =	sbr.rel @p1 .LBB2_1-.Ltmp1, $4  }
0x34: {  	[hbm:s8], [sflag:s12] =	dma.local [spmem:s13], $0x280  }
0x35: {  	_ =	swait.ge [sflag:s10], $0x280  }
0x36: {  	[sflag:s10] =	ssyncset.done $0x0  }
0x37: {  	[sflag:s10] =	ssyncadd.s32 $0xFFFFFD80  }
0x38: {  	_ =	sfence.sel $0x180000  }
0x39: {  	[bflag:$0x0] =	sbarrier.arrive $0xFFFF  }
0x3a: {  	p0 =	sne.s32 s1, $0x0;
	_ =	strace $0x90000047  }
0x3b: {  	s0 =	sadd.s32 @!p0 $0x100000, s0;
	[bflag:$0x2] =	sbarrier.arrive $0xFFFF  }
0x3c: {  	[sflag:s0] =	ssyncadd.tile.s32 @!p0 $0x1;
	_ =	shalt  }
.Lfunc_end2:
_tile_overlayer_lowered:
.L_overlay_start_2:
0x3d: {  	(tag) =	ssettag $0x2  }
0x3e: {  	s0 =	rddreg [dreg:$0x0];
	s2 =	stileid.u32  }
0x3f: {  	s1 =	rddreg [dreg:$0x1];
	p0 =	sne.s32 s2, $0x0  }
0x40: {  	s3 =	rddreg [dreg:$0x2];
	[bflag:$0x3] =	sbarrier.arrive $0xFFFF;
	s2 =	simm.s32 @!p0 $0x1C01  }
0x41: {  	[timem:s3], [sflag:s2] =	dma.local @!p0 [hbm:s0], s1  }
0x42: {  	s0 =	simm.s32 @!p0 $0x1  }
0x43: {  	_ =	swait.ge @!p0 [sflag:s0], s1  }
0x44: {  	s1 =	ssub.s32 @!p0 $0x0, s1;
	[sflag:s0] =	ssyncset.done @!p0 $0x0  }
0x45: {  	[sflag:s0] =	ssyncadd.s32 @!p0 s1  }
0x46: {  	[bflag:$0x3] =	sbarrier.arrive $0xFFFF  }
0x47: {  	_ =	shalt  }

</sc_bundles>
